<compile_context>
chip_gen: v7x
topology: tpu7x:2x2x1
jax: 0.10.2.dev20260603
libtpu: 0.0.44.dev20260713+nightly
codegen_flags: <defaults>
</compile_context>

<pallas_src>
import functools

import jax
import jax.numpy as jnp
from jax import lax
from jax.experimental import pallas as pl
from jax.experimental.pallas import tpu as pltpu
from jax.experimental.pallas import tpu_sc as plsc

_N = 10000
_E = 320000
_D = 128
_NC = 10
_NG = 128

_NPAD = 10240
_CHUNK = 128
_BLK = 16
_K0 = 144
_K1 = 16
_EP = 16 * (_K0 + _K1) * _CHUNK
_ROWS_PER_TILE = _NPAD // 16

_BR = 400
_GRID = _N // _BR


def _build_agg():
    mesh = plsc.VectorSubcoreMesh(core_axis_name="c", subcore_axis_name="s",
                                  num_cores=2, num_subcores=16)

    @functools.partial(
        pl.kernel,
        out_type=jax.ShapeDtypeStruct((2 * _NPAD, _D), jnp.float32),
        mesh=mesh,
        scratch_types=[
            pltpu.VMEM((_CHUNK, _D), jnp.float32),
            pltpu.VMEM((_CHUNK, _D), jnp.float32),
            pltpu.VMEM((_BLK, _CHUNK), jnp.int32),
            pltpu.VMEM((_BLK, _CHUNK), jnp.int32),
            pltpu.VMEM_SHARED((_NPAD, _D), jnp.float32),
            pltpu.SemaphoreType.DMA,
            pltpu.SemaphoreType.DMA,
        ],
    )
    def agg(h_hbm, src_hbm, dst_hbm, zeros_hbm, out_hbm,
            buf0, buf1, sidx_v, didx_v, acc_sh, sem_g, sem_s):
        c = lax.axis_index("c")
        s = lax.axis_index("s")
        my_base = s * _ROWS_PER_TILE
        bufs = (buf0, buf1)

        pltpu.sync_copy(zeros_hbm, buf0)
        zws = [pltpu.async_copy(
                   buf0, acc_sh.at[pl.ds(my_base + j * _CHUNK, _CHUNK)], sem_s)
               for j in range(_ROWS_PER_TILE // _CHUNK)]
        for zw in zws:
            zw.wait()
        plsc.subcore_barrier()

        row_base = jnp.where(c == 0, s * _K0, 16 * _K0 + s * _K1)
        nblk = jnp.where(c == 0, _K0 // _BLK, _K1 // _BLK)

        def start_gather(ci, buf):
            pltpu.async_copy(h_hbm.at[sidx_v.at[ci]], buf, sem_g)

        def wait_gather(ci, buf):
            pltpu.make_async_copy(h_hbm.at[sidx_v.at[ci]], buf, sem_g).wait()

        def scatter_cp(ci, buf):
            return pltpu.make_async_copy(buf, acc_sh.at[didx_v.at[ci]], sem_s)

        def block_body(bi, bcarry):
            rb = row_base + bi * _BLK
            pltpu.sync_copy(src_hbm.at[pl.ds(rb, _BLK)], sidx_v)
            pltpu.sync_copy(dst_hbm.at[pl.ds(rb, _BLK)], didx_v)
            start_gather(0, buf0)

            def step(t, carry):
                for b in range(2):
                    ci = 2 * t + b
                    buf = bufs[b]
                    other = bufs[1 - b]
                    wait_gather(ci, buf)
                    if b == 0:
                        @pl.when(t > 0)
                        def _():
                            scatter_cp(ci - 1, other).wait()
                        start_gather(ci + 1, other)
                    else:
                        scatter_cp(ci - 1, other).wait()

                        @pl.when(t < _BLK // 2 - 1)
                        def _():
                            start_gather(ci + 1, other)
                    pltpu.async_copy(buf, acc_sh.at[didx_v.at[ci]],
                                     sem_s, add=True)
                return carry

            lax.fori_loop(0, _BLK // 2, step, 0)
            scatter_cp(_BLK - 1, buf1).wait()
            return bcarry

        lax.fori_loop(0, nblk, block_body, 0)
        plsc.subcore_barrier()

        out_base = c * _NPAD + my_base
        nco = _ROWS_PER_TILE // _CHUNK
        hr = {}
        hw = {}
        hr[0] = pltpu.async_copy(acc_sh.at[pl.ds(my_base, _CHUNK)], buf0, sem_g)
        for j in range(nco):
            bj = bufs[j % 2]
            hr[j].wait()
            if j + 1 < nco:
                if j - 1 >= 0:
                    hw[j - 1].wait()
                hr[j + 1] = pltpu.async_copy(
                    acc_sh.at[pl.ds(my_base + (j + 1) * _CHUNK, _CHUNK)],
                    bufs[(j + 1) % 2], sem_g)
            hw[j] = pltpu.async_copy(
                bj, out_hbm.at[pl.ds(out_base + j * _CHUNK, _CHUNK)], sem_s)
        hw[nco - 2].wait()
        hw[nco - 1].wait()

    return agg


@functools.cache
def _agg_fn():
    return _build_agg()


def _stage_a_body(eps_ref, h_ref, agg_ref, w_ref, b_ref, y_ref, st_ref):
    e = eps_ref[0, 0]
    z = (1.0 + e) * h_ref[...] + agg_ref[0] + agg_ref[1]
    y = jnp.dot(z, w_ref[...], preferred_element_type=jnp.float32) + b_ref[...]
    y_ref[...] = y

    @pl.when(pl.program_id(0) == 0)
    def _():
        st_ref[...] = jnp.zeros_like(st_ref)

    upd = jnp.concatenate(
        [jnp.sum(y, axis=0)[None, :], jnp.sum(y * y, axis=0)[None, :],
         jnp.zeros((6, _D), jnp.float32)], axis=0)
    st_ref[...] += upd


def _stage_a(eps, h, aggp, w1, b1):
    return pl.pallas_call(
        _stage_a_body,
        grid=(_GRID,),
        in_specs=[
            pl.BlockSpec(memory_space=pltpu.SMEM),
            pl.BlockSpec((_BR, _D), lambda i: (i, 0)),
            pl.BlockSpec((2, _BR, _D), lambda i: (0, i, 0)),
            pl.BlockSpec((_D, _D), lambda i: (0, 0)),
            pl.BlockSpec((1, _D), lambda i: (0, 0)),
        ],
        out_specs=[
            pl.BlockSpec((_BR, _D), lambda i: (i, 0)),
            pl.BlockSpec((8, _D), lambda i: (0, 0)),
        ],
        out_shape=[
            jax.ShapeDtypeStruct((_N, _D), jnp.float32),
            jax.ShapeDtypeStruct((8, _D), jnp.float32),
        ],
    )(eps, h, aggp, w1, b1)


def _norm_consts(st_ref, g_ref, be_ref):
    mean = st_ref[0, :] * (1.0 / _N)
    var = st_ref[1, :] * (1.0 / _N) - mean * mean
    rstd = lax.rsqrt(var + 1e-5)
    scale = g_ref[0, :] * rstd
    shift = be_ref[0, :] - mean * scale
    return scale, shift


def _stage_b_body(st_ref, g_ref, be_ref, y1_ref, w_ref, b_ref, y2_ref, st2_ref):
    scale, shift = _norm_consts(st_ref, g_ref, be_ref)
    t = jnp.maximum(y1_ref[...] * scale[None, :] + shift[None, :], 0.0)
    y = jnp.dot(t, w_ref[...], preferred_element_type=jnp.float32) + b_ref[...]
    y2_ref[...] = y

    @pl.when(pl.program_id(0) == 0)
    def _():
        st2_ref[...] = jnp.zeros_like(st2_ref)

    upd = jnp.concatenate(
        [jnp.sum(y, axis=0)[None, :], jnp.sum(y * y, axis=0)[None, :],
         jnp.zeros((6, _D), jnp.float32)], axis=0)
    st2_ref[...] += upd


def _stage_b(st1, g1, be1, y1, w2, b2):
    return pl.pallas_call(
        _stage_b_body,
        grid=(_GRID,),
        in_specs=[
            pl.BlockSpec((8, _D), lambda i: (0, 0)),
            pl.BlockSpec((1, _D), lambda i: (0, 0)),
            pl.BlockSpec((1, _D), lambda i: (0, 0)),
            pl.BlockSpec((_BR, _D), lambda i: (i, 0)),
            pl.BlockSpec((_D, _D), lambda i: (0, 0)),
            pl.BlockSpec((1, _D), lambda i: (0, 0)),
        ],
        out_specs=[
            pl.BlockSpec((_BR, _D), lambda i: (i, 0)),
            pl.BlockSpec((8, _D), lambda i: (0, 0)),
        ],
        out_shape=[
            jax.ShapeDtypeStruct((_N, _D), jnp.float32),
            jax.ShapeDtypeStruct((8, _D), jnp.float32),
        ],
    )(st1, g1, be1, y1, w2, b2)


def _stage_c_body(st_ref, g_ref, be_ref, y_ref, h_ref):
    scale, shift = _norm_consts(st_ref, g_ref, be_ref)
    h_ref[...] = jnp.maximum(y_ref[...] * scale[None, :] + shift[None, :], 0.0)


def _stage_c(st2, g2, be2, y2):
    return pl.pallas_call(
        _stage_c_body,
        grid=(_GRID,),
        in_specs=[
            pl.BlockSpec((8, _D), lambda i: (0, 0)),
            pl.BlockSpec((1, _D), lambda i: (0, 0)),
            pl.BlockSpec((1, _D), lambda i: (0, 0)),
            pl.BlockSpec((_BR, _D), lambda i: (i, 0)),
        ],
        out_specs=pl.BlockSpec((_BR, _D), lambda i: (i, 0)),
        out_shape=jax.ShapeDtypeStruct((_N, _D), jnp.float32),
    )(st2, g2, be2, y2)


def _pool_body(gi_ref, h0, h1, h2, h3, w0, w1, w2, w3, out_ref):
    g = gi_ref[0, 0, :]
    s = (jnp.dot(h0[...], w0[...], preferred_element_type=jnp.float32)
         + jnp.dot(h1[...], w1[...], preferred_element_type=jnp.float32)
         + jnp.dot(h2[...], w2[...], preferred_element_type=jnp.float32)
         + jnp.dot(h3[...], w3[...], preferred_element_type=jnp.float32))
    gids = lax.broadcasted_iota(jnp.int32, (_BR, _NG), 1)
    onehot = (g[:, None] == gids).astype(jnp.float32)
    contrib = lax.dot_general(onehot, s, (((0,), (0,)), ((), ())),
                              preferred_element_type=jnp.float32)

    @pl.when(pl.program_id(0) == 0)
    def _():
        out_ref[...] = jnp.zeros_like(out_ref)

    out_ref[...] += contrib


def _pool(gi3, hs, wcs):
    hspec = pl.BlockSpec((_BR, _D), lambda i: (i, 0))
    wspec = pl.BlockSpec((_D, _NC), lambda i: (0, 0))
    return pl.pallas_call(
        _pool_body,
        grid=(_GRID,),
        in_specs=[pl.BlockSpec((1, 1, _BR), lambda i: (i, 0, 0))]
        + [hspec] * 4 + [wspec] * 4,
        out_specs=pl.BlockSpec((_NG, _NC), lambda i: (0, 0)),
        out_shape=jax.ShapeDtypeStruct((_NG, _NC), jnp.float32),
    )(gi3, *hs, *wcs)


def kernel(x, edge_index, gi, ng, layers, clfs):
    dst = edge_index[0]
    src = edge_index[1]
    pad = _EP - _E
    src_p = jnp.concatenate(
        [src, jnp.zeros((pad,), jnp.int32)]).reshape(_EP // _CHUNK, _CHUNK)
    dst_p = jnp.concatenate(
        [dst, _N + jnp.arange(pad, dtype=jnp.int32) % (_NPAD - _N)]
    ).reshape(_EP // _CHUNK, _CHUNK)
    zeros128 = jnp.zeros((_CHUNK, _D), jnp.float32)

    h = x
    hs = [x]
    for (eps, w1, b1, g1, be1, w2, b2, g2, be2) in layers:
        aggp = _agg_fn()(h, src_p, dst_p, zeros128).reshape(2, _NPAD, _D)
        y1, st1 = _stage_a(eps.reshape(1, 1), h, aggp,
                           w1, b1.reshape(1, _D))
        y2, st2 = _stage_b(st1, g1.reshape(1, _D), be1.reshape(1, _D),
                           y1, w2, b2.reshape(1, _D))
        h = _stage_c(st2, g2.reshape(1, _D), be2.reshape(1, _D), y2)
        hs.append(h)

    gi3 = gi.reshape(_GRID, 1, _BR)
    pool = _pool(gi3, hs, [wc for (wc, _) in clfs])
    bias = clfs[0][1] + clfs[1][1] + clfs[2][1] + clfs[3][1]
    return pool + bias[None, :]

# --- scband reference (transcript-rebuilt; emitter-appended) ---
"""Pipeline reference for scband-gin-1769526526271 (READ-ONLY COPY).

The authoritative reference and input builder live on the scoring server;
editing this copy changes nothing except your own understanding.
"""

import jax, jax.numpy as jnp
import numpy as np

N = 10000
E = 320000
DI = 128
DH = 128
NC = 10
NL = 3
NG = 128


def _batch_norm(h, g, b):
    m = jnp.mean(h, axis=0)
    v = jnp.var(h, axis=0)
    return (h - m) / jnp.sqrt(v + 1e-5) * g + b


def setup_inputs(seed: int = 0) -> dict:
    key = jax.random.key(seed)
    ks = jax.random.split(key, 40)
    x = jax.random.normal(ks[0], (N, DI), dtype=jnp.float32)
    edge_index = jax.random.randint(ks[1], (2, E), 0, N, dtype=jnp.int32)
    gi = jnp.sort(jax.random.randint(ks[2], (N,), 0, NG, dtype=jnp.int32))
    layers = []
    ki = 3
    di = DI
    for l in range(NL):
        eps = jnp.zeros((1,), dtype=jnp.float32)
        W1 = jax.random.normal(ks[ki], (di, DH), dtype=jnp.float32) * 0.05
        b1 = jnp.zeros((DH,), dtype=jnp.float32)
        g1 = jnp.ones((DH,), dtype=jnp.float32)
        be1 = jnp.zeros((DH,), dtype=jnp.float32)
        W2 = jax.random.normal(ks[ki + 1], (DH, DH), dtype=jnp.float32) * 0.05
        b2 = jnp.zeros((DH,), dtype=jnp.float32)
        g2 = jnp.ones((DH,), dtype=jnp.float32)
        be2 = jnp.zeros((DH,), dtype=jnp.float32)
        layers.append((eps, W1, b1, g1, be1, W2, b2, g2, be2))
        ki += 2
        di = DH
    clfs = []
    dims = [DI] + [DH] * NL
    for l in range(NL + 1):
        Wc = jax.random.normal(ks[ki], (dims[l], NC), dtype=jnp.float32) * 0.05
        bc = jnp.zeros((NC,), dtype=jnp.float32)
        clfs.append((Wc, bc))
        ki += 1
    return {"x": x, "edge_index": edge_index, "gi": gi, "ng": NG,
            "layers": tuple(layers), "clfs": tuple(clfs)}


def reference(x, edge_index, gi, ng, layers, clfs):
    # a is CSR adjacency: row=dst, col=src; sparse.mm(a, x)[i] = sum_{j: (i,j) in a} x[j]
    dst = edge_index[0]
    src = edge_index[1]
    n_nodes = x.shape[0]
    hs = [x]
    h = x
    for (eps, W1, b1, g1, be1, W2, b2, g2, be2) in layers:
        agg = jax.ops.segment_sum(jnp.take(h, src, axis=0), dst, num_segments=n_nodes)
        z = (1.0 + eps[0]) * h + agg
        z = z @ W1 + b1
        z = _batch_norm(z, g1, be1)
        z = jax.nn.relu(z)
        z = z @ W2 + b2
        z = _batch_norm(z, g2, be2)
        z = jax.nn.relu(z)
        h = z
        hs.append(h)
    ng_static = NG
    ng_zero = (jnp.asarray(ng) - jnp.asarray(ng)).astype(jnp.float32)
    logits = jnp.zeros((ng_static, clfs[0][0].shape[1]), dtype=jnp.float32) + ng_zero
    for i, (hl, (Wc, bc)) in enumerate(zip(hs, clfs)):
        # pool='sum': scatter_add over graph ids
        p = jax.ops.segment_sum(hl, gi, num_segments=ng_static)
        # dropout on last pooled rep is identity in eval mode (deterministic reference)
        logits = logits + p @ Wc + bc
    return logits

if __name__ == "__main__":
    import jax
    _d = setup_inputs()
    print(jax.jit(kernel)(*tuple(_d.values())))

</pallas_src>

<mosaic_0001>
#map = affine_map<(d0, d1) -> (0, 0)>
module attributes {stable_mosaic.version = 14 : i64} {
  func.func @agg(%arg0: i32, %arg1: i32, %arg2: memref<10000x128xf32, #tpu.memory_space<hbm>>, %arg3: memref<2560x128xi32, #tpu.memory_space<hbm>>, %arg4: memref<2560x128xi32, #tpu.memory_space<hbm>>, %arg5: memref<128x128xf32, #tpu.memory_space<hbm>>, %arg6: memref<20480x128xf32, #tpu.memory_space<hbm>>, %arg7: memref<128x128xf32, #tpu.memory_space<vmem>>, %arg8: memref<128x128xf32, #tpu.memory_space<vmem>>, %arg9: memref<16x128xi32, #tpu.memory_space<vmem>>, %arg10: memref<16x128xi32, #tpu.memory_space<vmem>>, %arg11: memref<10240x128xf32, #tpu.memory_space<vmem_shared>>, %arg12: memref<!tpu.dma_semaphore, #tpu.memory_space<semaphore_mem>>, %arg13: memref<!tpu.dma_semaphore, #tpu.memory_space<semaphore_mem>>) attributes {dimension_semantics = [#tpu.dimension_semantics<core_parallel>, #tpu.dimension_semantics<subcore_parallel>], iteration_bounds = array<i64: 2, 16>, scalar_prefetch = 0 : i64, scratch_operands = 7 : i64, tpu.core_type = #tpu.core_type<sc_vector_subcore>, window_params = [{transform_indices = #map}, {transform_indices = #map}, {transform_indices = #map}, {transform_indices = #map}, {transform_indices = #map}]} {
    %mul3A = arith.constant 640 : i32
    %mul3A_0 = arith.muli %arg1, %mul3A : i32
    "tpu.region"() ({
      %run_scoped3A = tpu.sem_alloc : memref<!tpu.dma_semaphore, #tpu.memory_space<semaphore_mem>>
      tpu.enqueue_dma source(%arg5 : memref<128x128xf32, #tpu.memory_space<hbm>>) target(%arg7 : memref<128x128xf32, #tpu.memory_space<vmem>>) target_semaphore(%run_scoped3A : memref<!tpu.dma_semaphore, #tpu.memory_space<semaphore_mem>>)
      tpu.wait_dma2 semaphore(%run_scoped3A : memref<!tpu.dma_semaphore, #tpu.memory_space<semaphore_mem>>) src(%arg5 : memref<128x128xf32, #tpu.memory_space<hbm>>) dst(%arg7 : memref<128x128xf32, #tpu.memory_space<vmem>>)
      tpu.yield
    }) : () -> ()
    %add3A = arith.constant 0 : i32
    %add3A_1 = arith.addi %mul3A_0, %add3A : i32
    %dma_start3A = arith.constant 0 : i32
    %dma_start3A_2 = tpu.memref_slice %arg11[%add3A_1, %dma_start3A] : memref<10240x128xf32, #tpu.memory_space<vmem_shared>> -> memref<128x128xf32, #tpu.memory_space<vmem_shared>>
    %dma_start3A_3 = arith.constant 0 : i32
    %dma_start3A_4 = tpu.memref_slice %arg11[%add3A_1, %dma_start3A_3] : memref<10240x128xf32, #tpu.memory_space<vmem_shared>> -> memref<128x128xf32, #tpu.memory_space<vmem_shared>>
    tpu.enqueue_dma source(%arg7 : memref<128x128xf32, #tpu.memory_space<vmem>>) target(%dma_start3A_4 : memref<128x128xf32, #tpu.memory_space<vmem_shared>>) target_semaphore(%arg13 : memref<!tpu.dma_semaphore, #tpu.memory_space<semaphore_mem>>)
    %add3A_5 = arith.constant 128 : i32
    %add3A_6 = arith.addi %mul3A_0, %add3A_5 : i32
    %dma_start3A_7 = arith.constant 0 : i32
    %dma_start3A_8 = tpu.memref_slice %arg11[%add3A_6, %dma_start3A_7] : memref<10240x128xf32, #tpu.memory_space<vmem_shared>> -> memref<128x128xf32, #tpu.memory_space<vmem_shared>>
    %dma_start3A_9 = arith.constant 0 : i32
    %dma_start3A_10 = tpu.memref_slice %arg11[%add3A_6, %dma_start3A_9] : memref<10240x128xf32, #tpu.memory_space<vmem_shared>> -> memref<128x128xf32, #tpu.memory_space<vmem_shared>>
    tpu.enqueue_dma source(%arg7 : memref<128x128xf32, #tpu.memory_space<vmem>>) target(%dma_start3A_10 : memref<128x128xf32, #tpu.memory_space<vmem_shared>>) target_semaphore(%arg13 : memref<!tpu.dma_semaphore, #tpu.memory_space<semaphore_mem>>)
    %add3A_11 = arith.constant 256 : i32
    %add3A_12 = arith.addi %mul3A_0, %add3A_11 : i32
    %dma_start3A_13 = arith.constant 0 : i32
    %dma_start3A_14 = tpu.memref_slice %arg11[%add3A_12, %dma_start3A_13] : memref<10240x128xf32, #tpu.memory_space<vmem_shared>> -> memref<128x128xf32, #tpu.memory_space<vmem_shared>>
    %dma_start3A_15 = arith.constant 0 : i32
    %dma_start3A_16 = tpu.memref_slice %arg11[%add3A_12, %dma_start3A_15] : memref<10240x128xf32, #tpu.memory_space<vmem_shared>> -> memref<128x128xf32, #tpu.memory_space<vmem_shared>>
    tpu.enqueue_dma source(%arg7 : memref<128x128xf32, #tpu.memory_space<vmem>>) target(%dma_start3A_16 : memref<128x128xf32, #tpu.memory_space<vmem_shared>>) target_semaphore(%arg13 : memref<!tpu.dma_semaphore, #tpu.memory_space<semaphore_mem>>)
    %add3A_17 = arith.constant 384 : i32
    %add3A_18 = arith.addi %mul3A_0, %add3A_17 : i32
    %dma_start3A_19 = arith.constant 0 : i32
    %dma_start3A_20 = tpu.memref_slice %arg11[%add3A_18, %dma_start3A_19] : memref<10240x128xf32, #tpu.memory_space<vmem_shared>> -> memref<128x128xf32, #tpu.memory_space<vmem_shared>>
    %dma_start3A_21 = arith.constant 0 : i32
    %dma_start3A_22 = tpu.memref_slice %arg11[%add3A_18, %dma_start3A_21] : memref<10240x128xf32, #tpu.memory_space<vmem_shared>> -> memref<128x128xf32, #tpu.memory_space<vmem_shared>>
    tpu.enqueue_dma source(%arg7 : memref<128x128xf32, #tpu.memory_space<vmem>>) target(%dma_start3A_22 : memref<128x128xf32, #tpu.memory_space<vmem_shared>>) target_semaphore(%arg13 : memref<!tpu.dma_semaphore, #tpu.memory_space<semaphore_mem>>)
    %add3A_23 = arith.constant 512 : i32
    %add3A_24 = arith.addi %mul3A_0, %add3A_23 : i32
    %dma_start3A_25 = arith.constant 0 : i32
    %dma_start3A_26 = tpu.memref_slice %arg11[%add3A_24, %dma_start3A_25] : memref<10240x128xf32, #tpu.memory_space<vmem_shared>> -> memref<128x128xf32, #tpu.memory_space<vmem_shared>>
    %dma_start3A_27 = arith.constant 0 : i32
    %dma_start3A_28 = tpu.memref_slice %arg11[%add3A_24, %dma_start3A_27] : memref<10240x128xf32, #tpu.memory_space<vmem_shared>> -> memref<128x128xf32, #tpu.memory_space<vmem_shared>>
    tpu.enqueue_dma source(%arg7 : memref<128x128xf32, #tpu.memory_space<vmem>>) target(%dma_start3A_28 : memref<128x128xf32, #tpu.memory_space<vmem_shared>>) target_semaphore(%arg13 : memref<!tpu.dma_semaphore, #tpu.memory_space<semaphore_mem>>)
    %dma_wait3A = arith.constant 0 : i32
    %dma_wait3A_29 = tpu.memref_slice %arg11[%add3A_1, %dma_wait3A] : memref<10240x128xf32, #tpu.memory_space<vmem_shared>> -> memref<128x128xf32, #tpu.memory_space<vmem_shared>>
    %dma_wait3A_30 = arith.constant 0 : i32
    %dma_wait3A_31 = tpu.memref_slice %arg11[%add3A_1, %dma_wait3A_30] : memref<10240x128xf32, #tpu.memory_space<vmem_shared>> -> memref<128x128xf32, #tpu.memory_space<vmem_shared>>
    tpu.wait_dma2 semaphore(%arg13 : memref<!tpu.dma_semaphore, #tpu.memory_space<semaphore_mem>>) src(%arg7 : memref<128x128xf32, #tpu.memory_space<vmem>>) dst(%dma_wait3A_31 : memref<128x128xf32, #tpu.memory_space<vmem_shared>>)
    %dma_wait3A_32 = arith.constant 0 : i32
    %dma_wait3A_33 = tpu.memref_slice %arg11[%add3A_6, %dma_wait3A_32] : memref<10240x128xf32, #tpu.memory_space<vmem_shared>> -> memref<128x128xf32, #tpu.memory_space<vmem_shared>>
    %dma_wait3A_34 = arith.constant 0 : i32
    %dma_wait3A_35 = tpu.memref_slice %arg11[%add3A_6, %dma_wait3A_34] : memref<10240x128xf32, #tpu.memory_space<vmem_shared>> -> memref<128x128xf32, #tpu.memory_space<vmem_shared>>
    tpu.wait_dma2 semaphore(%arg13 : memref<!tpu.dma_semaphore, #tpu.memory_space<semaphore_mem>>) src(%arg7 : memref<128x128xf32, #tpu.memory_space<vmem>>) dst(%dma_wait3A_35 : memref<128x128xf32, #tpu.memory_space<vmem_shared>>)
    %dma_wait3A_36 = arith.constant 0 : i32
    %dma_wait3A_37 = tpu.memref_slice %arg11[%add3A_12, %dma_wait3A_36] : memref<10240x128xf32, #tpu.memory_space<vmem_shared>> -> memref<128x128xf32, #tpu.memory_space<vmem_shared>>
    %dma_wait3A_38 = arith.constant 0 : i32
    %dma_wait3A_39 = tpu.memref_slice %arg11[%add3A_12, %dma_wait3A_38] : memref<10240x128xf32, #tpu.memory_space<vmem_shared>> -> memref<128x128xf32, #tpu.memory_space<vmem_shared>>
    tpu.wait_dma2 semaphore(%arg13 : memref<!tpu.dma_semaphore, #tpu.memory_space<semaphore_mem>>) src(%arg7 : memref<128x128xf32, #tpu.memory_space<vmem>>) dst(%dma_wait3A_39 : memref<128x128xf32, #tpu.memory_space<vmem_shared>>)
    %dma_wait3A_40 = arith.constant 0 : i32
    %dma_wait3A_41 = tpu.memref_slice %arg11[%add3A_18, %dma_wait3A_40] : memref<10240x128xf32, #tpu.memory_space<vmem_shared>> -> memref<128x128xf32, #tpu.memory_space<vmem_shared>>
    %dma_wait3A_42 = arith.constant 0 : i32
    %dma_wait3A_43 = tpu.memref_slice %arg11[%add3A_18, %dma_wait3A_42] : memref<10240x128xf32, #tpu.memory_space<vmem_shared>> -> memref<128x128xf32, #tpu.memory_space<vmem_shared>>
    tpu.wait_dma2 semaphore(%arg13 : memref<!tpu.dma_semaphore, #tpu.memory_space<semaphore_mem>>) src(%arg7 : memref<128x128xf32, #tpu.memory_space<vmem>>) dst(%dma_wait3A_43 : memref<128x128xf32, #tpu.memory_space<vmem_shared>>)
    %dma_wait3A_44 = arith.constant 0 : i32
    %dma_wait3A_45 = tpu.memref_slice %arg11[%add3A_24, %dma_wait3A_44] : memref<10240x128xf32, #tpu.memory_space<vmem_shared>> -> memref<128x128xf32, #tpu.memory_space<vmem_shared>>
    %dma_wait3A_46 = arith.constant 0 : i32
    %dma_wait3A_47 = tpu.memref_slice %arg11[%add3A_24, %dma_wait3A_46] : memref<10240x128xf32, #tpu.memory_space<vmem_shared>> -> memref<128x128xf32, #tpu.memory_space<vmem_shared>>
    tpu.wait_dma2 semaphore(%arg13 : memref<!tpu.dma_semaphore, #tpu.memory_space<semaphore_mem>>) src(%arg7 : memref<128x128xf32, #tpu.memory_space<vmem>>) dst(%dma_wait3A_47 : memref<128x128xf32, #tpu.memory_space<vmem_shared>>)
    %barrier3A = arith.constant 0 : index
    tpu.barrier barrier_id(%barrier3A)
    %eq3A = arith.constant 0 : i32
    %eq3A_48 = arith.cmpi eq, %arg0, %eq3A : i32
    %mul3A_49 = arith.constant 144 : i32
    %mul3A_50 = arith.muli %arg1, %mul3A_49 : i32
    %mul3A_51 = arith.constant 16 : i32
    %mul3A_52 = arith.muli %arg1, %mul3A_51 : i32
    %add3A_53 = arith.constant 2304 : i32
    %add3A_54 = arith.addi %add3A_53, %mul3A_52 : i32
    %select_n3A = arith.select %eq3A_48, %mul3A_50, %add3A_54 : i32
    %eq3A_55 = arith.constant 0 : i32
    %eq3A_56 = arith.cmpi eq, %arg0, %eq3A_55 : i32
    %jit3A = arith.constant 9 : i32
    %jit3A_57 = arith.constant 1 : i32
    %select_n3A_58 = arith.select %eq3A_56, %jit3A, %jit3A_57 : i32
    %while3A = arith.constant 0 : i32
    %while3A_59 = arith.constant 0 : i32
    %while3A_60 = arith.subi %select_n3A_58, %while3A_59 : i32
    %while3A_61 = arith.addi %while3A_59, %while3A_60 : i32
    %while3A_62 = arith.constant 1 : i32
    %while3A_63 = arith.divsi %while3A_60, %while3A_62 : i32
    %while3A_64 = arith.muli %while3A_63, %while3A_62 : i32
    %while3A_65 = arith.addi %while3A_59, %while3A_64 : i32
    %while3A_66 = arith.constant 1 : i32
    scf.for %while3A_170 = %while3A_59 to %while3A_65 step %while3A_66  : i32 {
      %mul3A_171 = arith.constant 16 : i32
      %mul3A_172 = arith.muli %while3A_170, %mul3A_171 : i32
      %add3A_173 = arith.addi %select_n3A, %mul3A_172 : i32
      "tpu.region"() ({
        %run_scoped3A = tpu.sem_alloc : memref<!tpu.dma_semaphore, #tpu.memory_space<semaphore_mem>>
        %dma_start3A_193 = arith.constant 0 : i32
        %dma_start3A_194 = tpu.memref_slice %arg3[%add3A_173, %dma_start3A_193] : memref<2560x128xi32, #tpu.memory_space<hbm>> -> memref<16x128xi32, #tpu.memory_space<hbm>>
        %dma_start3A_195 = arith.constant 0 : i32
        %dma_start3A_196 = tpu.memref_slice %arg3[%add3A_173, %dma_start3A_195] : memref<2560x128xi32, #tpu.memory_space<hbm>> -> memref<16x128xi32, #tpu.memory_space<hbm>>
        tpu.enqueue_dma source(%dma_start3A_196 : memref<16x128xi32, #tpu.memory_space<hbm>>) target(%arg9 : memref<16x128xi32, #tpu.memory_space<vmem>>) target_semaphore(%run_scoped3A : memref<!tpu.dma_semaphore, #tpu.memory_space<semaphore_mem>>)
        %dma_wait3A_197 = arith.constant 0 : i32
        %dma_wait3A_198 = tpu.memref_slice %arg3[%add3A_173, %dma_wait3A_197] : memref<2560x128xi32, #tpu.memory_space<hbm>> -> memref<16x128xi32, #tpu.memory_space<hbm>>
        %dma_wait3A_199 = arith.constant 0 : i32
        %dma_wait3A_200 = tpu.memref_slice %arg3[%add3A_173, %dma_wait3A_199] : memref<2560x128xi32, #tpu.memory_space<hbm>> -> memref<16x128xi32, #tpu.memory_space<hbm>>
        tpu.wait_dma2 semaphore(%run_scoped3A : memref<!tpu.dma_semaphore, #tpu.memory_space<semaphore_mem>>) src(%dma_wait3A_200 : memref<16x128xi32, #tpu.memory_space<hbm>>) dst(%arg9 : memref<16x128xi32, #tpu.memory_space<vmem>>)
        tpu.yield
      }) : () -> ()
      "tpu.region"() ({
        %run_scoped3A = tpu.sem_alloc : memref<!tpu.dma_semaphore, #tpu.memory_space<semaphore_mem>>
        %dma_start3A_193 = arith.constant 0 : i32
        %dma_start3A_194 = tpu.memref_slice %arg4[%add3A_173, %dma_start3A_193] : memref<2560x128xi32, #tpu.memory_space<hbm>> -> memref<16x128xi32, #tpu.memory_space<hbm>>
        %dma_start3A_195 = arith.constant 0 : i32
        %dma_start3A_196 = tpu.memref_slice %arg4[%add3A_173, %dma_start3A_195] : memref<2560x128xi32, #tpu.memory_space<hbm>> -> memref<16x128xi32, #tpu.memory_space<hbm>>
        tpu.enqueue_dma source(%dma_start3A_196 : memref<16x128xi32, #tpu.memory_space<hbm>>) target(%arg10 : memref<16x128xi32, #tpu.memory_space<vmem>>) target_semaphore(%run_scoped3A : memref<!tpu.dma_semaphore, #tpu.memory_space<semaphore_mem>>)
        %dma_wait3A_197 = arith.constant 0 : i32
        %dma_wait3A_198 = tpu.memref_slice %arg4[%add3A_173, %dma_wait3A_197] : memref<2560x128xi32, #tpu.memory_space<hbm>> -> memref<16x128xi32, #tpu.memory_space<hbm>>
        %dma_wait3A_199 = arith.constant 0 : i32
        %dma_wait3A_200 = tpu.memref_slice %arg4[%add3A_173, %dma_wait3A_199] : memref<2560x128xi32, #tpu.memory_space<hbm>> -> memref<16x128xi32, #tpu.memory_space<hbm>>
        tpu.wait_dma2 semaphore(%run_scoped3A : memref<!tpu.dma_semaphore, #tpu.memory_space<semaphore_mem>>) src(%dma_wait3A_200 : memref<16x128xi32, #tpu.memory_space<hbm>>) dst(%arg10 : memref<16x128xi32, #tpu.memory_space<vmem>>)
        tpu.yield
      }) : () -> ()
      %dma_start3A_174 = arith.constant 0 : i32
      %dma_start3A_175 = arith.constant 0 : i32
      %dma_start3A_176 = tpu.memref_slice %arg9[%dma_start3A_174, %dma_start3A_175] : memref<16x128xi32, #tpu.memory_space<vmem>> -> memref<1x128xi32, #tpu.memory_space<vmem>>
      %dma_start3A_177 = tpu.memref_squeeze %dma_start3A_176 : memref<1x128xi32, #tpu.memory_space<vmem>> -> memref<128xi32, #tpu.memory_space<vmem>>
      %dma_start3A_178 = arith.constant 0 : i32
      %dma_start3A_179 = arith.constant 0 : i32
      %dma_start3A_180 = tpu.memref_slice %arg2[%dma_start3A_178, %dma_start3A_179] : memref<10000x128xf32, #tpu.memory_space<hbm>> -> memref<10000x128xf32, #tpu.memory_space<hbm>>
      tpu.enqueue_indirect_dma source(%dma_start3A_180 : memref<10000x128xf32, #tpu.memory_space<hbm>>) target(%arg7 : memref<128x128xf32, #tpu.memory_space<vmem>>) offsets(%dma_start3A_177 : memref<128xi32, #tpu.memory_space<vmem>>) semaphore(%arg12 : memref<!tpu.dma_semaphore, #tpu.memory_space<semaphore_mem>>)
      %scan3A = arith.constant 0 : i32
      %scan3A_181 = arith.constant 0 : i32
      %scan3A_182 = arith.constant 8 : i32
      %scan3A_183 = arith.addi %scan3A_181, %scan3A_182 : i32
      %scan3A_184 = arith.constant 1 : i32
      scf.for %scan3A_193 = %scan3A_181 to %scan3A_183 step %scan3A_184  : i32 {
        %mul3A_194 = arith.constant 2 : i32
        %mul3A_195 = arith.muli %mul3A_194, %scan3A_193 : i32
        %add3A_196 = arith.constant 0 : i32
        %add3A_197 = arith.addi %mul3A_195, %add3A_196 : i32
        %dma_wait3A_198 = arith.constant 0 : i32
        %dma_wait3A_199 = tpu.memref_slice %arg9[%add3A_197, %dma_wait3A_198] : memref<16x128xi32, #tpu.memory_space<vmem>> -> memref<1x128xi32, #tpu.memory_space<vmem>>
        %dma_wait3A_200 = tpu.memref_squeeze %dma_wait3A_199 : memref<1x128xi32, #tpu.memory_space<vmem>> -> memref<128xi32, #tpu.memory_space<vmem>>
        %dma_wait3A_201 = arith.constant 0 : i32
        %dma_wait3A_202 = arith.constant 0 : i32
        %dma_wait3A_203 = tpu.memref_slice %arg2[%dma_wait3A_201, %dma_wait3A_202] : memref<10000x128xf32, #tpu.memory_space<hbm>> -> memref<10000x128xf32, #tpu.memory_space<hbm>>
        tpu.wait_indirect_dma semaphore(%arg12 : memref<!tpu.dma_semaphore, #tpu.memory_space<semaphore_mem>>) src(%dma_wait3A_203 : memref<10000x128xf32, #tpu.memory_space<hbm>>) dst(%arg7 : memref<128x128xf32, #tpu.memory_space<vmem>>)
        %gt3A = arith.constant 0 : i32
        %gt3A_204 = arith.cmpi sgt, %scan3A_193, %gt3A : i32
        %convert_element_type3A = arith.extui %gt3A_204 : i1 to i32
        %cond3A = arith.constant 0 : i32
        %cond3A_205 = arith.cmpi ne, %convert_element_type3A, %cond3A : i32
        scf.if %cond3A_205 {
          %sub3A_247 = arith.constant 1 : i32
          %sub3A_248 = arith.subi %add3A_197, %sub3A_247 : i32
          %dma_wait3A_249 = arith.constant 0 : i32
          %dma_wait3A_250 = tpu.memref_slice %arg10[%sub3A_248, %dma_wait3A_249] : memref<16x128xi32, #tpu.memory_space<vmem>> -> memref<1x128xi32, #tpu.memory_space<vmem>>
          %dma_wait3A_251 = tpu.memref_squeeze %dma_wait3A_250 : memref<1x128xi32, #tpu.memory_space<vmem>> -> memref<128xi32, #tpu.memory_space<vmem>>
          %dma_wait3A_252 = arith.constant 0 : i32
          %dma_wait3A_253 = arith.constant 0 : i32
          %dma_wait3A_254 = tpu.memref_slice %arg11[%dma_wait3A_252, %dma_wait3A_253] : memref<10240x128xf32, #tpu.memory_space<vmem_shared>> -> memref<10240x128xf32, #tpu.memory_space<vmem_shared>>
          tpu.wait_indirect_dma semaphore(%arg13 : memref<!tpu.dma_semaphore, #tpu.memory_space<semaphore_mem>>) src(%arg8 : memref<128x128xf32, #tpu.memory_space<vmem>>) dst(%dma_wait3A_254 : memref<10240x128xf32, #tpu.memory_space<vmem_shared>>)
        } else {
        }
        %add3A_206 = arith.constant 1 : i32
        %add3A_207 = arith.addi %add3A_197, %add3A_206 : i32
        %dma_start3A_208 = arith.constant 0 : i32
        %dma_start3A_209 = tpu.memref_slice %arg9[%add3A_207, %dma_start3A_208] : memref<16x128xi32, #tpu.memory_space<vmem>> -> memref<1x128xi32, #tpu.memory_space<vmem>>
        %dma_start3A_210 = tpu.memref_squeeze %dma_start3A_209 : memref<1x128xi32, #tpu.memory_space<vmem>> -> memref<128xi32, #tpu.memory_space<vmem>>
        %dma_start3A_211 = arith.constant 0 : i32
        %dma_start3A_212 = arith.constant 0 : i32
        %dma_start3A_213 = tpu.memref_slice %arg2[%dma_start3A_211, %dma_start3A_212] : memref<10000x128xf32, #tpu.memory_space<hbm>> -> memref<10000x128xf32, #tpu.memory_space<hbm>>
        tpu.enqueue_indirect_dma source(%dma_start3A_213 : memref<10000x128xf32, #tpu.memory_space<hbm>>) target(%arg8 : memref<128x128xf32, #tpu.memory_space<vmem>>) offsets(%dma_start3A_210 : memref<128xi32, #tpu.memory_space<vmem>>) semaphore(%arg12 : memref<!tpu.dma_semaphore, #tpu.memory_space<semaphore_mem>>)
        %dma_start3A_214 = arith.constant 0 : i32
        %dma_start3A_215 = tpu.memref_slice %arg10[%add3A_197, %dma_start3A_214] : memref<16x128xi32, #tpu.memory_space<vmem>> -> memref<1x128xi32, #tpu.memory_space<vmem>>
        %dma_start3A_216 = tpu.memref_squeeze %dma_start3A_215 : memref<1x128xi32, #tpu.memory_space<vmem>> -> memref<128xi32, #tpu.memory_space<vmem>>
        %dma_start3A_217 = arith.constant 0 : i32
        %dma_start3A_218 = arith.constant 0 : i32
        %dma_start3A_219 = tpu.memref_slice %arg11[%dma_start3A_217, %dma_start3A_218] : memref<10240x128xf32, #tpu.memory_space<vmem_shared>> -> memref<10240x128xf32, #tpu.memory_space<vmem_shared>>
        tpu.enqueue_indirect_dma source(%arg7 : memref<128x128xf32, #tpu.memory_space<vmem>>) target(%dma_start3A_219 : memref<10240x128xf32, #tpu.memory_space<vmem_shared>>) offsets(%dma_start3A_216 : memref<128xi32, #tpu.memory_space<vmem>>) semaphore(%arg13 : memref<!tpu.dma_semaphore, #tpu.memory_space<semaphore_mem>>) {add = true}
        %mul3A_220 = arith.constant 2 : i32
        %mul3A_221 = arith.muli %mul3A_220, %scan3A_193 : i32
        %add3A_222 = arith.constant 1 : i32
        %add3A_223 = arith.addi %mul3A_221, %add3A_222 : i32
        %dma_wait3A_224 = arith.constant 0 : i32
        %dma_wait3A_225 = tpu.memref_slice %arg9[%add3A_223, %dma_wait3A_224] : memref<16x128xi32, #tpu.memory_space<vmem>> -> memref<1x128xi32, #tpu.memory_space<vmem>>
        %dma_wait3A_226 = tpu.memref_squeeze %dma_wait3A_225 : memref<1x128xi32, #tpu.memory_space<vmem>> -> memref<128xi32, #tpu.memory_space<vmem>>
        %dma_wait3A_227 = arith.constant 0 : i32
        %dma_wait3A_228 = arith.constant 0 : i32
        %dma_wait3A_229 = tpu.memref_slice %arg2[%dma_wait3A_227, %dma_wait3A_228] : memref<10000x128xf32, #tpu.memory_space<hbm>> -> memref<10000x128xf32, #tpu.memory_space<hbm>>
        tpu.wait_indirect_dma semaphore(%arg12 : memref<!tpu.dma_semaphore, #tpu.memory_space<semaphore_mem>>) src(%dma_wait3A_229 : memref<10000x128xf32, #tpu.memory_space<hbm>>) dst(%arg8 : memref<128x128xf32, #tpu.memory_space<vmem>>)
        %sub3A = arith.constant 1 : i32
        %sub3A_230 = arith.subi %add3A_223, %sub3A : i32
        %dma_wait3A_231 = arith.constant 0 : i32
        %dma_wait3A_232 = tpu.memref_slice %arg10[%sub3A_230, %dma_wait3A_231] : memref<16x128xi32, #tpu.memory_space<vmem>> -> memref<1x128xi32, #tpu.memory_space<vmem>>
        %dma_wait3A_233 = tpu.memref_squeeze %dma_wait3A_232 : memref<1x128xi32, #tpu.memory_space<vmem>> -> memref<128xi32, #tpu.memory_space<vmem>>
        %dma_wait3A_234 = arith.constant 0 : i32
        %dma_wait3A_235 = arith.constant 0 : i32
        %dma_wait3A_236 = tpu.memref_slice %arg11[%dma_wait3A_234, %dma_wait3A_235] : memref<10240x128xf32, #tpu.memory_space<vmem_shared>> -> memref<10240x128xf32, #tpu.memory_space<vmem_shared>>
        tpu.wait_indirect_dma semaphore(%arg13 : memref<!tpu.dma_semaphore, #tpu.memory_space<semaphore_mem>>) src(%arg7 : memref<128x128xf32, #tpu.memory_space<vmem>>) dst(%dma_wait3A_236 : memref<10240x128xf32, #tpu.memory_space<vmem_shared>>)
        %lt3A = arith.constant 7 : i32
        %lt3A_237 = arith.cmpi slt, %scan3A_193, %lt3A : i32
        %convert_element_type3A_238 = arith.extui %lt3A_237 : i1 to i32
        %cond3A_239 = arith.constant 0 : i32
        %cond3A_240 = arith.cmpi ne, %convert_element_type3A_238, %cond3A_239 : i32
        scf.if %cond3A_240 {
          %add3A_247 = arith.constant 1 : i32
          %add3A_248 = arith.addi %add3A_223, %add3A_247 : i32
          %dma_start3A_249 = arith.constant 0 : i32
          %dma_start3A_250 = tpu.memref_slice %arg9[%add3A_248, %dma_start3A_249] : memref<16x128xi32, #tpu.memory_space<vmem>> -> memref<1x128xi32, #tpu.memory_space<vmem>>
          %dma_start3A_251 = tpu.memref_squeeze %dma_start3A_250 : memref<1x128xi32, #tpu.memory_space<vmem>> -> memref<128xi32, #tpu.memory_space<vmem>>
          %dma_start3A_252 = arith.constant 0 : i32
          %dma_start3A_253 = arith.constant 0 : i32
          %dma_start3A_254 = tpu.memref_slice %arg2[%dma_start3A_252, %dma_start3A_253] : memref<10000x128xf32, #tpu.memory_space<hbm>> -> memref<10000x128xf32, #tpu.memory_space<hbm>>
          tpu.enqueue_indirect_dma source(%dma_start3A_254 : memref<10000x128xf32, #tpu.memory_space<hbm>>) target(%arg7 : memref<128x128xf32, #tpu.memory_space<vmem>>) offsets(%dma_start3A_251 : memref<128xi32, #tpu.memory_space<vmem>>) semaphore(%arg12 : memref<!tpu.dma_semaphore, #tpu.memory_space<semaphore_mem>>)
        } else {
        }
        %dma_start3A_241 = arith.constant 0 : i32
        %dma_start3A_242 = tpu.memref_slice %arg10[%add3A_223, %dma_start3A_241] : memref<16x128xi32, #tpu.memory_space<vmem>> -> memref<1x128xi32, #tpu.memory_space<vmem>>
        %dma_start3A_243 = tpu.memref_squeeze %dma_start3A_242 : memref<1x128xi32, #tpu.memory_space<vmem>> -> memref<128xi32, #tpu.memory_space<vmem>>
        %dma_start3A_244 = arith.constant 0 : i32
        %dma_start3A_245 = arith.constant 0 : i32
        %dma_start3A_246 = tpu.memref_slice %arg11[%dma_start3A_244, %dma_start3A_245] : memref<10240x128xf32, #tpu.memory_space<vmem_shared>> -> memref<10240x128xf32, #tpu.memory_space<vmem_shared>>
        tpu.enqueue_indirect_dma source(%arg8 : memref<128x128xf32, #tpu.memory_space<vmem>>) target(%dma_start3A_246 : memref<10240x128xf32, #tpu.memory_space<vmem_shared>>) offsets(%dma_start3A_243 : memref<128xi32, #tpu.memory_space<vmem>>) semaphore(%arg13 : memref<!tpu.dma_semaphore, #tpu.memory_space<semaphore_mem>>) {add = true}
      }
      %scan3A_185 = arith.constant 8 : i32
      %dma_wait3A_186 = arith.constant 15 : i32
      %dma_wait3A_187 = arith.constant 0 : i32
      %dma_wait3A_188 = tpu.memref_slice %arg10[%dma_wait3A_186, %dma_wait3A_187] : memref<16x128xi32, #tpu.memory_space<vmem>> -> memref<1x128xi32, #tpu.memory_space<vmem>>
      %dma_wait3A_189 = tpu.memref_squeeze %dma_wait3A_188 : memref<1x128xi32, #tpu.memory_space<vmem>> -> memref<128xi32, #tpu.memory_space<vmem>>
      %dma_wait3A_190 = arith.constant 0 : i32
      %dma_wait3A_191 = arith.constant 0 : i32
      %dma_wait3A_192 = tpu.memref_slice %arg11[%dma_wait3A_190, %dma_wait3A_191] : memref<10240x128xf32, #tpu.memory_space<vmem_shared>> -> memref<10240x128xf32, #tpu.memory_space<vmem_shared>>
      tpu.wait_indirect_dma semaphore(%arg13 : memref<!tpu.dma_semaphore, #tpu.memory_space<semaphore_mem>>) src(%arg8 : memref<128x128xf32, #tpu.memory_space<vmem>>) dst(%dma_wait3A_192 : memref<10240x128xf32, #tpu.memory_space<vmem_shared>>)
    }
    %while3A_67 = arith.constant 1 : i32
    scf.for %while3A_170 = %while3A_65 to %while3A_61 step %while3A_67  : i32 {
      %mul3A_171 = arith.constant 16 : i32
      %mul3A_172 = arith.muli %while3A_170, %mul3A_171 : i32
      %add3A_173 = arith.addi %select_n3A, %mul3A_172 : i32
      "tpu.region"() ({
        %run_scoped3A = tpu.sem_alloc : memref<!tpu.dma_semaphore, #tpu.memory_space<semaphore_mem>>
        %dma_start3A_193 = arith.constant 0 : i32
        %dma_start3A_194 = tpu.memref_slice %arg3[%add3A_173, %dma_start3A_193] : memref<2560x128xi32, #tpu.memory_space<hbm>> -> memref<16x128xi32, #tpu.memory_space<hbm>>
        %dma_start3A_195 = arith.constant 0 : i32
        %dma_start3A_196 = tpu.memref_slice %arg3[%add3A_173, %dma_start3A_195] : memref<2560x128xi32, #tpu.memory_space<hbm>> -> memref<16x128xi32, #tpu.memory_space<hbm>>
        tpu.enqueue_dma source(%dma_start3A_196 : memref<16x128xi32, #tpu.memory_space<hbm>>) target(%arg9 : memref<16x128xi32, #tpu.memory_space<vmem>>) target_semaphore(%run_scoped3A : memref<!tpu.dma_semaphore, #tpu.memory_space<semaphore_mem>>)
        %dma_wait3A_197 = arith.constant 0 : i32
        %dma_wait3A_198 = tpu.memref_slice %arg3[%add3A_173, %dma_wait3A_197] : memref<2560x128xi32, #tpu.memory_space<hbm>> -> memref<16x128xi32, #tpu.memory_space<hbm>>
        %dma_wait3A_199 = arith.constant 0 : i32
        %dma_wait3A_200 = tpu.memref_slice %arg3[%add3A_173, %dma_wait3A_199] : memref<2560x128xi32, #tpu.memory_space<hbm>> -> memref<16x128xi32, #tpu.memory_space<hbm>>
        tpu.wait_dma2 semaphore(%run_scoped3A : memref<!tpu.dma_semaphore, #tpu.memory_space<semaphore_mem>>) src(%dma_wait3A_200 : memref<16x128xi32, #tpu.memory_space<hbm>>) dst(%arg9 : memref<16x128xi32, #tpu.memory_space<vmem>>)
        tpu.yield
      }) : () -> ()
      "tpu.region"() ({
        %run_scoped3A = tpu.sem_alloc : memref<!tpu.dma_semaphore, #tpu.memory_space<semaphore_mem>>
        %dma_start3A_193 = arith.constant 0 : i32
        %dma_start3A_194 = tpu.memref_slice %arg4[%add3A_173, %dma_start3A_193] : memref<2560x128xi32, #tpu.memory_space<hbm>> -> memref<16x128xi32, #tpu.memory_space<hbm>>
        %dma_start3A_195 = arith.constant 0 : i32
        %dma_start3A_196 = tpu.memref_slice %arg4[%add3A_173, %dma_start3A_195] : memref<2560x128xi32, #tpu.memory_space<hbm>> -> memref<16x128xi32, #tpu.memory_space<hbm>>
        tpu.enqueue_dma source(%dma_start3A_196 : memref<16x128xi32, #tpu.memory_space<hbm>>) target(%arg10 : memref<16x128xi32, #tpu.memory_space<vmem>>) target_semaphore(%run_scoped3A : memref<!tpu.dma_semaphore, #tpu.memory_space<semaphore_mem>>)
        %dma_wait3A_197 = arith.constant 0 : i32
        %dma_wait3A_198 = tpu.memref_slice %arg4[%add3A_173, %dma_wait3A_197] : memref<2560x128xi32, #tpu.memory_space<hbm>> -> memref<16x128xi32, #tpu.memory_space<hbm>>
        %dma_wait3A_199 = arith.constant 0 : i32
        %dma_wait3A_200 = tpu.memref_slice %arg4[%add3A_173, %dma_wait3A_199] : memref<2560x128xi32, #tpu.memory_space<hbm>> -> memref<16x128xi32, #tpu.memory_space<hbm>>
        tpu.wait_dma2 semaphore(%run_scoped3A : memref<!tpu.dma_semaphore, #tpu.memory_space<semaphore_mem>>) src(%dma_wait3A_200 : memref<16x128xi32, #tpu.memory_space<hbm>>) dst(%arg10 : memref<16x128xi32, #tpu.memory_space<vmem>>)
        tpu.yield
      }) : () -> ()
      %dma_start3A_174 = arith.constant 0 : i32
      %dma_start3A_175 = arith.constant 0 : i32
      %dma_start3A_176 = tpu.memref_slice %arg9[%dma_start3A_174, %dma_start3A_175] : memref<16x128xi32, #tpu.memory_space<vmem>> -> memref<1x128xi32, #tpu.memory_space<vmem>>
      %dma_start3A_177 = tpu.memref_squeeze %dma_start3A_176 : memref<1x128xi32, #tpu.memory_space<vmem>> -> memref<128xi32, #tpu.memory_space<vmem>>
      %dma_start3A_178 = arith.constant 0 : i32
      %dma_start3A_179 = arith.constant 0 : i32
      %dma_start3A_180 = tpu.memref_slice %arg2[%dma_start3A_178, %dma_start3A_179] : memref<10000x128xf32, #tpu.memory_space<hbm>> -> memref<10000x128xf32, #tpu.memory_space<hbm>>
      tpu.enqueue_indirect_dma source(%dma_start3A_180 : memref<10000x128xf32, #tpu.memory_space<hbm>>) target(%arg7 : memref<128x128xf32, #tpu.memory_space<vmem>>) offsets(%dma_start3A_177 : memref<128xi32, #tpu.memory_space<vmem>>) semaphore(%arg12 : memref<!tpu.dma_semaphore, #tpu.memory_space<semaphore_mem>>)
      %scan3A = arith.constant 0 : i32
      %scan3A_181 = arith.constant 0 : i32
      %scan3A_182 = arith.constant 8 : i32
      %scan3A_183 = arith.addi %scan3A_181, %scan3A_182 : i32
      %scan3A_184 = arith.constant 1 : i32
      scf.for %scan3A_193 = %scan3A_181 to %scan3A_183 step %scan3A_184  : i32 {
        %mul3A_194 = arith.constant 2 : i32
        %mul3A_195 = arith.muli %mul3A_194, %scan3A_193 : i32
        %add3A_196 = arith.constant 0 : i32
        %add3A_197 = arith.addi %mul3A_195, %add3A_196 : i32
        %dma_wait3A_198 = arith.constant 0 : i32
        %dma_wait3A_199 = tpu.memref_slice %arg9[%add3A_197, %dma_wait3A_198] : memref<16x128xi32, #tpu.memory_space<vmem>> -> memref<1x128xi32, #tpu.memory_space<vmem>>
        %dma_wait3A_200 = tpu.memref_squeeze %dma_wait3A_199 : memref<1x128xi32, #tpu.memory_space<vmem>> -> memref<128xi32, #tpu.memory_space<vmem>>
        %dma_wait3A_201 = arith.constant 0 : i32
        %dma_wait3A_202 = arith.constant 0 : i32
        %dma_wait3A_203 = tpu.memref_slice %arg2[%dma_wait3A_201, %dma_wait3A_202] : memref<10000x128xf32, #tpu.memory_space<hbm>> -> memref<10000x128xf32, #tpu.memory_space<hbm>>
        tpu.wait_indirect_dma semaphore(%arg12 : memref<!tpu.dma_semaphore, #tpu.memory_space<semaphore_mem>>) src(%dma_wait3A_203 : memref<10000x128xf32, #tpu.memory_space<hbm>>) dst(%arg7 : memref<128x128xf32, #tpu.memory_space<vmem>>)
        %gt3A = arith.constant 0 : i32
        %gt3A_204 = arith.cmpi sgt, %scan3A_193, %gt3A : i32
        %convert_element_type3A = arith.extui %gt3A_204 : i1 to i32
        %cond3A = arith.constant 0 : i32
        %cond3A_205 = arith.cmpi ne, %convert_element_type3A, %cond3A : i32
        scf.if %cond3A_205 {
          %sub3A_247 = arith.constant 1 : i32
          %sub3A_248 = arith.subi %add3A_197, %sub3A_247 : i32
          %dma_wait3A_249 = arith.constant 0 : i32
          %dma_wait3A_250 = tpu.memref_slice %arg10[%sub3A_248, %dma_wait3A_249] : memref<16x128xi32, #tpu.memory_space<vmem>> -> memref<1x128xi32, #tpu.memory_space<vmem>>
          %dma_wait3A_251 = tpu.memref_squeeze %dma_wait3A_250 : memref<1x128xi32, #tpu.memory_space<vmem>> -> memref<128xi32, #tpu.memory_space<vmem>>
          %dma_wait3A_252 = arith.constant 0 : i32
          %dma_wait3A_253 = arith.constant 0 : i32
          %dma_wait3A_254 = tpu.memref_slice %arg11[%dma_wait3A_252, %dma_wait3A_253] : memref<10240x128xf32, #tpu.memory_space<vmem_shared>> -> memref<10240x128xf32, #tpu.memory_space<vmem_shared>>
          tpu.wait_indirect_dma semaphore(%arg13 : memref<!tpu.dma_semaphore, #tpu.memory_space<semaphore_mem>>) src(%arg8 : memref<128x128xf32, #tpu.memory_space<vmem>>) dst(%dma_wait3A_254 : memref<10240x128xf32, #tpu.memory_space<vmem_shared>>)
        } else {
        }
        %add3A_206 = arith.constant 1 : i32
        %add3A_207 = arith.addi %add3A_197, %add3A_206 : i32
        %dma_start3A_208 = arith.constant 0 : i32
        %dma_start3A_209 = tpu.memref_slice %arg9[%add3A_207, %dma_start3A_208] : memref<16x128xi32, #tpu.memory_space<vmem>> -> memref<1x128xi32, #tpu.memory_space<vmem>>
        %dma_start3A_210 = tpu.memref_squeeze %dma_start3A_209 : memref<1x128xi32, #tpu.memory_space<vmem>> -> memref<128xi32, #tpu.memory_space<vmem>>
        %dma_start3A_211 = arith.constant 0 : i32
        %dma_start3A_212 = arith.constant 0 : i32
        %dma_start3A_213 = tpu.memref_slice %arg2[%dma_start3A_211, %dma_start3A_212] : memref<10000x128xf32, #tpu.memory_space<hbm>> -> memref<10000x128xf32, #tpu.memory_space<hbm>>
        tpu.enqueue_indirect_dma source(%dma_start3A_213 : memref<10000x128xf32, #tpu.memory_space<hbm>>) target(%arg8 : memref<128x128xf32, #tpu.memory_space<vmem>>) offsets(%dma_start3A_210 : memref<128xi32, #tpu.memory_space<vmem>>) semaphore(%arg12 : memref<!tpu.dma_semaphore, #tpu.memory_space<semaphore_mem>>)
        %dma_start3A_214 = arith.constant 0 : i32
        %dma_start3A_215 = tpu.memref_slice %arg10[%add3A_197, %dma_start3A_214] : memref<16x128xi32, #tpu.memory_space<vmem>> -> memref<1x128xi32, #tpu.memory_space<vmem>>
        %dma_start3A_216 = tpu.memref_squeeze %dma_start3A_215 : memref<1x128xi32, #tpu.memory_space<vmem>> -> memref<128xi32, #tpu.memory_space<vmem>>
        %dma_start3A_217 = arith.constant 0 : i32
        %dma_start3A_218 = arith.constant 0 : i32
        %dma_start3A_219 = tpu.memref_slice %arg11[%dma_start3A_217, %dma_start3A_218] : memref<10240x128xf32, #tpu.memory_space<vmem_shared>> -> memref<10240x128xf32, #tpu.memory_space<vmem_shared>>
        tpu.enqueue_indirect_dma source(%arg7 : memref<128x128xf32, #tpu.memory_space<vmem>>) target(%dma_start3A_219 : memref<10240x128xf32, #tpu.memory_space<vmem_shared>>) offsets(%dma_start3A_216 : memref<128xi32, #tpu.memory_space<vmem>>) semaphore(%arg13 : memref<!tpu.dma_semaphore, #tpu.memory_space<semaphore_mem>>) {add = true}
        %mul3A_220 = arith.constant 2 : i32
        %mul3A_221 = arith.muli %mul3A_220, %scan3A_193 : i32
        %add3A_222 = arith.constant 1 : i32
        %add3A_223 = arith.addi %mul3A_221, %add3A_222 : i32
        %dma_wait3A_224 = arith.constant 0 : i32
        %dma_wait3A_225 = tpu.memref_slice %arg9[%add3A_223, %dma_wait3A_224] : memref<16x128xi32, #tpu.memory_space<vmem>> -> memref<1x128xi32, #tpu.memory_space<vmem>>
        %dma_wait3A_226 = tpu.memref_squeeze %dma_wait3A_225 : memref<1x128xi32, #tpu.memory_space<vmem>> -> memref<128xi32, #tpu.memory_space<vmem>>
        %dma_wait3A_227 = arith.constant 0 : i32
        %dma_wait3A_228 = arith.constant 0 : i32
        %dma_wait3A_229 = tpu.memref_slice %arg2[%dma_wait3A_227, %dma_wait3A_228] : memref<10000x128xf32, #tpu.memory_space<hbm>> -> memref<10000x128xf32, #tpu.memory_space<hbm>>
        tpu.wait_indirect_dma semaphore(%arg12 : memref<!tpu.dma_semaphore, #tpu.memory_space<semaphore_mem>>) src(%dma_wait3A_229 : memref<10000x128xf32, #tpu.memory_space<hbm>>) dst(%arg8 : memref<128x128xf32, #tpu.memory_space<vmem>>)
        %sub3A = arith.constant 1 : i32
        %sub3A_230 = arith.subi %add3A_223, %sub3A : i32
        %dma_wait3A_231 = arith.constant 0 : i32
        %dma_wait3A_232 = tpu.memref_slice %arg10[%sub3A_230, %dma_wait3A_231] : memref<16x128xi32, #tpu.memory_space<vmem>> -> memref<1x128xi32, #tpu.memory_space<vmem>>
        %dma_wait3A_233 = tpu.memref_squeeze %dma_wait3A_232 : memref<1x128xi32, #tpu.memory_space<vmem>> -> memref<128xi32, #tpu.memory_space<vmem>>
        %dma_wait3A_234 = arith.constant 0 : i32
        %dma_wait3A_235 = arith.constant 0 : i32
        %dma_wait3A_236 = tpu.memref_slice %arg11[%dma_wait3A_234, %dma_wait3A_235] : memref<10240x128xf32, #tpu.memory_space<vmem_shared>> -> memref<10240x128xf32, #tpu.memory_space<vmem_shared>>
        tpu.wait_indirect_dma semaphore(%arg13 : memref<!tpu.dma_semaphore, #tpu.memory_space<semaphore_mem>>) src(%arg7 : memref<128x128xf32, #tpu.memory_space<vmem>>) dst(%dma_wait3A_236 : memref<10240x128xf32, #tpu.memory_space<vmem_shared>>)
        %lt3A = arith.constant 7 : i32
        %lt3A_237 = arith.cmpi slt, %scan3A_193, %lt3A : i32
        %convert_element_type3A_238 = arith.extui %lt3A_237 : i1 to i32
        %cond3A_239 = arith.constant 0 : i32
        %cond3A_240 = arith.cmpi ne, %convert_element_type3A_238, %cond3A_239 : i32
        scf.if %cond3A_240 {
          %add3A_247 = arith.constant 1 : i32
          %add3A_248 = arith.addi %add3A_223, %add3A_247 : i32
          %dma_start3A_249 = arith.constant 0 : i32
          %dma_start3A_250 = tpu.memref_slice %arg9[%add3A_248, %dma_start3A_249] : memref<16x128xi32, #tpu.memory_space<vmem>> -> memref<1x128xi32, #tpu.memory_space<vmem>>
          %dma_start3A_251 = tpu.memref_squeeze %dma_start3A_250 : memref<1x128xi32, #tpu.memory_space<vmem>> -> memref<128xi32, #tpu.memory_space<vmem>>
          %dma_start3A_252 = arith.constant 0 : i32
          %dma_start3A_253 = arith.constant 0 : i32
          %dma_start3A_254 = tpu.memref_slice %arg2[%dma_start3A_252, %dma_start3A_253] : memref<10000x128xf32, #tpu.memory_space<hbm>> -> memref<10000x128xf32, #tpu.memory_space<hbm>>
          tpu.enqueue_indirect_dma source(%dma_start3A_254 : memref<10000x128xf32, #tpu.memory_space<hbm>>) target(%arg7 : memref<128x128xf32, #tpu.memory_space<vmem>>) offsets(%dma_start3A_251 : memref<128xi32, #tpu.memory_space<vmem>>) semaphore(%arg12 : memref<!tpu.dma_semaphore, #tpu.memory_space<semaphore_mem>>)
        } else {
        }
        %dma_start3A_241 = arith.constant 0 : i32
        %dma_start3A_242 = tpu.memref_slice %arg10[%add3A_223, %dma_start3A_241] : memref<16x128xi32, #tpu.memory_space<vmem>> -> memref<1x128xi32, #tpu.memory_space<vmem>>
        %dma_start3A_243 = tpu.memref_squeeze %dma_start3A_242 : memref<1x128xi32, #tpu.memory_space<vmem>> -> memref<128xi32, #tpu.memory_space<vmem>>
        %dma_start3A_244 = arith.constant 0 : i32
        %dma_start3A_245 = arith.constant 0 : i32
        %dma_start3A_246 = tpu.memref_slice %arg11[%dma_start3A_244, %dma_start3A_245] : memref<10240x128xf32, #tpu.memory_space<vmem_shared>> -> memref<10240x128xf32, #tpu.memory_space<vmem_shared>>
        tpu.enqueue_indirect_dma source(%arg8 : memref<128x128xf32, #tpu.memory_space<vmem>>) target(%dma_start3A_246 : memref<10240x128xf32, #tpu.memory_space<vmem_shared>>) offsets(%dma_start3A_243 : memref<128xi32, #tpu.memory_space<vmem>>) semaphore(%arg13 : memref<!tpu.dma_semaphore, #tpu.memory_space<semaphore_mem>>) {add = true}
      }
      %scan3A_185 = arith.constant 8 : i32
      %dma_wait3A_186 = arith.constant 15 : i32
      %dma_wait3A_187 = arith.constant 0 : i32
      %dma_wait3A_188 = tpu.memref_slice %arg10[%dma_wait3A_186, %dma_wait3A_187] : memref<16x128xi32, #tpu.memory_space<vmem>> -> memref<1x128xi32, #tpu.memory_space<vmem>>
      %dma_wait3A_189 = tpu.memref_squeeze %dma_wait3A_188 : memref<1x128xi32, #tpu.memory_space<vmem>> -> memref<128xi32, #tpu.memory_space<vmem>>
      %dma_wait3A_190 = arith.constant 0 : i32
      %dma_wait3A_191 = arith.constant 0 : i32
      %dma_wait3A_192 = tpu.memref_slice %arg11[%dma_wait3A_190, %dma_wait3A_191] : memref<10240x128xf32, #tpu.memory_space<vmem_shared>> -> memref<10240x128xf32, #tpu.memory_space<vmem_shared>>
      tpu.wait_indirect_dma semaphore(%arg13 : memref<!tpu.dma_semaphore, #tpu.memory_space<semaphore_mem>>) src(%arg8 : memref<128x128xf32, #tpu.memory_space<vmem>>) dst(%dma_wait3A_192 : memref<10240x128xf32, #tpu.memory_space<vmem_shared>>)
    }
    %barrier3A_68 = arith.constant 0 : index
    tpu.barrier barrier_id(%barrier3A_68)
    %mul3A_69 = arith.constant 10240 : i32
    %mul3A_70 = arith.muli %arg0, %mul3A_69 : i32
    %add3A_71 = arith.addi %mul3A_70, %mul3A_0 : i32
    %dma_start3A_72 = arith.constant 0 : i32
    %dma_start3A_73 = tpu.memref_slice %arg11[%mul3A_0, %dma_start3A_72] : memref<10240x128xf32, #tpu.memory_space<vmem_shared>> -> memref<128x128xf32, #tpu.memory_space<vmem_shared>>
    %dma_start3A_74 = arith.constant 0 : i32
    %dma_start3A_75 = tpu.memref_slice %arg11[%mul3A_0, %dma_start3A_74] : memref<10240x128xf32, #tpu.memory_space<vmem_shared>> -> memref<128x128xf32, #tpu.memory_space<vmem_shared>>
    tpu.enqueue_dma source(%dma_start3A_75 : memref<128x128xf32, #tpu.memory_space<vmem_shared>>) target(%arg7 : memref<128x128xf32, #tpu.memory_space<vmem>>) target_semaphore(%arg12 : memref<!tpu.dma_semaphore, #tpu.memory_space<semaphore_mem>>)
    %dma_wait3A_76 = arith.constant 0 : i32
    %dma_wait3A_77 = tpu.memref_slice %arg11[%mul3A_0, %dma_wait3A_76] : memref<10240x128xf32, #tpu.memory_space<vmem_shared>> -> memref<128x128xf32, #tpu.memory_space<vmem_shared>>
    %dma_wait3A_78 = arith.constant 0 : i32
    %dma_wait3A_79 = tpu.memref_slice %arg11[%mul3A_0, %dma_wait3A_78] : memref<10240x128xf32, #tpu.memory_space<vmem_shared>> -> memref<128x128xf32, #tpu.memory_space<vmem_shared>>
    tpu.wait_dma2 semaphore(%arg12 : memref<!tpu.dma_semaphore, #tpu.memory_space<semaphore_mem>>) src(%dma_wait3A_79 : memref<128x128xf32, #tpu.memory_space<vmem_shared>>) dst(%arg7 : memref<128x128xf32, #tpu.memory_space<vmem>>)
    %add3A_80 = arith.constant 128 : i32
    %add3A_81 = arith.addi %mul3A_0, %add3A_80 : i32
    %dma_start3A_82 = arith.constant 0 : i32
    %dma_start3A_83 = tpu.memref_slice %arg11[%add3A_81, %dma_start3A_82] : memref<10240x128xf32, #tpu.memory_space<vmem_shared>> -> memref<128x128xf32, #tpu.memory_space<vmem_shared>>
    %dma_start3A_84 = arith.constant 0 : i32
    %dma_start3A_85 = tpu.memref_slice %arg11[%add3A_81, %dma_start3A_84] : memref<10240x128xf32, #tpu.memory_space<vmem_shared>> -> memref<128x128xf32, #tpu.memory_space<vmem_shared>>
    tpu.enqueue_dma source(%dma_start3A_85 : memref<128x128xf32, #tpu.memory_space<vmem_shared>>) target(%arg8 : memref<128x128xf32, #tpu.memory_space<vmem>>) target_semaphore(%arg12 : memref<!tpu.dma_semaphore, #tpu.memory_space<semaphore_mem>>)
    %add3A_86 = arith.constant 0 : i32
    %add3A_87 = arith.addi %add3A_71, %add3A_86 : i32
    %dma_start3A_88 = arith.constant 0 : i32
    %dma_start3A_89 = tpu.memref_slice %arg6[%add3A_87, %dma_start3A_88] : memref<20480x128xf32, #tpu.memory_space<hbm>> -> memref<128x128xf32, #tpu.memory_space<hbm>>
    %dma_start3A_90 = arith.constant 0 : i32
    %dma_start3A_91 = tpu.memref_slice %arg6[%add3A_87, %dma_start3A_90] : memref<20480x128xf32, #tpu.memory_space<hbm>> -> memref<128x128xf32, #tpu.memory_space<hbm>>
    tpu.enqueue_dma source(%arg7 : memref<128x128xf32, #tpu.memory_space<vmem>>) target(%dma_start3A_91 : memref<128x128xf32, #tpu.memory_space<hbm>>) target_semaphore(%arg13 : memref<!tpu.dma_semaphore, #tpu.memory_space<semaphore_mem>>)
    %dma_wait3A_92 = arith.constant 0 : i32
    %dma_wait3A_93 = tpu.memref_slice %arg11[%add3A_81, %dma_wait3A_92] : memref<10240x128xf32, #tpu.memory_space<vmem_shared>> -> memref<128x128xf32, #tpu.memory_space<vmem_shared>>
    %dma_wait3A_94 = arith.constant 0 : i32
    %dma_wait3A_95 = tpu.memref_slice %arg11[%add3A_81, %dma_wait3A_94] : memref<10240x128xf32, #tpu.memory_space<vmem_shared>> -> memref<128x128xf32, #tpu.memory_space<vmem_shared>>
    tpu.wait_dma2 semaphore(%arg12 : memref<!tpu.dma_semaphore, #tpu.memory_space<semaphore_mem>>) src(%dma_wait3A_95 : memref<128x128xf32, #tpu.memory_space<vmem_shared>>) dst(%arg8 : memref<128x128xf32, #tpu.memory_space<vmem>>)
    %dma_wait3A_96 = arith.constant 0 : i32
    %dma_wait3A_97 = tpu.memref_slice %arg6[%add3A_87, %dma_wait3A_96] : memref<20480x128xf32, #tpu.memory_space<hbm>> -> memref<128x128xf32, #tpu.memory_space<hbm>>
    %dma_wait3A_98 = arith.constant 0 : i32
    %dma_wait3A_99 = tpu.memref_slice %arg6[%add3A_87, %dma_wait3A_98] : memref<20480x128xf32, #tpu.memory_space<hbm>> -> memref<128x128xf32, #tpu.memory_space<hbm>>
    tpu.wait_dma2 semaphore(%arg13 : memref<!tpu.dma_semaphore, #tpu.memory_space<semaphore_mem>>) src(%arg7 : memref<128x128xf32, #tpu.memory_space<vmem>>) dst(%dma_wait3A_99 : memref<128x128xf32, #tpu.memory_space<hbm>>)
    %add3A_100 = arith.constant 256 : i32
    %add3A_101 = arith.addi %mul3A_0, %add3A_100 : i32
    %dma_start3A_102 = arith.constant 0 : i32
    %dma_start3A_103 = tpu.memref_slice %arg11[%add3A_101, %dma_start3A_102] : memref<10240x128xf32, #tpu.memory_space<vmem_shared>> -> memref<128x128xf32, #tpu.memory_space<vmem_shared>>
    %dma_start3A_104 = arith.constant 0 : i32
    %dma_start3A_105 = tpu.memref_slice %arg11[%add3A_101, %dma_start3A_104] : memref<10240x128xf32, #tpu.memory_space<vmem_shared>> -> memref<128x128xf32, #tpu.memory_space<vmem_shared>>
    tpu.enqueue_dma source(%dma_start3A_105 : memref<128x128xf32, #tpu.memory_space<vmem_shared>>) target(%arg7 : memref<128x128xf32, #tpu.memory_space<vmem>>) target_semaphore(%arg12 : memref<!tpu.dma_semaphore, #tpu.memory_space<semaphore_mem>>)
    %add3A_106 = arith.constant 128 : i32
    %add3A_107 = arith.addi %add3A_71, %add3A_106 : i32
    %dma_start3A_108 = arith.constant 0 : i32
    %dma_start3A_109 = tpu.memref_slice %arg6[%add3A_107, %dma_start3A_108] : memref<20480x128xf32, #tpu.memory_space<hbm>> -> memref<128x128xf32, #tpu.memory_space<hbm>>
    %dma_start3A_110 = arith.constant 0 : i32
    %dma_start3A_111 = tpu.memref_slice %arg6[%add3A_107, %dma_start3A_110] : memref<20480x128xf32, #tpu.memory_space<hbm>> -> memref<128x128xf32, #tpu.memory_space<hbm>>
    tpu.enqueue_dma source(%arg8 : memref<128x128xf32, #tpu.memory_space<vmem>>) target(%dma_start3A_111 : memref<128x128xf32, #tpu.memory_space<hbm>>) target_semaphore(%arg13 : memref<!tpu.dma_semaphore, #tpu.memory_space<semaphore_mem>>)
    %dma_wait3A_112 = arith.constant 0 : i32
    %dma_wait3A_113 = tpu.memref_slice %arg11[%add3A_101, %dma_wait3A_112] : memref<10240x128xf32, #tpu.memory_space<vmem_shared>> -> memref<128x128xf32, #tpu.memory_space<vmem_shared>>
    %dma_wait3A_114 = arith.constant 0 : i32
    %dma_wait3A_115 = tpu.memref_slice %arg11[%add3A_101, %dma_wait3A_114] : memref<10240x128xf32, #tpu.memory_space<vmem_shared>> -> memref<128x128xf32, #tpu.memory_space<vmem_shared>>
    tpu.wait_dma2 semaphore(%arg12 : memref<!tpu.dma_semaphore, #tpu.memory_space<semaphore_mem>>) src(%dma_wait3A_115 : memref<128x128xf32, #tpu.memory_space<vmem_shared>>) dst(%arg7 : memref<128x128xf32, #tpu.memory_space<vmem>>)
    %dma_wait3A_116 = arith.constant 0 : i32
    %dma_wait3A_117 = tpu.memref_slice %arg6[%add3A_107, %dma_wait3A_116] : memref<20480x128xf32, #tpu.memory_space<hbm>> -> memref<128x128xf32, #tpu.memory_space<hbm>>
    %dma_wait3A_118 = arith.constant 0 : i32
    %dma_wait3A_119 = tpu.memref_slice %arg6[%add3A_107, %dma_wait3A_118] : memref<20480x128xf32, #tpu.memory_space<hbm>> -> memref<128x128xf32, #tpu.memory_space<hbm>>
    tpu.wait_dma2 semaphore(%arg13 : memref<!tpu.dma_semaphore, #tpu.memory_space<semaphore_mem>>) src(%arg8 : memref<128x128xf32, #tpu.memory_space<vmem>>) dst(%dma_wait3A_119 : memref<128x128xf32, #tpu.memory_space<hbm>>)
    %add3A_120 = arith.constant 384 : i32
    %add3A_121 = arith.addi %mul3A_0, %add3A_120 : i32
    %dma_start3A_122 = arith.constant 0 : i32
    %dma_start3A_123 = tpu.memref_slice %arg11[%add3A_121, %dma_start3A_122] : memref<10240x128xf32, #tpu.memory_space<vmem_shared>> -> memref<128x128xf32, #tpu.memory_space<vmem_shared>>
    %dma_start3A_124 = arith.constant 0 : i32
    %dma_start3A_125 = tpu.memref_slice %arg11[%add3A_121, %dma_start3A_124] : memref<10240x128xf32, #tpu.memory_space<vmem_shared>> -> memref<128x128xf32, #tpu.memory_space<vmem_shared>>
    tpu.enqueue_dma source(%dma_start3A_125 : memref<128x128xf32, #tpu.memory_space<vmem_shared>>) target(%arg8 : memref<128x128xf32, #tpu.memory_space<vmem>>) target_semaphore(%arg12 : memref<!tpu.dma_semaphore, #tpu.memory_space<semaphore_mem>>)
    %add3A_126 = arith.constant 256 : i32
    %add3A_127 = arith.addi %add3A_71, %add3A_126 : i32
    %dma_start3A_128 = arith.constant 0 : i32
    %dma_start3A_129 = tpu.memref_slice %arg6[%add3A_127, %dma_start3A_128] : memref<20480x128xf32, #tpu.memory_space<hbm>> -> memref<128x128xf32, #tpu.memory_space<hbm>>
    %dma_start3A_130 = arith.constant 0 : i32
    %dma_start3A_131 = tpu.memref_slice %arg6[%add3A_127, %dma_start3A_130] : memref<20480x128xf32, #tpu.memory_space<hbm>> -> memref<128x128xf32, #tpu.memory_space<hbm>>
    tpu.enqueue_dma source(%arg7 : memref<128x128xf32, #tpu.memory_space<vmem>>) target(%dma_start3A_131 : memref<128x128xf32, #tpu.memory_space<hbm>>) target_semaphore(%arg13 : memref<!tpu.dma_semaphore, #tpu.memory_space<semaphore_mem>>)
    %dma_wait3A_132 = arith.constant 0 : i32
    %dma_wait3A_133 = tpu.memref_slice %arg11[%add3A_121, %dma_wait3A_132] : memref<10240x128xf32, #tpu.memory_space<vmem_shared>> -> memref<128x128xf32, #tpu.memory_space<vmem_shared>>
    %dma_wait3A_134 = arith.constant 0 : i32
    %dma_wait3A_135 = tpu.memref_slice %arg11[%add3A_121, %dma_wait3A_134] : memref<10240x128xf32, #tpu.memory_space<vmem_shared>> -> memref<128x128xf32, #tpu.memory_space<vmem_shared>>
    tpu.wait_dma2 semaphore(%arg12 : memref<!tpu.dma_semaphore, #tpu.memory_space<semaphore_mem>>) src(%dma_wait3A_135 : memref<128x128xf32, #tpu.memory_space<vmem_shared>>) dst(%arg8 : memref<128x128xf32, #tpu.memory_space<vmem>>)
    %dma_wait3A_136 = arith.constant 0 : i32
    %dma_wait3A_137 = tpu.memref_slice %arg6[%add3A_127, %dma_wait3A_136] : memref<20480x128xf32, #tpu.memory_space<hbm>> -> memref<128x128xf32, #tpu.memory_space<hbm>>
    %dma_wait3A_138 = arith.constant 0 : i32
    %dma_wait3A_139 = tpu.memref_slice %arg6[%add3A_127, %dma_wait3A_138] : memref<20480x128xf32, #tpu.memory_space<hbm>> -> memref<128x128xf32, #tpu.memory_space<hbm>>
    tpu.wait_dma2 semaphore(%arg13 : memref<!tpu.dma_semaphore, #tpu.memory_space<semaphore_mem>>) src(%arg7 : memref<128x128xf32, #tpu.memory_space<vmem>>) dst(%dma_wait3A_139 : memref<128x128xf32, #tpu.memory_space<hbm>>)
    %add3A_140 = arith.constant 512 : i32
    %add3A_141 = arith.addi %mul3A_0, %add3A_140 : i32
    %dma_start3A_142 = arith.constant 0 : i32
    %dma_start3A_143 = tpu.memref_slice %arg11[%add3A_141, %dma_start3A_142] : memref<10240x128xf32, #tpu.memory_space<vmem_shared>> -> memref<128x128xf32, #tpu.memory_space<vmem_shared>>
    %dma_start3A_144 = arith.constant 0 : i32
    %dma_start3A_145 = tpu.memref_slice %arg11[%add3A_141, %dma_start3A_144] : memref<10240x128xf32, #tpu.memory_space<vmem_shared>> -> memref<128x128xf32, #tpu.memory_space<vmem_shared>>
    tpu.enqueue_dma source(%dma_start3A_145 : memref<128x128xf32, #tpu.memory_space<vmem_shared>>) target(%arg7 : memref<128x128xf32, #tpu.memory_space<vmem>>) target_semaphore(%arg12 : memref<!tpu.dma_semaphore, #tpu.memory_space<semaphore_mem>>)
    %add3A_146 = arith.constant 384 : i32
    %add3A_147 = arith.addi %add3A_71, %add3A_146 : i32
    %dma_start3A_148 = arith.constant 0 : i32
    %dma_start3A_149 = tpu.memref_slice %arg6[%add3A_147, %dma_start3A_148] : memref<20480x128xf32, #tpu.memory_space<hbm>> -> memref<128x128xf32, #tpu.memory_space<hbm>>
    %dma_start3A_150 = arith.constant 0 : i32
    %dma_start3A_151 = tpu.memref_slice %arg6[%add3A_147, %dma_start3A_150] : memref<20480x128xf32, #tpu.memory_space<hbm>> -> memref<128x128xf32, #tpu.memory_space<hbm>>
    tpu.enqueue_dma source(%arg8 : memref<128x128xf32, #tpu.memory_space<vmem>>) target(%dma_start3A_151 : memref<128x128xf32, #tpu.memory_space<hbm>>) target_semaphore(%arg13 : memref<!tpu.dma_semaphore, #tpu.memory_space<semaphore_mem>>)
    %dma_wait3A_152 = arith.constant 0 : i32
    %dma_wait3A_153 = tpu.memref_slice %arg11[%add3A_141, %dma_wait3A_152] : memref<10240x128xf32, #tpu.memory_space<vmem_shared>> -> memref<128x128xf32, #tpu.memory_space<vmem_shared>>
    %dma_wait3A_154 = arith.constant 0 : i32
    %dma_wait3A_155 = tpu.memref_slice %arg11[%add3A_141, %dma_wait3A_154] : memref<10240x128xf32, #tpu.memory_space<vmem_shared>> -> memref<128x128xf32, #tpu.memory_space<vmem_shared>>
    tpu.wait_dma2 semaphore(%arg12 : memref<!tpu.dma_semaphore, #tpu.memory_space<semaphore_mem>>) src(%dma_wait3A_155 : memref<128x128xf32, #tpu.memory_space<vmem_shared>>) dst(%arg7 : memref<128x128xf32, #tpu.memory_space<vmem>>)
    %add3A_156 = arith.constant 512 : i32
    %add3A_157 = arith.addi %add3A_71, %add3A_156 : i32
    %dma_start3A_158 = arith.constant 0 : i32
    %dma_start3A_159 = tpu.memref_slice %arg6[%add3A_157, %dma_start3A_158] : memref<20480x128xf32, #tpu.memory_space<hbm>> -> memref<128x128xf32, #tpu.memory_space<hbm>>
    %dma_start3A_160 = arith.constant 0 : i32
    %dma_start3A_161 = tpu.memref_slice %arg6[%add3A_157, %dma_start3A_160] : memref<20480x128xf32, #tpu.memory_space<hbm>> -> memref<128x128xf32, #tpu.memory_space<hbm>>
    tpu.enqueue_dma source(%arg7 : memref<128x128xf32, #tpu.memory_space<vmem>>) target(%dma_start3A_161 : memref<128x128xf32, #tpu.memory_space<hbm>>) target_semaphore(%arg13 : memref<!tpu.dma_semaphore, #tpu.memory_space<semaphore_mem>>)
    %dma_wait3A_162 = arith.constant 0 : i32
    %dma_wait3A_163 = tpu.memref_slice %arg6[%add3A_147, %dma_wait3A_162] : memref<20480x128xf32, #tpu.memory_space<hbm>> -> memref<128x128xf32, #tpu.memory_space<hbm>>
    %dma_wait3A_164 = arith.constant 0 : i32
    %dma_wait3A_165 = tpu.memref_slice %arg6[%add3A_147, %dma_wait3A_164] : memref<20480x128xf32, #tpu.memory_space<hbm>> -> memref<128x128xf32, #tpu.memory_space<hbm>>
    tpu.wait_dma2 semaphore(%arg13 : memref<!tpu.dma_semaphore, #tpu.memory_space<semaphore_mem>>) src(%arg8 : memref<128x128xf32, #tpu.memory_space<vmem>>) dst(%dma_wait3A_165 : memref<128x128xf32, #tpu.memory_space<hbm>>)
    %dma_wait3A_166 = arith.constant 0 : i32
    %dma_wait3A_167 = tpu.memref_slice %arg6[%add3A_157, %dma_wait3A_166] : memref<20480x128xf32, #tpu.memory_space<hbm>> -> memref<128x128xf32, #tpu.memory_space<hbm>>
    %dma_wait3A_168 = arith.constant 0 : i32
    %dma_wait3A_169 = tpu.memref_slice %arg6[%add3A_157, %dma_wait3A_168] : memref<20480x128xf32, #tpu.memory_space<hbm>> -> memref<128x128xf32, #tpu.memory_space<hbm>>
    tpu.wait_dma2 semaphore(%arg13 : memref<!tpu.dma_semaphore, #tpu.memory_space<semaphore_mem>>) src(%arg7 : memref<128x128xf32, #tpu.memory_space<vmem>>) dst(%dma_wait3A_169 : memref<128x128xf32, #tpu.memory_space<hbm>>)
    return
  }
}

#map = affine_map<(d0, d1) -> (0, 0)>
module attributes {stable_mosaic.version = 14 : i64} {
  func.func @agg(%arg0: i32, %arg1: i32, %arg2: memref<10000x128xf32, #tpu.memory_space<hbm>>, %arg3: memref<2560x128xi32, #tpu.memory_space<hbm>>, %arg4: memref<2560x128xi32, #tpu.memory_space<hbm>>, %arg5: memref<128x128xf32, #tpu.memory_space<hbm>>, %arg6: memref<20480x128xf32, #tpu.memory_space<hbm>>, %arg7: memref<128x128xf32, #tpu.memory_space<vmem>>, %arg8: memref<128x128xf32, #tpu.memory_space<vmem>>, %arg9: memref<16x128xi32, #tpu.memory_space<vmem>>, %arg10: memref<16x128xi32, #tpu.memory_space<vmem>>, %arg11: memref<10240x128xf32, #tpu.memory_space<vmem_shared>>, %arg12: memref<!tpu.dma_semaphore, #tpu.memory_space<semaphore_mem>>, %arg13: memref<!tpu.dma_semaphore, #tpu.memory_space<semaphore_mem>>) attributes {dimension_semantics = [#tpu.dimension_semantics<core_parallel>, #tpu.dimension_semantics<subcore_parallel>], iteration_bounds = array<i64: 2, 16>, scalar_prefetch = 0 : i64, scratch_operands = 7 : i64, tpu.core_type = #tpu.core_type<sc_vector_subcore>, window_params = [{transform_indices = #map}, {transform_indices = #map}, {transform_indices = #map}, {transform_indices = #map}, {transform_indices = #map}]} {
    %mul3A = arith.constant 640 : i32
    %mul3A_0 = arith.muli %arg1, %mul3A : i32
    "tpu.region"() ({
      %run_scoped3A = tpu.sem_alloc : memref<!tpu.dma_semaphore, #tpu.memory_space<semaphore_mem>>
      tpu.enqueue_dma source(%arg5 : memref<128x128xf32, #tpu.memory_space<hbm>>) target(%arg7 : memref<128x128xf32, #tpu.memory_space<vmem>>) target_semaphore(%run_scoped3A : memref<!tpu.dma_semaphore, #tpu.memory_space<semaphore_mem>>)
      tpu.wait_dma2 semaphore(%run_scoped3A : memref<!tpu.dma_semaphore, #tpu.memory_space<semaphore_mem>>) src(%arg5 : memref<128x128xf32, #tpu.memory_space<hbm>>) dst(%arg7 : memref<128x128xf32, #tpu.memory_space<vmem>>)
      tpu.yield
    }) : () -> ()
    %add3A = arith.constant 0 : i32
    %add3A_1 = arith.addi %mul3A_0, %add3A : i32
    %dma_start3A = arith.constant 0 : i32
    %dma_start3A_2 = tpu.memref_slice %arg11[%add3A_1, %dma_start3A] : memref<10240x128xf32, #tpu.memory_space<vmem_shared>> -> memref<128x128xf32, #tpu.memory_space<vmem_shared>>
    %dma_start3A_3 = arith.constant 0 : i32
    %dma_start3A_4 = tpu.memref_slice %arg11[%add3A_1, %dma_start3A_3] : memref<10240x128xf32, #tpu.memory_space<vmem_shared>> -> memref<128x128xf32, #tpu.memory_space<vmem_shared>>
    tpu.enqueue_dma source(%arg7 : memref<128x128xf32, #tpu.memory_space<vmem>>) target(%dma_start3A_4 : memref<128x128xf32, #tpu.memory_space<vmem_shared>>) target_semaphore(%arg13 : memref<!tpu.dma_semaphore, #tpu.memory_space<semaphore_mem>>)
    %add3A_5 = arith.constant 128 : i32
    %add3A_6 = arith.addi %mul3A_0, %add3A_5 : i32
    %dma_start3A_7 = arith.constant 0 : i32
    %dma_start3A_8 = tpu.memref_slice %arg11[%add3A_6, %dma_start3A_7] : memref<10240x128xf32, #tpu.memory_space<vmem_shared>> -> memref<128x128xf32, #tpu.memory_space<vmem_shared>>
    %dma_start3A_9 = arith.constant 0 : i32
    %dma_start3A_10 = tpu.memref_slice %arg11[%add3A_6, %dma_start3A_9] : memref<10240x128xf32, #tpu.memory_space<vmem_shared>> -> memref<128x128xf32, #tpu.memory_space<vmem_shared>>
    tpu.enqueue_dma source(%arg7 : memref<128x128xf32, #tpu.memory_space<vmem>>) target(%dma_start3A_10 : memref<128x128xf32, #tpu.memory_space<vmem_shared>>) target_semaphore(%arg13 : memref<!tpu.dma_semaphore, #tpu.memory_space<semaphore_mem>>)
    %add3A_11 = arith.constant 256 : i32
    %add3A_12 = arith.addi %mul3A_0, %add3A_11 : i32
    %dma_start3A_13 = arith.constant 0 : i32
    %dma_start3A_14 = tpu.memref_slice %arg11[%add3A_12, %dma_start3A_13] : memref<10240x128xf32, #tpu.memory_space<vmem_shared>> -> memref<128x128xf32, #tpu.memory_space<vmem_shared>>
    %dma_start3A_15 = arith.constant 0 : i32
    %dma_start3A_16 = tpu.memref_slice %arg11[%add3A_12, %dma_start3A_15] : memref<10240x128xf32, #tpu.memory_space<vmem_shared>> -> memref<128x128xf32, #tpu.memory_space<vmem_shared>>
    tpu.enqueue_dma source(%arg7 : memref<128x128xf32, #tpu.memory_space<vmem>>) target(%dma_start3A_16 : memref<128x128xf32, #tpu.memory_space<vmem_shared>>) target_semaphore(%arg13 : memref<!tpu.dma_semaphore, #tpu.memory_space<semaphore_mem>>)
    %add3A_17 = arith.constant 384 : i32
    %add3A_18 = arith.addi %mul3A_0, %add3A_17 : i32
    %dma_start3A_19 = arith.constant 0 : i32
    %dma_start3A_20 = tpu.memref_slice %arg11[%add3A_18, %dma_start3A_19] : memref<10240x128xf32, #tpu.memory_space<vmem_shared>> -> memref<128x128xf32, #tpu.memory_space<vmem_shared>>
    %dma_start3A_21 = arith.constant 0 : i32
    %dma_start3A_22 = tpu.memref_slice %arg11[%add3A_18, %dma_start3A_21] : memref<10240x128xf32, #tpu.memory_space<vmem_shared>> -> memref<128x128xf32, #tpu.memory_space<vmem_shared>>
    tpu.enqueue_dma source(%arg7 : memref<128x128xf32, #tpu.memory_space<vmem>>) target(%dma_start3A_22 : memref<128x128xf32, #tpu.memory_space<vmem_shared>>) target_semaphore(%arg13 : memref<!tpu.dma_semaphore, #tpu.memory_space<semaphore_mem>>)
    %add3A_23 = arith.constant 512 : i32
    %add3A_24 = arith.addi %mul3A_0, %add3A_23 : i32
    %dma_start3A_25 = arith.constant 0 : i32
    %dma_start3A_26 = tpu.memref_slice %arg11[%add3A_24, %dma_start3A_25] : memref<10240x128xf32, #tpu.memory_space<vmem_shared>> -> memref<128x128xf32, #tpu.memory_space<vmem_shared>>
    %dma_start3A_27 = arith.constant 0 : i32
    %dma_start3A_28 = tpu.memref_slice %arg11[%add3A_24, %dma_start3A_27] : memref<10240x128xf32, #tpu.memory_space<vmem_shared>> -> memref<128x128xf32, #tpu.memory_space<vmem_shared>>
    tpu.enqueue_dma source(%arg7 : memref<128x128xf32, #tpu.memory_space<vmem>>) target(%dma_start3A_28 : memref<128x128xf32, #tpu.memory_space<vmem_shared>>) target_semaphore(%arg13 : memref<!tpu.dma_semaphore, #tpu.memory_space<semaphore_mem>>)
    %dma_wait3A = arith.constant 0 : i32
    %dma_wait3A_29 = tpu.memref_slice %arg11[%add3A_1, %dma_wait3A] : memref<10240x128xf32, #tpu.memory_space<vmem_shared>> -> memref<128x128xf32, #tpu.memory_space<vmem_shared>>
    %dma_wait3A_30 = arith.constant 0 : i32
    %dma_wait3A_31 = tpu.memref_slice %arg11[%add3A_1, %dma_wait3A_30] : memref<10240x128xf32, #tpu.memory_space<vmem_shared>> -> memref<128x128xf32, #tpu.memory_space<vmem_shared>>
    tpu.wait_dma2 semaphore(%arg13 : memref<!tpu.dma_semaphore, #tpu.memory_space<semaphore_mem>>) src(%arg7 : memref<128x128xf32, #tpu.memory_space<vmem>>) dst(%dma_wait3A_31 : memref<128x128xf32, #tpu.memory_space<vmem_shared>>)
    %dma_wait3A_32 = arith.constant 0 : i32
    %dma_wait3A_33 = tpu.memref_slice %arg11[%add3A_6, %dma_wait3A_32] : memref<10240x128xf32, #tpu.memory_space<vmem_shared>> -> memref<128x128xf32, #tpu.memory_space<vmem_shared>>
    %dma_wait3A_34 = arith.constant 0 : i32
    %dma_wait3A_35 = tpu.memref_slice %arg11[%add3A_6, %dma_wait3A_34] : memref<10240x128xf32, #tpu.memory_space<vmem_shared>> -> memref<128x128xf32, #tpu.memory_space<vmem_shared>>
    tpu.wait_dma2 semaphore(%arg13 : memref<!tpu.dma_semaphore, #tpu.memory_space<semaphore_mem>>) src(%arg7 : memref<128x128xf32, #tpu.memory_space<vmem>>) dst(%dma_wait3A_35 : memref<128x128xf32, #tpu.memory_space<vmem_shared>>)
    %dma_wait3A_36 = arith.constant 0 : i32
    %dma_wait3A_37 = tpu.memref_slice %arg11[%add3A_12, %dma_wait3A_36] : memref<10240x128xf32, #tpu.memory_space<vmem_shared>> -> memref<128x128xf32, #tpu.memory_space<vmem_shared>>
    %dma_wait3A_38 = arith.constant 0 : i32
    %dma_wait3A_39 = tpu.memref_slice %arg11[%add3A_12, %dma_wait3A_38] : memref<10240x128xf32, #tpu.memory_space<vmem_shared>> -> memref<128x128xf32, #tpu.memory_space<vmem_shared>>
    tpu.wait_dma2 semaphore(%arg13 : memref<!tpu.dma_semaphore, #tpu.memory_space<semaphore_mem>>) src(%arg7 : memref<128x128xf32, #tpu.memory_space<vmem>>) dst(%dma_wait3A_39 : memref<128x128xf32, #tpu.memory_space<vmem_shared>>)
    %dma_wait3A_40 = arith.constant 0 : i32
    %dma_wait3A_41 = tpu.memref_slice %arg11[%add3A_18, %dma_wait3A_40] : memref<10240x128xf32, #tpu.memory_space<vmem_shared>> -> memref<128x128xf32, #tpu.memory_space<vmem_shared>>
    %dma_wait3A_42 = arith.constant 0 : i32
    %dma_wait3A_43 = tpu.memref_slice %arg11[%add3A_18, %dma_wait3A_42] : memref<10240x128xf32, #tpu.memory_space<vmem_shared>> -> memref<128x128xf32, #tpu.memory_space<vmem_shared>>
    tpu.wait_dma2 semaphore(%arg13 : memref<!tpu.dma_semaphore, #tpu.memory_space<semaphore_mem>>) src(%arg7 : memref<128x128xf32, #tpu.memory_space<vmem>>) dst(%dma_wait3A_43 : memref<128x128xf32, #tpu.memory_space<vmem_shared>>)
    %dma_wait3A_44 = arith.constant 0 : i32
    %dma_wait3A_45 = tpu.memref_slice %arg11[%add3A_24, %dma_wait3A_44] : memref<10240x128xf32, #tpu.memory_space<vmem_shared>> -> memref<128x128xf32, #tpu.memory_space<vmem_shared>>
    %dma_wait3A_46 = arith.constant 0 : i32
    %dma_wait3A_47 = tpu.memref_slice %arg11[%add3A_24, %dma_wait3A_46] : memref<10240x128xf32, #tpu.memory_space<vmem_shared>> -> memref<128x128xf32, #tpu.memory_space<vmem_shared>>
    tpu.wait_dma2 semaphore(%arg13 : memref<!tpu.dma_semaphore, #tpu.memory_space<semaphore_mem>>) src(%arg7 : memref<128x128xf32, #tpu.memory_space<vmem>>) dst(%dma_wait3A_47 : memref<128x128xf32, #tpu.memory_space<vmem_shared>>)
    %barrier3A = arith.constant 0 : index
    tpu.barrier barrier_id(%barrier3A)
    %eq3A = arith.constant 0 : i32
    %eq3A_48 = arith.cmpi eq, %arg0, %eq3A : i32
    %mul3A_49 = arith.constant 144 : i32
    %mul3A_50 = arith.muli %arg1, %mul3A_49 : i32
    %mul3A_51 = arith.constant 16 : i32
    %mul3A_52 = arith.muli %arg1, %mul3A_51 : i32
    %add3A_53 = arith.constant 2304 : i32
    %add3A_54 = arith.addi %add3A_53, %mul3A_52 : i32
    %select_n3A = arith.select %eq3A_48, %mul3A_50, %add3A_54 : i32
    %eq3A_55 = arith.constant 0 : i32
    %eq3A_56 = arith.cmpi eq, %arg0, %eq3A_55 : i32
    %jit3A = arith.constant 9 : i32
    %jit3A_57 = arith.constant 1 : i32
    %select_n3A_58 = arith.select %eq3A_56, %jit3A, %jit3A_57 : i32
    %while3A = arith.constant 0 : i32
    %while3A_59 = arith.constant 0 : i32
    %while3A_60 = arith.subi %select_n3A_58, %while3A_59 : i32
    %while3A_61 = arith.addi %while3A_59, %while3A_60 : i32
    %while3A_62 = arith.constant 1 : i32
    %while3A_63 = arith.divsi %while3A_60, %while3A_62 : i32
    %while3A_64 = arith.muli %while3A_63, %while3A_62 : i32
    %while3A_65 = arith.addi %while3A_59, %while3A_64 : i32
    %while3A_66 = arith.constant 1 : i32
    scf.for %while3A_170 = %while3A_59 to %while3A_65 step %while3A_66  : i32 {
      %mul3A_171 = arith.constant 16 : i32
      %mul3A_172 = arith.muli %while3A_170, %mul3A_171 : i32
      %add3A_173 = arith.addi %select_n3A, %mul3A_172 : i32
      "tpu.region"() ({
        %run_scoped3A = tpu.sem_alloc : memref<!tpu.dma_semaphore, #tpu.memory_space<semaphore_mem>>
        %dma_start3A_193 = arith.constant 0 : i32
        %dma_start3A_194 = tpu.memref_slice %arg3[%add3A_173, %dma_start3A_193] : memref<2560x128xi32, #tpu.memory_space<hbm>> -> memref<16x128xi32, #tpu.memory_space<hbm>>
        %dma_start3A_195 = arith.constant 0 : i32
        %dma_start3A_196 = tpu.memref_slice %arg3[%add3A_173, %dma_start3A_195] : memref<2560x128xi32, #tpu.memory_space<hbm>> -> memref<16x128xi32, #tpu.memory_space<hbm>>
        tpu.enqueue_dma source(%dma_start3A_196 : memref<16x128xi32, #tpu.memory_space<hbm>>) target(%arg9 : memref<16x128xi32, #tpu.memory_space<vmem>>) target_semaphore(%run_scoped3A : memref<!tpu.dma_semaphore, #tpu.memory_space<semaphore_mem>>)
        %dma_wait3A_197 = arith.constant 0 : i32
        %dma_wait3A_198 = tpu.memref_slice %arg3[%add3A_173, %dma_wait3A_197] : memref<2560x128xi32, #tpu.memory_space<hbm>> -> memref<16x128xi32, #tpu.memory_space<hbm>>
        %dma_wait3A_199 = arith.constant 0 : i32
        %dma_wait3A_200 = tpu.memref_slice %arg3[%add3A_173, %dma_wait3A_199] : memref<2560x128xi32, #tpu.memory_space<hbm>> -> memref<16x128xi32, #tpu.memory_space<hbm>>
        tpu.wait_dma2 semaphore(%run_scoped3A : memref<!tpu.dma_semaphore, #tpu.memory_space<semaphore_mem>>) src(%dma_wait3A_200 : memref<16x128xi32, #tpu.memory_space<hbm>>) dst(%arg9 : memref<16x128xi32, #tpu.memory_space<vmem>>)
        tpu.yield
      }) : () -> ()
      "tpu.region"() ({
        %run_scoped3A = tpu.sem_alloc : memref<!tpu.dma_semaphore, #tpu.memory_space<semaphore_mem>>
        %dma_start3A_193 = arith.constant 0 : i32
        %dma_start3A_194 = tpu.memref_slice %arg4[%add3A_173, %dma_start3A_193] : memref<2560x128xi32, #tpu.memory_space<hbm>> -> memref<16x128xi32, #tpu.memory_space<hbm>>
        %dma_start3A_195 = arith.constant 0 : i32
        %dma_start3A_196 = tpu.memref_slice %arg4[%add3A_173, %dma_start3A_195] : memref<2560x128xi32, #tpu.memory_space<hbm>> -> memref<16x128xi32, #tpu.memory_space<hbm>>
        tpu.enqueue_dma source(%dma_start3A_196 : memref<16x128xi32, #tpu.memory_space<hbm>>) target(%arg10 : memref<16x128xi32, #tpu.memory_space<vmem>>) target_semaphore(%run_scoped3A : memref<!tpu.dma_semaphore, #tpu.memory_space<semaphore_mem>>)
        %dma_wait3A_197 = arith.constant 0 : i32
        %dma_wait3A_198 = tpu.memref_slice %arg4[%add3A_173, %dma_wait3A_197] : memref<2560x128xi32, #tpu.memory_space<hbm>> -> memref<16x128xi32, #tpu.memory_space<hbm>>
        %dma_wait3A_199 = arith.constant 0 : i32
        %dma_wait3A_200 = tpu.memref_slice %arg4[%add3A_173, %dma_wait3A_199] : memref<2560x128xi32, #tpu.memory_space<hbm>> -> memref<16x128xi32, #tpu.memory_space<hbm>>
        tpu.wait_dma2 semaphore(%run_scoped3A : memref<!tpu.dma_semaphore, #tpu.memory_space<semaphore_mem>>) src(%dma_wait3A_200 : memref<16x128xi32, #tpu.memory_space<hbm>>) dst(%arg10 : memref<16x128xi32, #tpu.memory_space<vmem>>)
        tpu.yield
      }) : () -> ()
      %dma_start3A_174 = arith.constant 0 : i32
      %dma_start3A_175 = arith.constant 0 : i32
      %dma_start3A_176 = tpu.memref_slice %arg9[%dma_start3A_174, %dma_start3A_175] : memref<16x128xi32, #tpu.memory_space<vmem>> -> memref<1x128xi32, #tpu.memory_space<vmem>>
      %dma_start3A_177 = tpu.memref_squeeze %dma_start3A_176 : memref<1x128xi32, #tpu.memory_space<vmem>> -> memref<128xi32, #tpu.memory_space<vmem>>
      %dma_start3A_178 = arith.constant 0 : i32
      %dma_start3A_179 = arith.constant 0 : i32
      %dma_start3A_180 = tpu.memref_slice %arg2[%dma_start3A_178, %dma_start3A_179] : memref<10000x128xf32, #tpu.memory_space<hbm>> -> memref<10000x128xf32, #tpu.memory_space<hbm>>
      tpu.enqueue_indirect_dma source(%dma_start3A_180 : memref<10000x128xf32, #tpu.memory_space<hbm>>) target(%arg7 : memref<128x128xf32, #tpu.memory_space<vmem>>) offsets(%dma_start3A_177 : memref<128xi32, #tpu.memory_space<vmem>>) semaphore(%arg12 : memref<!tpu.dma_semaphore, #tpu.memory_space<semaphore_mem>>)
      %scan3A = arith.constant 0 : i32
      %scan3A_181 = arith.constant 0 : i32
      %scan3A_182 = arith.constant 8 : i32
      %scan3A_183 = arith.addi %scan3A_181, %scan3A_182 : i32
      %scan3A_184 = arith.constant 1 : i32
      scf.for %scan3A_193 = %scan3A_181 to %scan3A_183 step %scan3A_184  : i32 {
        %mul3A_194 = arith.constant 2 : i32
        %mul3A_195 = arith.muli %mul3A_194, %scan3A_193 : i32
        %add3A_196 = arith.constant 0 : i32
        %add3A_197 = arith.addi %mul3A_195, %add3A_196 : i32
        %dma_wait3A_198 = arith.constant 0 : i32
        %dma_wait3A_199 = tpu.memref_slice %arg9[%add3A_197, %dma_wait3A_198] : memref<16x128xi32, #tpu.memory_space<vmem>> -> memref<1x128xi32, #tpu.memory_space<vmem>>
        %dma_wait3A_200 = tpu.memref_squeeze %dma_wait3A_199 : memref<1x128xi32, #tpu.memory_space<vmem>> -> memref<128xi32, #tpu.memory_space<vmem>>
        %dma_wait3A_201 = arith.constant 0 : i32
        %dma_wait3A_202 = arith.constant 0 : i32
        %dma_wait3A_203 = tpu.memref_slice %arg2[%dma_wait3A_201, %dma_wait3A_202] : memref<10000x128xf32, #tpu.memory_space<hbm>> -> memref<10000x128xf32, #tpu.memory_space<hbm>>
        tpu.wait_indirect_dma semaphore(%arg12 : memref<!tpu.dma_semaphore, #tpu.memory_space<semaphore_mem>>) src(%dma_wait3A_203 : memref<10000x128xf32, #tpu.memory_space<hbm>>) dst(%arg7 : memref<128x128xf32, #tpu.memory_space<vmem>>)
        %gt3A = arith.constant 0 : i32
        %gt3A_204 = arith.cmpi sgt, %scan3A_193, %gt3A : i32
        %convert_element_type3A = arith.extui %gt3A_204 : i1 to i32
        %cond3A = arith.constant 0 : i32
        %cond3A_205 = arith.cmpi ne, %convert_element_type3A, %cond3A : i32
        scf.if %cond3A_205 {
          %sub3A_247 = arith.constant 1 : i32
          %sub3A_248 = arith.subi %add3A_197, %sub3A_247 : i32
          %dma_wait3A_249 = arith.constant 0 : i32
          %dma_wait3A_250 = tpu.memref_slice %arg10[%sub3A_248, %dma_wait3A_249] : memref<16x128xi32, #tpu.memory_space<vmem>> -> memref<1x128xi32, #tpu.memory_space<vmem>>
          %dma_wait3A_251 = tpu.memref_squeeze %dma_wait3A_250 : memref<1x128xi32, #tpu.memory_space<vmem>> -> memref<128xi32, #tpu.memory_space<vmem>>
          %dma_wait3A_252 = arith.constant 0 : i32
          %dma_wait3A_253 = arith.constant 0 : i32
          %dma_wait3A_254 = tpu.memref_slice %arg11[%dma_wait3A_252, %dma_wait3A_253] : memref<10240x128xf32, #tpu.memory_space<vmem_shared>> -> memref<10240x128xf32, #tpu.memory_space<vmem_shared>>
          tpu.wait_indirect_dma semaphore(%arg13 : memref<!tpu.dma_semaphore, #tpu.memory_space<semaphore_mem>>) src(%arg8 : memref<128x128xf32, #tpu.memory_space<vmem>>) dst(%dma_wait3A_254 : memref<10240x128xf32, #tpu.memory_space<vmem_shared>>)
        } else {
        }
        %add3A_206 = arith.constant 1 : i32
        %add3A_207 = arith.addi %add3A_197, %add3A_206 : i32
        %dma_start3A_208 = arith.constant 0 : i32
        %dma_start3A_209 = tpu.memref_slice %arg9[%add3A_207, %dma_start3A_208] : memref<16x128xi32, #tpu.memory_space<vmem>> -> memref<1x128xi32, #tpu.memory_space<vmem>>
        %dma_start3A_210 = tpu.memref_squeeze %dma_start3A_209 : memref<1x128xi32, #tpu.memory_space<vmem>> -> memref<128xi32, #tpu.memory_space<vmem>>
        %dma_start3A_211 = arith.constant 0 : i32
        %dma_start3A_212 = arith.constant 0 : i32
        %dma_start3A_213 = tpu.memref_slice %arg2[%dma_start3A_211, %dma_start3A_212] : memref<10000x128xf32, #tpu.memory_space<hbm>> -> memref<10000x128xf32, #tpu.memory_space<hbm>>
        tpu.enqueue_indirect_dma source(%dma_start3A_213 : memref<10000x128xf32, #tpu.memory_space<hbm>>) target(%arg8 : memref<128x128xf32, #tpu.memory_space<vmem>>) offsets(%dma_start3A_210 : memref<128xi32, #tpu.memory_space<vmem>>) semaphore(%arg12 : memref<!tpu.dma_semaphore, #tpu.memory_space<semaphore_mem>>)
        %dma_start3A_214 = arith.constant 0 : i32
        %dma_start3A_215 = tpu.memref_slice %arg10[%add3A_197, %dma_start3A_214] : memref<16x128xi32, #tpu.memory_space<vmem>> -> memref<1x128xi32, #tpu.memory_space<vmem>>
        %dma_start3A_216 = tpu.memref_squeeze %dma_start3A_215 : memref<1x128xi32, #tpu.memory_space<vmem>> -> memref<128xi32, #tpu.memory_space<vmem>>
        %dma_start3A_217 = arith.constant 0 : i32
        %dma_start3A_218 = arith.constant 0 : i32
        %dma_start3A_219 = tpu.memref_slice %arg11[%dma_start3A_217, %dma_start3A_218] : memref<10240x128xf32, #tpu.memory_space<vmem_shared>> -> memref<10240x128xf32, #tpu.memory_space<vmem_shared>>
        tpu.enqueue_indirect_dma source(%arg7 : memref<128x128xf32, #tpu.memory_space<vmem>>) target(%dma_start3A_219 : memref<10240x128xf32, #tpu.memory_space<vmem_shared>>) offsets(%dma_start3A_216 : memref<128xi32, #tpu.memory_space<vmem>>) semaphore(%arg13 : memref<!tpu.dma_semaphore, #tpu.memory_space<semaphore_mem>>) {add = true}
        %mul3A_220 = arith.constant 2 : i32
        %mul3A_221 = arith.muli %mul3A_220, %scan3A_193 : i32
        %add3A_222 = arith.constant 1 : i32
        %add3A_223 = arith.addi %mul3A_221, %add3A_222 : i32
        %dma_wait3A_224 = arith.constant 0 : i32
        %dma_wait3A_225 = tpu.memref_slice %arg9[%add3A_223, %dma_wait3A_224] : memref<16x128xi32, #tpu.memory_space<vmem>> -> memref<1x128xi32, #tpu.memory_space<vmem>>
        %dma_wait3A_226 = tpu.memref_squeeze %dma_wait3A_225 : memref<1x128xi32, #tpu.memory_space<vmem>> -> memref<128xi32, #tpu.memory_space<vmem>>
        %dma_wait3A_227 = arith.constant 0 : i32
        %dma_wait3A_228 = arith.constant 0 : i32
        %dma_wait3A_229 = tpu.memref_slice %arg2[%dma_wait3A_227, %dma_wait3A_228] : memref<10000x128xf32, #tpu.memory_space<hbm>> -> memref<10000x128xf32, #tpu.memory_space<hbm>>
        tpu.wait_indirect_dma semaphore(%arg12 : memref<!tpu.dma_semaphore, #tpu.memory_space<semaphore_mem>>) src(%dma_wait3A_229 : memref<10000x128xf32, #tpu.memory_space<hbm>>) dst(%arg8 : memref<128x128xf32, #tpu.memory_space<vmem>>)
        %sub3A = arith.constant 1 : i32
        %sub3A_230 = arith.subi %add3A_223, %sub3A : i32
        %dma_wait3A_231 = arith.constant 0 : i32
        %dma_wait3A_232 = tpu.memref_slice %arg10[%sub3A_230, %dma_wait3A_231] : memref<16x128xi32, #tpu.memory_space<vmem>> -> memref<1x128xi32, #tpu.memory_space<vmem>>
        %dma_wait3A_233 = tpu.memref_squeeze %dma_wait3A_232 : memref<1x128xi32, #tpu.memory_space<vmem>> -> memref<128xi32, #tpu.memory_space<vmem>>
        %dma_wait3A_234 = arith.constant 0 : i32
        %dma_wait3A_235 = arith.constant 0 : i32
        %dma_wait3A_236 = tpu.memref_slice %arg11[%dma_wait3A_234, %dma_wait3A_235] : memref<10240x128xf32, #tpu.memory_space<vmem_shared>> -> memref<10240x128xf32, #tpu.memory_space<vmem_shared>>
        tpu.wait_indirect_dma semaphore(%arg13 : memref<!tpu.dma_semaphore, #tpu.memory_space<semaphore_mem>>) src(%arg7 : memref<128x128xf32, #tpu.memory_space<vmem>>) dst(%dma_wait3A_236 : memref<10240x128xf32, #tpu.memory_space<vmem_shared>>)
        %lt3A = arith.constant 7 : i32
        %lt3A_237 = arith.cmpi slt, %scan3A_193, %lt3A : i32
        %convert_element_type3A_238 = arith.extui %lt3A_237 : i1 to i32
        %cond3A_239 = arith.constant 0 : i32
        %cond3A_240 = arith.cmpi ne, %convert_element_type3A_238, %cond3A_239 : i32
        scf.if %cond3A_240 {
          %add3A_247 = arith.constant 1 : i32
          %add3A_248 = arith.addi %add3A_223, %add3A_247 : i32
          %dma_start3A_249 = arith.constant 0 : i32
          %dma_start3A_250 = tpu.memref_slice %arg9[%add3A_248, %dma_start3A_249] : memref<16x128xi32, #tpu.memory_space<vmem>> -> memref<1x128xi32, #tpu.memory_space<vmem>>
          %dma_start3A_251 = tpu.memref_squeeze %dma_start3A_250 : memref<1x128xi32, #tpu.memory_space<vmem>> -> memref<128xi32, #tpu.memory_space<vmem>>
          %dma_start3A_252 = arith.constant 0 : i32
          %dma_start3A_253 = arith.constant 0 : i32
          %dma_start3A_254 = tpu.memref_slice %arg2[%dma_start3A_252, %dma_start3A_253] : memref<10000x128xf32, #tpu.memory_space<hbm>> -> memref<10000x128xf32, #tpu.memory_space<hbm>>
          tpu.enqueue_indirect_dma source(%dma_start3A_254 : memref<10000x128xf32, #tpu.memory_space<hbm>>) target(%arg7 : memref<128x128xf32, #tpu.memory_space<vmem>>) offsets(%dma_start3A_251 : memref<128xi32, #tpu.memory_space<vmem>>) semaphore(%arg12 : memref<!tpu.dma_semaphore, #tpu.memory_space<semaphore_mem>>)
        } else {
        }
        %dma_start3A_241 = arith.constant 0 : i32
        %dma_start3A_242 = tpu.memref_slice %arg10[%add3A_223, %dma_start3A_241] : memref<16x128xi32, #tpu.memory_space<vmem>> -> memref<1x128xi32, #tpu.memory_space<vmem>>
        %dma_start3A_243 = tpu.memref_squeeze %dma_start3A_242 : memref<1x128xi32, #tpu.memory_space<vmem>> -> memref<128xi32, #tpu.memory_space<vmem>>
        %dma_start3A_244 = arith.constant 0 : i32
        %dma_start3A_245 = arith.constant 0 : i32
        %dma_start3A_246 = tpu.memref_slice %arg11[%dma_start3A_244, %dma_start3A_245] : memref<10240x128xf32, #tpu.memory_space<vmem_shared>> -> memref<10240x128xf32, #tpu.memory_space<vmem_shared>>
        tpu.enqueue_indirect_dma source(%arg8 : memref<128x128xf32, #tpu.memory_space<vmem>>) target(%dma_start3A_246 : memref<10240x128xf32, #tpu.memory_space<vmem_shared>>) offsets(%dma_start3A_243 : memref<128xi32, #tpu.memory_space<vmem>>) semaphore(%arg13 : memref<!tpu.dma_semaphore, #tpu.memory_space<semaphore_mem>>) {add = true}
      }
      %scan3A_185 = arith.constant 8 : i32
      %dma_wait3A_186 = arith.constant 15 : i32
      %dma_wait3A_187 = arith.constant 0 : i32
      %dma_wait3A_188 = tpu.memref_slice %arg10[%dma_wait3A_186, %dma_wait3A_187] : memref<16x128xi32, #tpu.memory_space<vmem>> -> memref<1x128xi32, #tpu.memory_space<vmem>>
      %dma_wait3A_189 = tpu.memref_squeeze %dma_wait3A_188 : memref<1x128xi32, #tpu.memory_space<vmem>> -> memref<128xi32, #tpu.memory_space<vmem>>
      %dma_wait3A_190 = arith.constant 0 : i32
      %dma_wait3A_191 = arith.constant 0 : i32
      %dma_wait3A_192 = tpu.memref_slice %arg11[%dma_wait3A_190, %dma_wait3A_191] : memref<10240x128xf32, #tpu.memory_space<vmem_shared>> -> memref<10240x128xf32, #tpu.memory_space<vmem_shared>>
      tpu.wait_indirect_dma semaphore(%arg13 : memref<!tpu.dma_semaphore, #tpu.memory_space<semaphore_mem>>) src(%arg8 : memref<128x128xf32, #tpu.memory_space<vmem>>) dst(%dma_wait3A_192 : memref<10240x128xf32, #tpu.memory_space<vmem_shared>>)
    }
    %while3A_67 = arith.constant 1 : i32
    scf.for %while3A_170 = %while3A_65 to %while3A_61 step %while3A_67  : i32 {
      %mul3A_171 = arith.constant 16 : i32
      %mul3A_172 = arith.muli %while3A_170, %mul3A_171 : i32
      %add3A_173 = arith.addi %select_n3A, %mul3A_172 : i32
      "tpu.region"() ({
        %run_scoped3A = tpu.sem_alloc : memref<!tpu.dma_semaphore, #tpu.memory_space<semaphore_mem>>
        %dma_start3A_193 = arith.constant 0 : i32
        %dma_start3A_194 = tpu.memref_slice %arg3[%add3A_173, %dma_start3A_193] : memref<2560x128xi32, #tpu.memory_space<hbm>> -> memref<16x128xi32, #tpu.memory_space<hbm>>
        %dma_start3A_195 = arith.constant 0 : i32
        %dma_start3A_196 = tpu.memref_slice %arg3[%add3A_173, %dma_start3A_195] : memref<2560x128xi32, #tpu.memory_space<hbm>> -> memref<16x128xi32, #tpu.memory_space<hbm>>
        tpu.enqueue_dma source(%dma_start3A_196 : memref<16x128xi32, #tpu.memory_space<hbm>>) target(%arg9 : memref<16x128xi32, #tpu.memory_space<vmem>>) target_semaphore(%run_scoped3A : memref<!tpu.dma_semaphore, #tpu.memory_space<semaphore_mem>>)
        %dma_wait3A_197 = arith.constant 0 : i32
        %dma_wait3A_198 = tpu.memref_slice %arg3[%add3A_173, %dma_wait3A_197] : memref<2560x128xi32, #tpu.memory_space<hbm>> -> memref<16x128xi32, #tpu.memory_space<hbm>>
        %dma_wait3A_199 = arith.constant 0 : i32
        %dma_wait3A_200 = tpu.memref_slice %arg3[%add3A_173, %dma_wait3A_199] : memref<2560x128xi32, #tpu.memory_space<hbm>> -> memref<16x128xi32, #tpu.memory_space<hbm>>
        tpu.wait_dma2 semaphore(%run_scoped3A : memref<!tpu.dma_semaphore, #tpu.memory_space<semaphore_mem>>) src(%dma_wait3A_200 : memref<16x128xi32, #tpu.memory_space<hbm>>) dst(%arg9 : memref<16x128xi32, #tpu.memory_space<vmem>>)
        tpu.yield
      }) : () -> ()
      "tpu.region"() ({
        %run_scoped3A = tpu.sem_alloc : memref<!tpu.dma_semaphore, #tpu.memory_space<semaphore_mem>>
        %dma_start3A_193 = arith.constant 0 : i32
        %dma_start3A_194 = tpu.memref_slice %arg4[%add3A_173, %dma_start3A_193] : memref<2560x128xi32, #tpu.memory_space<hbm>> -> memref<16x128xi32, #tpu.memory_space<hbm>>
        %dma_start3A_195 = arith.constant 0 : i32
        %dma_start3A_196 = tpu.memref_slice %arg4[%add3A_173, %dma_start3A_195] : memref<2560x128xi32, #tpu.memory_space<hbm>> -> memref<16x128xi32, #tpu.memory_space<hbm>>
        tpu.enqueue_dma source(%dma_start3A_196 : memref<16x128xi32, #tpu.memory_space<hbm>>) target(%arg10 : memref<16x128xi32, #tpu.memory_space<vmem>>) target_semaphore(%run_scoped3A : memref<!tpu.dma_semaphore, #tpu.memory_space<semaphore_mem>>)
        %dma_wait3A_197 = arith.constant 0 : i32
        %dma_wait3A_198 = tpu.memref_slice %arg4[%add3A_173, %dma_wait3A_197] : memref<2560x128xi32, #tpu.memory_space<hbm>> -> memref<16x128xi32, #tpu.memory_space<hbm>>
        %dma_wait3A_199 = arith.constant 0 : i32
        %dma_wait3A_200 = tpu.memref_slice %arg4[%add3A_173, %dma_wait3A_199] : memref<2560x128xi32, #tpu.memory_space<hbm>> -> memref<16x128xi32, #tpu.memory_space<hbm>>
        tpu.wait_dma2 semaphore(%run_scoped3A : memref<!tpu.dma_semaphore, #tpu.memory_space<semaphore_mem>>) src(%dma_wait3A_200 : memref<16x128xi32, #tpu.memory_space<hbm>>) dst(%arg10 : memref<16x128xi32, #tpu.memory_space<vmem>>)
        tpu.yield
      }) : () -> ()
      %dma_start3A_174 = arith.constant 0 : i32
      %dma_start3A_175 = arith.constant 0 : i32
      %dma_start3A_176 = tpu.memref_slice %arg9[%dma_start3A_174, %dma_start3A_175] : memref<16x128xi32, #tpu.memory_space<vmem>> -> memref<1x128xi32, #tpu.memory_space<vmem>>
      %dma_start3A_177 = tpu.memref_squeeze %dma_start3A_176 : memref<1x128xi32, #tpu.memory_space<vmem>> -> memref<128xi32, #tpu.memory_space<vmem>>
      %dma_start3A_178 = arith.constant 0 : i32
      %dma_start3A_179 = arith.constant 0 : i32
      %dma_start3A_180 = tpu.memref_slice %arg2[%dma_start3A_178, %dma_start3A_179] : memref<10000x128xf32, #tpu.memory_space<hbm>> -> memref<10000x128xf32, #tpu.memory_space<hbm>>
      tpu.enqueue_indirect_dma source(%dma_start3A_180 : memref<10000x128xf32, #tpu.memory_space<hbm>>) target(%arg7 : memref<128x128xf32, #tpu.memory_space<vmem>>) offsets(%dma_start3A_177 : memref<128xi32, #tpu.memory_space<vmem>>) semaphore(%arg12 : memref<!tpu.dma_semaphore, #tpu.memory_space<semaphore_mem>>)
      %scan3A = arith.constant 0 : i32
      %scan3A_181 = arith.constant 0 : i32
      %scan3A_182 = arith.constant 8 : i32
      %scan3A_183 = arith.addi %scan3A_181, %scan3A_182 : i32
      %scan3A_184 = arith.constant 1 : i32
      scf.for %scan3A_193 = %scan3A_181 to %scan3A_183 step %scan3A_184  : i32 {
        %mul3A_194 = arith.constant 2 : i32
        %mul3A_195 = arith.muli %mul3A_194, %scan3A_193 : i32
        %add3A_196 = arith.constant 0 : i32
        %add3A_197 = arith.addi %mul3A_195, %add3A_196 : i32
        %dma_wait3A_198 = arith.constant 0 : i32
        %dma_wait3A_199 = tpu.memref_slice %arg9[%add3A_197, %dma_wait3A_198] : memref<16x128xi32, #tpu.memory_space<vmem>> -> memref<1x128xi32, #tpu.memory_space<vmem>>
        %dma_wait3A_200 = tpu.memref_squeeze %dma_wait3A_199 : memref<1x128xi32, #tpu.memory_space<vmem>> -> memref<128xi32, #tpu.memory_space<vmem>>
        %dma_wait3A_201 = arith.constant 0 : i32
        %dma_wait3A_202 = arith.constant 0 : i32
        %dma_wait3A_203 = tpu.memref_slice %arg2[%dma_wait3A_201, %dma_wait3A_202] : memref<10000x128xf32, #tpu.memory_space<hbm>> -> memref<10000x128xf32, #tpu.memory_space<hbm>>
        tpu.wait_indirect_dma semaphore(%arg12 : memref<!tpu.dma_semaphore, #tpu.memory_space<semaphore_mem>>) src(%dma_wait3A_203 : memref<10000x128xf32, #tpu.memory_space<hbm>>) dst(%arg7 : memref<128x128xf32, #tpu.memory_space<vmem>>)
        %gt3A = arith.constant 0 : i32
        %gt3A_204 = arith.cmpi sgt, %scan3A_193, %gt3A : i32
        %convert_element_type3A = arith.extui %gt3A_204 : i1 to i32
        %cond3A = arith.constant 0 : i32
        %cond3A_205 = arith.cmpi ne, %convert_element_type3A, %cond3A : i32
        scf.if %cond3A_205 {
          %sub3A_247 = arith.constant 1 : i32
          %sub3A_248 = arith.subi %add3A_197, %sub3A_247 : i32
          %dma_wait3A_249 = arith.constant 0 : i32
          %dma_wait3A_250 = tpu.memref_slice %arg10[%sub3A_248, %dma_wait3A_249] : memref<16x128xi32, #tpu.memory_space<vmem>> -> memref<1x128xi32, #tpu.memory_space<vmem>>
          %dma_wait3A_251 = tpu.memref_squeeze %dma_wait3A_250 : memref<1x128xi32, #tpu.memory_space<vmem>> -> memref<128xi32, #tpu.memory_space<vmem>>
          %dma_wait3A_252 = arith.constant 0 : i32
          %dma_wait3A_253 = arith.constant 0 : i32
          %dma_wait3A_254 = tpu.memref_slice %arg11[%dma_wait3A_252, %dma_wait3A_253] : memref<10240x128xf32, #tpu.memory_space<vmem_shared>> -> memref<10240x128xf32, #tpu.memory_space<vmem_shared>>
          tpu.wait_indirect_dma semaphore(%arg13 : memref<!tpu.dma_semaphore, #tpu.memory_space<semaphore_mem>>) src(%arg8 : memref<128x128xf32, #tpu.memory_space<vmem>>) dst(%dma_wait3A_254 : memref<10240x128xf32, #tpu.memory_space<vmem_shared>>)
        } else {
        }
        %add3A_206 = arith.constant 1 : i32
        %add3A_207 = arith.addi %add3A_197, %add3A_206 : i32
        %dma_start3A_208 = arith.constant 0 : i32
        %dma_start3A_209 = tpu.memref_slice %arg9[%add3A_207, %dma_start3A_208] : memref<16x128xi32, #tpu.memory_space<vmem>> -> memref<1x128xi32, #tpu.memory_space<vmem>>
        %dma_start3A_210 = tpu.memref_squeeze %dma_start3A_209 : memref<1x128xi32, #tpu.memory_space<vmem>> -> memref<128xi32, #tpu.memory_space<vmem>>
        %dma_start3A_211 = arith.constant 0 : i32
        %dma_start3A_212 = arith.constant 0 : i32
        %dma_start3A_213 = tpu.memref_slice %arg2[%dma_start3A_211, %dma_start3A_212] : memref<10000x128xf32, #tpu.memory_space<hbm>> -> memref<10000x128xf32, #tpu.memory_space<hbm>>
        tpu.enqueue_indirect_dma source(%dma_start3A_213 : memref<10000x128xf32, #tpu.memory_space<hbm>>) target(%arg8 : memref<128x128xf32, #tpu.memory_space<vmem>>) offsets(%dma_start3A_210 : memref<128xi32, #tpu.memory_space<vmem>>) semaphore(%arg12 : memref<!tpu.dma_semaphore, #tpu.memory_space<semaphore_mem>>)
        %dma_start3A_214 = arith.constant 0 : i32
        %dma_start3A_215 = tpu.memref_slice %arg10[%add3A_197, %dma_start3A_214] : memref<16x128xi32, #tpu.memory_space<vmem>> -> memref<1x128xi32, #tpu.memory_space<vmem>>
        %dma_start3A_216 = tpu.memref_squeeze %dma_start3A_215 : memref<1x128xi32, #tpu.memory_space<vmem>> -> memref<128xi32, #tpu.memory_space<vmem>>
        %dma_start3A_217 = arith.constant 0 : i32
        %dma_start3A_218 = arith.constant 0 : i32
        %dma_start3A_219 = tpu.memref_slice %arg11[%dma_start3A_217, %dma_start3A_218] : memref<10240x128xf32, #tpu.memory_space<vmem_shared>> -> memref<10240x128xf32, #tpu.memory_space<vmem_shared>>
        tpu.enqueue_indirect_dma source(%arg7 : memref<128x128xf32, #tpu.memory_space<vmem>>) target(%dma_start3A_219 : memref<10240x128xf32, #tpu.memory_space<vmem_shared>>) offsets(%dma_start3A_216 : memref<128xi32, #tpu.memory_space<vmem>>) semaphore(%arg13 : memref<!tpu.dma_semaphore, #tpu.memory_space<semaphore_mem>>) {add = true}
        %mul3A_220 = arith.constant 2 : i32
        %mul3A_221 = arith.muli %mul3A_220, %scan3A_193 : i32
        %add3A_222 = arith.constant 1 : i32
        %add3A_223 = arith.addi %mul3A_221, %add3A_222 : i32
        %dma_wait3A_224 = arith.constant 0 : i32
        %dma_wait3A_225 = tpu.memref_slice %arg9[%add3A_223, %dma_wait3A_224] : memref<16x128xi32, #tpu.memory_space<vmem>> -> memref<1x128xi32, #tpu.memory_space<vmem>>
        %dma_wait3A_226 = tpu.memref_squeeze %dma_wait3A_225 : memref<1x128xi32, #tpu.memory_space<vmem>> -> memref<128xi32, #tpu.memory_space<vmem>>
        %dma_wait3A_227 = arith.constant 0 : i32
        %dma_wait3A_228 = arith.constant 0 : i32
        %dma_wait3A_229 = tpu.memref_slice %arg2[%dma_wait3A_227, %dma_wait3A_228] : memref<10000x128xf32, #tpu.memory_space<hbm>> -> memref<10000x128xf32, #tpu.memory_space<hbm>>
        tpu.wait_indirect_dma semaphore(%arg12 : memref<!tpu.dma_semaphore, #tpu.memory_space<semaphore_mem>>) src(%dma_wait3A_229 : memref<10000x128xf32, #tpu.memory_space<hbm>>) dst(%arg8 : memref<128x128xf32, #tpu.memory_space<vmem>>)
        %sub3A = arith.constant 1 : i32
        %sub3A_230 = arith.subi %add3A_223, %sub3A : i32
        %dma_wait3A_231 = arith.constant 0 : i32
        %dma_wait3A_232 = tpu.memref_slice %arg10[%sub3A_230, %dma_wait3A_231] : memref<16x128xi32, #tpu.memory_space<vmem>> -> memref<1x128xi32, #tpu.memory_space<vmem>>
        %dma_wait3A_233 = tpu.memref_squeeze %dma_wait3A_232 : memref<1x128xi32, #tpu.memory_space<vmem>> -> memref<128xi32, #tpu.memory_space<vmem>>
        %dma_wait3A_234 = arith.constant 0 : i32
        %dma_wait3A_235 = arith.constant 0 : i32
        %dma_wait3A_236 = tpu.memref_slice %arg11[%dma_wait3A_234, %dma_wait3A_235] : memref<10240x128xf32, #tpu.memory_space<vmem_shared>> -> memref<10240x128xf32, #tpu.memory_space<vmem_shared>>
        tpu.wait_indirect_dma semaphore(%arg13 : memref<!tpu.dma_semaphore, #tpu.memory_space<semaphore_mem>>) src(%arg7 : memref<128x128xf32, #tpu.memory_space<vmem>>) dst(%dma_wait3A_236 : memref<10240x128xf32, #tpu.memory_space<vmem_shared>>)
        %lt3A = arith.constant 7 : i32
        %lt3A_237 = arith.cmpi slt, %scan3A_193, %lt3A : i32
        %convert_element_type3A_238 = arith.extui %lt3A_237 : i1 to i32
        %cond3A_239 = arith.constant 0 : i32
        %cond3A_240 = arith.cmpi ne, %convert_element_type3A_238, %cond3A_239 : i32
        scf.if %cond3A_240 {
          %add3A_247 = arith.constant 1 : i32
          %add3A_248 = arith.addi %add3A_223, %add3A_247 : i32
          %dma_start3A_249 = arith.constant 0 : i32
          %dma_start3A_250 = tpu.memref_slice %arg9[%add3A_248, %dma_start3A_249] : memref<16x128xi32, #tpu.memory_space<vmem>> -> memref<1x128xi32, #tpu.memory_space<vmem>>
          %dma_start3A_251 = tpu.memref_squeeze %dma_start3A_250 : memref<1x128xi32, #tpu.memory_space<vmem>> -> memref<128xi32, #tpu.memory_space<vmem>>
          %dma_start3A_252 = arith.constant 0 : i32
          %dma_start3A_253 = arith.constant 0 : i32
          %dma_start3A_254 = tpu.memref_slice %arg2[%dma_start3A_252, %dma_start3A_253] : memref<10000x128xf32, #tpu.memory_space<hbm>> -> memref<10000x128xf32, #tpu.memory_space<hbm>>
          tpu.enqueue_indirect_dma source(%dma_start3A_254 : memref<10000x128xf32, #tpu.memory_space<hbm>>) target(%arg7 : memref<128x128xf32, #tpu.memory_space<vmem>>) offsets(%dma_start3A_251 : memref<128xi32, #tpu.memory_space<vmem>>) semaphore(%arg12 : memref<!tpu.dma_semaphore, #tpu.memory_space<semaphore_mem>>)
        } else {
        }
        %dma_start3A_241 = arith.constant 0 : i32
        %dma_start3A_242 = tpu.memref_slice %arg10[%add3A_223, %dma_start3A_241] : memref<16x128xi32, #tpu.memory_space<vmem>> -> memref<1x128xi32, #tpu.memory_space<vmem>>
        %dma_start3A_243 = tpu.memref_squeeze %dma_start3A_242 : memref<1x128xi32, #tpu.memory_space<vmem>> -> memref<128xi32, #tpu.memory_space<vmem>>
        %dma_start3A_244 = arith.constant 0 : i32
        %dma_start3A_245 = arith.constant 0 : i32
        %dma_start3A_246 = tpu.memref_slice %arg11[%dma_start3A_244, %dma_start3A_245] : memref<10240x128xf32, #tpu.memory_space<vmem_shared>> -> memref<10240x128xf32, #tpu.memory_space<vmem_shared>>
        tpu.enqueue_indirect_dma source(%arg8 : memref<128x128xf32, #tpu.memory_space<vmem>>) target(%dma_start3A_246 : memref<10240x128xf32, #tpu.memory_space<vmem_shared>>) offsets(%dma_start3A_243 : memref<128xi32, #tpu.memory_space<vmem>>) semaphore(%arg13 : memref<!tpu.dma_semaphore, #tpu.memory_space<semaphore_mem>>) {add = true}
      }
      %scan3A_185 = arith.constant 8 : i32
      %dma_wait3A_186 = arith.constant 15 : i32
      %dma_wait3A_187 = arith.constant 0 : i32
      %dma_wait3A_188 = tpu.memref_slice %arg10[%dma_wait3A_186, %dma_wait3A_187] : memref<16x128xi32, #tpu.memory_space<vmem>> -> memref<1x128xi32, #tpu.memory_space<vmem>>
      %dma_wait3A_189 = tpu.memref_squeeze %dma_wait3A_188 : memref<1x128xi32, #tpu.memory_space<vmem>> -> memref<128xi32, #tpu.memory_space<vmem>>
      %dma_wait3A_190 = arith.constant 0 : i32
      %dma_wait3A_191 = arith.constant 0 : i32
      %dma_wait3A_192 = tpu.memref_slice %arg11[%dma_wait3A_190, %dma_wait3A_191] : memref<10240x128xf32, #tpu.memory_space<vmem_shared>> -> memref<10240x128xf32, #tpu.memory_space<vmem_shared>>
      tpu.wait_indirect_dma semaphore(%arg13 : memref<!tpu.dma_semaphore, #tpu.memory_space<semaphore_mem>>) src(%arg8 : memref<128x128xf32, #tpu.memory_space<vmem>>) dst(%dma_wait3A_192 : memref<10240x128xf32, #tpu.memory_space<vmem_shared>>)
    }
    %barrier3A_68 = arith.constant 0 : index
    tpu.barrier barrier_id(%barrier3A_68)
    %mul3A_69 = arith.constant 10240 : i32
    %mul3A_70 = arith.muli %arg0, %mul3A_69 : i32
    %add3A_71 = arith.addi %mul3A_70, %mul3A_0 : i32
    %dma_start3A_72 = arith.constant 0 : i32
    %dma_start3A_73 = tpu.memref_slice %arg11[%mul3A_0, %dma_start3A_72] : memref<10240x128xf32, #tpu.memory_space<vmem_shared>> -> memref<128x128xf32, #tpu.memory_space<vmem_shared>>
    %dma_start3A_74 = arith.constant 0 : i32
    %dma_start3A_75 = tpu.memref_slice %arg11[%mul3A_0, %dma_start3A_74] : memref<10240x128xf32, #tpu.memory_space<vmem_shared>> -> memref<128x128xf32, #tpu.memory_space<vmem_shared>>
    tpu.enqueue_dma source(%dma_start3A_75 : memref<128x128xf32, #tpu.memory_space<vmem_shared>>) target(%arg7 : memref<128x128xf32, #tpu.memory_space<vmem>>) target_semaphore(%arg12 : memref<!tpu.dma_semaphore, #tpu.memory_space<semaphore_mem>>)
    %dma_wait3A_76 = arith.constant 0 : i32
    %dma_wait3A_77 = tpu.memref_slice %arg11[%mul3A_0, %dma_wait3A_76] : memref<10240x128xf32, #tpu.memory_space<vmem_shared>> -> memref<128x128xf32, #tpu.memory_space<vmem_shared>>
    %dma_wait3A_78 = arith.constant 0 : i32
    %dma_wait3A_79 = tpu.memref_slice %arg11[%mul3A_0, %dma_wait3A_78] : memref<10240x128xf32, #tpu.memory_space<vmem_shared>> -> memref<128x128xf32, #tpu.memory_space<vmem_shared>>
    tpu.wait_dma2 semaphore(%arg12 : memref<!tpu.dma_semaphore, #tpu.memory_space<semaphore_mem>>) src(%dma_wait3A_79 : memref<128x128xf32, #tpu.memory_space<vmem_shared>>) dst(%arg7 : memref<128x128xf32, #tpu.memory_space<vmem>>)
    %add3A_80 = arith.constant 128 : i32
    %add3A_81 = arith.addi %mul3A_0, %add3A_80 : i32
    %dma_start3A_82 = arith.constant 0 : i32
    %dma_start3A_83 = tpu.memref_slice %arg11[%add3A_81, %dma_start3A_82] : memref<10240x128xf32, #tpu.memory_space<vmem_shared>> -> memref<128x128xf32, #tpu.memory_space<vmem_shared>>
    %dma_start3A_84 = arith.constant 0 : i32
    %dma_start3A_85 = tpu.memref_slice %arg11[%add3A_81, %dma_start3A_84] : memref<10240x128xf32, #tpu.memory_space<vmem_shared>> -> memref<128x128xf32, #tpu.memory_space<vmem_shared>>
    tpu.enqueue_dma source(%dma_start3A_85 : memref<128x128xf32, #tpu.memory_space<vmem_shared>>) target(%arg8 : memref<128x128xf32, #tpu.memory_space<vmem>>) target_semaphore(%arg12 : memref<!tpu.dma_semaphore, #tpu.memory_space<semaphore_mem>>)
    %add3A_86 = arith.constant 0 : i32
    %add3A_87 = arith.addi %add3A_71, %add3A_86 : i32
    %dma_start3A_88 = arith.constant 0 : i32
    %dma_start3A_89 = tpu.memref_slice %arg6[%add3A_87, %dma_start3A_88] : memref<20480x128xf32, #tpu.memory_space<hbm>> -> memref<128x128xf32, #tpu.memory_space<hbm>>
    %dma_start3A_90 = arith.constant 0 : i32
    %dma_start3A_91 = tpu.memref_slice %arg6[%add3A_87, %dma_start3A_90] : memref<20480x128xf32, #tpu.memory_space<hbm>> -> memref<128x128xf32, #tpu.memory_space<hbm>>
    tpu.enqueue_dma source(%arg7 : memref<128x128xf32, #tpu.memory_space<vmem>>) target(%dma_start3A_91 : memref<128x128xf32, #tpu.memory_space<hbm>>) target_semaphore(%arg13 : memref<!tpu.dma_semaphore, #tpu.memory_space<semaphore_mem>>)
    %dma_wait3A_92 = arith.constant 0 : i32
    %dma_wait3A_93 = tpu.memref_slice %arg11[%add3A_81, %dma_wait3A_92] : memref<10240x128xf32, #tpu.memory_space<vmem_shared>> -> memref<128x128xf32, #tpu.memory_space<vmem_shared>>
    %dma_wait3A_94 = arith.constant 0 : i32
    %dma_wait3A_95 = tpu.memref_slice %arg11[%add3A_81, %dma_wait3A_94] : memref<10240x128xf32, #tpu.memory_space<vmem_shared>> -> memref<128x128xf32, #tpu.memory_space<vmem_shared>>
    tpu.wait_dma2 semaphore(%arg12 : memref<!tpu.dma_semaphore, #tpu.memory_space<semaphore_mem>>) src(%dma_wait3A_95 : memref<128x128xf32, #tpu.memory_space<vmem_shared>>) dst(%arg8 : memref<128x128xf32, #tpu.memory_space<vmem>>)
    %dma_wait3A_96 = arith.constant 0 : i32
    %dma_wait3A_97 = tpu.memref_slice %arg6[%add3A_87, %dma_wait3A_96] : memref<20480x128xf32, #tpu.memory_space<hbm>> -> memref<128x128xf32, #tpu.memory_space<hbm>>
    %dma_wait3A_98 = arith.constant 0 : i32
    %dma_wait3A_99 = tpu.memref_slice %arg6[%add3A_87, %dma_wait3A_98] : memref<20480x128xf32, #tpu.memory_space<hbm>> -> memref<128x128xf32, #tpu.memory_space<hbm>>
    tpu.wait_dma2 semaphore(%arg13 : memref<!tpu.dma_semaphore, #tpu.memory_space<semaphore_mem>>) src(%arg7 : memref<128x128xf32, #tpu.memory_space<vmem>>) dst(%dma_wait3A_99 : memref<128x128xf32, #tpu.memory_space<hbm>>)
    %add3A_100 = arith.constant 256 : i32
    %add3A_101 = arith.addi %mul3A_0, %add3A_100 : i32
    %dma_start3A_102 = arith.constant 0 : i32
    %dma_start3A_103 = tpu.memref_slice %arg11[%add3A_101, %dma_start3A_102] : memref<10240x128xf32, #tpu.memory_space<vmem_shared>> -> memref<128x128xf32, #tpu.memory_space<vmem_shared>>
    %dma_start3A_104 = arith.constant 0 : i32
    %dma_start3A_105 = tpu.memref_slice %arg11[%add3A_101, %dma_start3A_104] : memref<10240x128xf32, #tpu.memory_space<vmem_shared>> -> memref<128x128xf32, #tpu.memory_space<vmem_shared>>
    tpu.enqueue_dma source(%dma_start3A_105 : memref<128x128xf32, #tpu.memory_space<vmem_shared>>) target(%arg7 : memref<128x128xf32, #tpu.memory_space<vmem>>) target_semaphore(%arg12 : memref<!tpu.dma_semaphore, #tpu.memory_space<semaphore_mem>>)
    %add3A_106 = arith.constant 128 : i32
    %add3A_107 = arith.addi %add3A_71, %add3A_106 : i32
    %dma_start3A_108 = arith.constant 0 : i32
    %dma_start3A_109 = tpu.memref_slice %arg6[%add3A_107, %dma_start3A_108] : memref<20480x128xf32, #tpu.memory_space<hbm>> -> memref<128x128xf32, #tpu.memory_space<hbm>>
    %dma_start3A_110 = arith.constant 0 : i32
    %dma_start3A_111 = tpu.memref_slice %arg6[%add3A_107, %dma_start3A_110] : memref<20480x128xf32, #tpu.memory_space<hbm>> -> memref<128x128xf32, #tpu.memory_space<hbm>>
    tpu.enqueue_dma source(%arg8 : memref<128x128xf32, #tpu.memory_space<vmem>>) target(%dma_start3A_111 : memref<128x128xf32, #tpu.memory_space<hbm>>) target_semaphore(%arg13 : memref<!tpu.dma_semaphore, #tpu.memory_space<semaphore_mem>>)
    %dma_wait3A_112 = arith.constant 0 : i32
    %dma_wait3A_113 = tpu.memref_slice %arg11[%add3A_101, %dma_wait3A_112] : memref<10240x128xf32, #tpu.memory_space<vmem_shared>> -> memref<128x128xf32, #tpu.memory_space<vmem_shared>>
    %dma_wait3A_114 = arith.constant 0 : i32
    %dma_wait3A_115 = tpu.memref_slice %arg11[%add3A_101, %dma_wait3A_114] : memref<10240x128xf32, #tpu.memory_space<vmem_shared>> -> memref<128x128xf32, #tpu.memory_space<vmem_shared>>
    tpu.wait_dma2 semaphore(%arg12 : memref<!tpu.dma_semaphore, #tpu.memory_space<semaphore_mem>>) src(%dma_wait3A_115 : memref<128x128xf32, #tpu.memory_space<vmem_shared>>) dst(%arg7 : memref<128x128xf32, #tpu.memory_space<vmem>>)
    %dma_wait3A_116 = arith.constant 0 : i32
    %dma_wait3A_117 = tpu.memref_slice %arg6[%add3A_107, %dma_wait3A_116] : memref<20480x128xf32, #tpu.memory_space<hbm>> -> memref<128x128xf32, #tpu.memory_space<hbm>>
    %dma_wait3A_118 = arith.constant 0 : i32
    %dma_wait3A_119 = tpu.memref_slice %arg6[%add3A_107, %dma_wait3A_118] : memref<20480x128xf32, #tpu.memory_space<hbm>> -> memref<128x128xf32, #tpu.memory_space<hbm>>
    tpu.wait_dma2 semaphore(%arg13 : memref<!tpu.dma_semaphore, #tpu.memory_space<semaphore_mem>>) src(%arg8 : memref<128x128xf32, #tpu.memory_space<vmem>>) dst(%dma_wait3A_119 : memref<128x128xf32, #tpu.memory_space<hbm>>)
    %add3A_120 = arith.constant 384 : i32
    %add3A_121 = arith.addi %mul3A_0, %add3A_120 : i32
    %dma_start3A_122 = arith.constant 0 : i32
    %dma_start3A_123 = tpu.memref_slice %arg11[%add3A_121, %dma_start3A_122] : memref<10240x128xf32, #tpu.memory_space<vmem_shared>> -> memref<128x128xf32, #tpu.memory_space<vmem_shared>>
    %dma_start3A_124 = arith.constant 0 : i32
    %dma_start3A_125 = tpu.memref_slice %arg11[%add3A_121, %dma_start3A_124] : memref<10240x128xf32, #tpu.memory_space<vmem_shared>> -> memref<128x128xf32, #tpu.memory_space<vmem_shared>>
    tpu.enqueue_dma source(%dma_start3A_125 : memref<128x128xf32, #tpu.memory_space<vmem_shared>>) target(%arg8 : memref<128x128xf32, #tpu.memory_space<vmem>>) target_semaphore(%arg12 : memref<!tpu.dma_semaphore, #tpu.memory_space<semaphore_mem>>)
    %add3A_126 = arith.constant 256 : i32
    %add3A_127 = arith.addi %add3A_71, %add3A_126 : i32
    %dma_start3A_128 = arith.constant 0 : i32
    %dma_start3A_129 = tpu.memref_slice %arg6[%add3A_127, %dma_start3A_128] : memref<20480x128xf32, #tpu.memory_space<hbm>> -> memref<128x128xf32, #tpu.memory_space<hbm>>
    %dma_start3A_130 = arith.constant 0 : i32
    %dma_start3A_131 = tpu.memref_slice %arg6[%add3A_127, %dma_start3A_130] : memref<20480x128xf32, #tpu.memory_space<hbm>> -> memref<128x128xf32, #tpu.memory_space<hbm>>
    tpu.enqueue_dma source(%arg7 : memref<128x128xf32, #tpu.memory_space<vmem>>) target(%dma_start3A_131 : memref<128x128xf32, #tpu.memory_space<hbm>>) target_semaphore(%arg13 : memref<!tpu.dma_semaphore, #tpu.memory_space<semaphore_mem>>)
    %dma_wait3A_132 = arith.constant 0 : i32
    %dma_wait3A_133 = tpu.memref_slice %arg11[%add3A_121, %dma_wait3A_132] : memref<10240x128xf32, #tpu.memory_space<vmem_shared>> -> memref<128x128xf32, #tpu.memory_space<vmem_shared>>
    %dma_wait3A_134 = arith.constant 0 : i32
    %dma_wait3A_135 = tpu.memref_slice %arg11[%add3A_121, %dma_wait3A_134] : memref<10240x128xf32, #tpu.memory_space<vmem_shared>> -> memref<128x128xf32, #tpu.memory_space<vmem_shared>>
    tpu.wait_dma2 semaphore(%arg12 : memref<!tpu.dma_semaphore, #tpu.memory_space<semaphore_mem>>) src(%dma_wait3A_135 : memref<128x128xf32, #tpu.memory_space<vmem_shared>>) dst(%arg8 : memref<128x128xf32, #tpu.memory_space<vmem>>)
    %dma_wait3A_136 = arith.constant 0 : i32
    %dma_wait3A_137 = tpu.memref_slice %arg6[%add3A_127, %dma_wait3A_136] : memref<20480x128xf32, #tpu.memory_space<hbm>> -> memref<128x128xf32, #tpu.memory_space<hbm>>
    %dma_wait3A_138 = arith.constant 0 : i32
    %dma_wait3A_139 = tpu.memref_slice %arg6[%add3A_127, %dma_wait3A_138] : memref<20480x128xf32, #tpu.memory_space<hbm>> -> memref<128x128xf32, #tpu.memory_space<hbm>>
    tpu.wait_dma2 semaphore(%arg13 : memref<!tpu.dma_semaphore, #tpu.memory_space<semaphore_mem>>) src(%arg7 : memref<128x128xf32, #tpu.memory_space<vmem>>) dst(%dma_wait3A_139 : memref<128x128xf32, #tpu.memory_space<hbm>>)
    %add3A_140 = arith.constant 512 : i32
    %add3A_141 = arith.addi %mul3A_0, %add3A_140 : i32
    %dma_start3A_142 = arith.constant 0 : i32
    %dma_start3A_143 = tpu.memref_slice %arg11[%add3A_141, %dma_start3A_142] : memref<10240x128xf32, #tpu.memory_space<vmem_shared>> -> memref<128x128xf32, #tpu.memory_space<vmem_shared>>
    %dma_start3A_144 = arith.constant 0 : i32
    %dma_start3A_145 = tpu.memref_slice %arg11[%add3A_141, %dma_start3A_144] : memref<10240x128xf32, #tpu.memory_space<vmem_shared>> -> memref<128x128xf32, #tpu.memory_space<vmem_shared>>
    tpu.enqueue_dma source(%dma_start3A_145 : memref<128x128xf32, #tpu.memory_space<vmem_shared>>) target(%arg7 : memref<128x128xf32, #tpu.memory_space<vmem>>) target_semaphore(%arg12 : memref<!tpu.dma_semaphore, #tpu.memory_space<semaphore_mem>>)
    %add3A_146 = arith.constant 384 : i32
    %add3A_147 = arith.addi %add3A_71, %add3A_146 : i32
    %dma_start3A_148 = arith.constant 0 : i32
    %dma_start3A_149 = tpu.memref_slice %arg6[%add3A_147, %dma_start3A_148] : memref<20480x128xf32, #tpu.memory_space<hbm>> -> memref<128x128xf32, #tpu.memory_space<hbm>>
    %dma_start3A_150 = arith.constant 0 : i32
    %dma_start3A_151 = tpu.memref_slice %arg6[%add3A_147, %dma_start3A_150] : memref<20480x128xf32, #tpu.memory_space<hbm>> -> memref<128x128xf32, #tpu.memory_space<hbm>>
    tpu.enqueue_dma source(%arg8 : memref<128x128xf32, #tpu.memory_space<vmem>>) target(%dma_start3A_151 : memref<128x128xf32, #tpu.memory_space<hbm>>) target_semaphore(%arg13 : memref<!tpu.dma_semaphore, #tpu.memory_space<semaphore_mem>>)
    %dma_wait3A_152 = arith.constant 0 : i32
    %dma_wait3A_153 = tpu.memref_slice %arg11[%add3A_141, %dma_wait3A_152] : memref<10240x128xf32, #tpu.memory_space<vmem_shared>> -> memref<128x128xf32, #tpu.memory_space<vmem_shared>>
    %dma_wait3A_154 = arith.constant 0 : i32
    %dma_wait3A_155 = tpu.memref_slice %arg11[%add3A_141, %dma_wait3A_154] : memref<10240x128xf32, #tpu.memory_space<vmem_shared>> -> memref<128x128xf32, #tpu.memory_space<vmem_shared>>
    tpu.wait_dma2 semaphore(%arg12 : memref<!tpu.dma_semaphore, #tpu.memory_space<semaphore_mem>>) src(%dma_wait3A_155 : memref<128x128xf32, #tpu.memory_space<vmem_shared>>) dst(%arg7 : memref<128x128xf32, #tpu.memory_space<vmem>>)
    %add3A_156 = arith.constant 512 : i32
    %add3A_157 = arith.addi %add3A_71, %add3A_156 : i32
    %dma_start3A_158 = arith.constant 0 : i32
    %dma_start3A_159 = tpu.memref_slice %arg6[%add3A_157, %dma_start3A_158] : memref<20480x128xf32, #tpu.memory_space<hbm>> -> memref<128x128xf32, #tpu.memory_space<hbm>>
    %dma_start3A_160 = arith.constant 0 : i32
    %dma_start3A_161 = tpu.memref_slice %arg6[%add3A_157, %dma_start3A_160] : memref<20480x128xf32, #tpu.memory_space<hbm>> -> memref<128x128xf32, #tpu.memory_space<hbm>>
    tpu.enqueue_dma source(%arg7 : memref<128x128xf32, #tpu.memory_space<vmem>>) target(%dma_start3A_161 : memref<128x128xf32, #tpu.memory_space<hbm>>) target_semaphore(%arg13 : memref<!tpu.dma_semaphore, #tpu.memory_space<semaphore_mem>>)
    %dma_wait3A_162 = arith.constant 0 : i32
    %dma_wait3A_163 = tpu.memref_slice %arg6[%add3A_147, %dma_wait3A_162] : memref<20480x128xf32, #tpu.memory_space<hbm>> -> memref<128x128xf32, #tpu.memory_space<hbm>>
    %dma_wait3A_164 = arith.constant 0 : i32
    %dma_wait3A_165 = tpu.memref_slice %arg6[%add3A_147, %dma_wait3A_164] : memref<20480x128xf32, #tpu.memory_space<hbm>> -> memref<128x128xf32, #tpu.memory_space<hbm>>
    tpu.wait_dma2 semaphore(%arg13 : memref<!tpu.dma_semaphore, #tpu.memory_space<semaphore_mem>>) src(%arg8 : memref<128x128xf32, #tpu.memory_space<vmem>>) dst(%dma_wait3A_165 : memref<128x128xf32, #tpu.memory_space<hbm>>)
    %dma_wait3A_166 = arith.constant 0 : i32
    %dma_wait3A_167 = tpu.memref_slice %arg6[%add3A_157, %dma_wait3A_166] : memref<20480x128xf32, #tpu.memory_space<hbm>> -> memref<128x128xf32, #tpu.memory_space<hbm>>
    %dma_wait3A_168 = arith.constant 0 : i32
    %dma_wait3A_169 = tpu.memref_slice %arg6[%add3A_157, %dma_wait3A_168] : memref<20480x128xf32, #tpu.memory_space<hbm>> -> memref<128x128xf32, #tpu.memory_space<hbm>>
    tpu.wait_dma2 semaphore(%arg13 : memref<!tpu.dma_semaphore, #tpu.memory_space<semaphore_mem>>) src(%arg7 : memref<128x128xf32, #tpu.memory_space<vmem>>) dst(%dma_wait3A_169 : memref<128x128xf32, #tpu.memory_space<hbm>>)
    return
  }
}

#map = affine_map<(d0, d1) -> (0, 0)>
module attributes {stable_mosaic.version = 14 : i64} {
  func.func @agg(%arg0: i32, %arg1: i32, %arg2: memref<10000x128xf32, #tpu.memory_space<hbm>>, %arg3: memref<2560x128xi32, #tpu.memory_space<hbm>>, %arg4: memref<2560x128xi32, #tpu.memory_space<hbm>>, %arg5: memref<128x128xf32, #tpu.memory_space<hbm>>, %arg6: memref<20480x128xf32, #tpu.memory_space<hbm>>, %arg7: memref<128x128xf32, #tpu.memory_space<vmem>>, %arg8: memref<128x128xf32, #tpu.memory_space<vmem>>, %arg9: memref<16x128xi32, #tpu.memory_space<vmem>>, %arg10: memref<16x128xi32, #tpu.memory_space<vmem>>, %arg11: memref<10240x128xf32, #tpu.memory_space<vmem_shared>>, %arg12: memref<!tpu.dma_semaphore, #tpu.memory_space<semaphore_mem>>, %arg13: memref<!tpu.dma_semaphore, #tpu.memory_space<semaphore_mem>>) attributes {dimension_semantics = [#tpu.dimension_semantics<core_parallel>, #tpu.dimension_semantics<subcore_parallel>], iteration_bounds = array<i64: 2, 16>, scalar_prefetch = 0 : i64, scratch_operands = 7 : i64, tpu.core_type = #tpu.core_type<sc_vector_subcore>, window_params = [{transform_indices = #map}, {transform_indices = #map}, {transform_indices = #map}, {transform_indices = #map}, {transform_indices = #map}]} {
    %mul3A = arith.constant 640 : i32
    %mul3A_0 = arith.muli %arg1, %mul3A : i32
    "tpu.region"() ({
      %run_scoped3A = tpu.sem_alloc : memref<!tpu.dma_semaphore, #tpu.memory_space<semaphore_mem>>
      tpu.enqueue_dma source(%arg5 : memref<128x128xf32, #tpu.memory_space<hbm>>) target(%arg7 : memref<128x128xf32, #tpu.memory_space<vmem>>) target_semaphore(%run_scoped3A : memref<!tpu.dma_semaphore, #tpu.memory_space<semaphore_mem>>)
      tpu.wait_dma2 semaphore(%run_scoped3A : memref<!tpu.dma_semaphore, #tpu.memory_space<semaphore_mem>>) src(%arg5 : memref<128x128xf32, #tpu.memory_space<hbm>>) dst(%arg7 : memref<128x128xf32, #tpu.memory_space<vmem>>)
      tpu.yield
    }) : () -> ()
    %add3A = arith.constant 0 : i32
    %add3A_1 = arith.addi %mul3A_0, %add3A : i32
    %dma_start3A = arith.constant 0 : i32
    %dma_start3A_2 = tpu.memref_slice %arg11[%add3A_1, %dma_start3A] : memref<10240x128xf32, #tpu.memory_space<vmem_shared>> -> memref<128x128xf32, #tpu.memory_space<vmem_shared>>
    %dma_start3A_3 = arith.constant 0 : i32
    %dma_start3A_4 = tpu.memref_slice %arg11[%add3A_1, %dma_start3A_3] : memref<10240x128xf32, #tpu.memory_space<vmem_shared>> -> memref<128x128xf32, #tpu.memory_space<vmem_shared>>
    tpu.enqueue_dma source(%arg7 : memref<128x128xf32, #tpu.memory_space<vmem>>) target(%dma_start3A_4 : memref<128x128xf32, #tpu.memory_space<vmem_shared>>) target_semaphore(%arg13 : memref<!tpu.dma_semaphore, #tpu.memory_space<semaphore_mem>>)
    %add3A_5 = arith.constant 128 : i32
    %add3A_6 = arith.addi %mul3A_0, %add3A_5 : i32
    %dma_start3A_7 = arith.constant 0 : i32
    %dma_start3A_8 = tpu.memref_slice %arg11[%add3A_6, %dma_start3A_7] : memref<10240x128xf32, #tpu.memory_space<vmem_shared>> -> memref<128x128xf32, #tpu.memory_space<vmem_shared>>
    %dma_start3A_9 = arith.constant 0 : i32
    %dma_start3A_10 = tpu.memref_slice %arg11[%add3A_6, %dma_start3A_9] : memref<10240x128xf32, #tpu.memory_space<vmem_shared>> -> memref<128x128xf32, #tpu.memory_space<vmem_shared>>
    tpu.enqueue_dma source(%arg7 : memref<128x128xf32, #tpu.memory_space<vmem>>) target(%dma_start3A_10 : memref<128x128xf32, #tpu.memory_space<vmem_shared>>) target_semaphore(%arg13 : memref<!tpu.dma_semaphore, #tpu.memory_space<semaphore_mem>>)
    %add3A_11 = arith.constant 256 : i32
    %add3A_12 = arith.addi %mul3A_0, %add3A_11 : i32
    %dma_start3A_13 = arith.constant 0 : i32
    %dma_start3A_14 = tpu.memref_slice %arg11[%add3A_12, %dma_start3A_13] : memref<10240x128xf32, #tpu.memory_space<vmem_shared>> -> memref<128x128xf32, #tpu.memory_space<vmem_shared>>
    %dma_start3A_15 = arith.constant 0 : i32
    %dma_start3A_16 = tpu.memref_slice %arg11[%add3A_12, %dma_start3A_15] : memref<10240x128xf32, #tpu.memory_space<vmem_shared>> -> memref<128x128xf32, #tpu.memory_space<vmem_shared>>
    tpu.enqueue_dma source(%arg7 : memref<128x128xf32, #tpu.memory_space<vmem>>) target(%dma_start3A_16 : memref<128x128xf32, #tpu.memory_space<vmem_shared>>) target_semaphore(%arg13 : memref<!tpu.dma_semaphore, #tpu.memory_space<semaphore_mem>>)
    %add3A_17 = arith.constant 384 : i32
    %add3A_18 = arith.addi %mul3A_0, %add3A_17 : i32
    %dma_start3A_19 = arith.constant 0 : i32
    %dma_start3A_20 = tpu.memref_slice %arg11[%add3A_18, %dma_start3A_19] : memref<10240x128xf32, #tpu.memory_space<vmem_shared>> -> memref<128x128xf32, #tpu.memory_space<vmem_shared>>
    %dma_start3A_21 = arith.constant 0 : i32
    %dma_start3A_22 = tpu.memref_slice %arg11[%add3A_18, %dma_start3A_21] : memref<10240x128xf32, #tpu.memory_space<vmem_shared>> -> memref<128x128xf32, #tpu.memory_space<vmem_shared>>
    tpu.enqueue_dma source(%arg7 : memref<128x128xf32, #tpu.memory_space<vmem>>) target(%dma_start3A_22 : memref<128x128xf32, #tpu.memory_space<vmem_shared>>) target_semaphore(%arg13 : memref<!tpu.dma_semaphore, #tpu.memory_space<semaphore_mem>>)
    %add3A_23 = arith.constant 512 : i32
    %add3A_24 = arith.addi %mul3A_0, %add3A_23 : i32
    %dma_start3A_25 = arith.constant 0 : i32
    %dma_start3A_26 = tpu.memref_slice %arg11[%add3A_24, %dma_start3A_25] : memref<10240x128xf32, #tpu.memory_space<vmem_shared>> -> memref<128x128xf32, #tpu.memory_space<vmem_shared>>
    %dma_start3A_27 = arith.constant 0 : i32
    %dma_start3A_28 = tpu.memref_slice %arg11[%add3A_24, %dma_start3A_27] : memref<10240x128xf32, #tpu.memory_space<vmem_shared>> -> memref<128x128xf32, #tpu.memory_space<vmem_shared>>
    tpu.enqueue_dma source(%arg7 : memref<128x128xf32, #tpu.memory_space<vmem>>) target(%dma_start3A_28 : memref<128x128xf32, #tpu.memory_space<vmem_shared>>) target_semaphore(%arg13 : memref<!tpu.dma_semaphore, #tpu.memory_space<semaphore_mem>>)
    %dma_wait3A = arith.constant 0 : i32
    %dma_wait3A_29 = tpu.memref_slice %arg11[%add3A_1, %dma_wait3A] : memref<10240x128xf32, #tpu.memory_space<vmem_shared>> -> memref<128x128xf32, #tpu.memory_space<vmem_shared>>
    %dma_wait3A_30 = arith.constant 0 : i32
    %dma_wait3A_31 = tpu.memref_slice %arg11[%add3A_1, %dma_wait3A_30] : memref<10240x128xf32, #tpu.memory_space<vmem_shared>> -> memref<128x128xf32, #tpu.memory_space<vmem_shared>>
    tpu.wait_dma2 semaphore(%arg13 : memref<!tpu.dma_semaphore, #tpu.memory_space<semaphore_mem>>) src(%arg7 : memref<128x128xf32, #tpu.memory_space<vmem>>) dst(%dma_wait3A_31 : memref<128x128xf32, #tpu.memory_space<vmem_shared>>)
    %dma_wait3A_32 = arith.constant 0 : i32
    %dma_wait3A_33 = tpu.memref_slice %arg11[%add3A_6, %dma_wait3A_32] : memref<10240x128xf32, #tpu.memory_space<vmem_shared>> -> memref<128x128xf32, #tpu.memory_space<vmem_shared>>
    %dma_wait3A_34 = arith.constant 0 : i32
    %dma_wait3A_35 = tpu.memref_slice %arg11[%add3A_6, %dma_wait3A_34] : memref<10240x128xf32, #tpu.memory_space<vmem_shared>> -> memref<128x128xf32, #tpu.memory_space<vmem_shared>>
    tpu.wait_dma2 semaphore(%arg13 : memref<!tpu.dma_semaphore, #tpu.memory_space<semaphore_mem>>) src(%arg7 : memref<128x128xf32, #tpu.memory_space<vmem>>) dst(%dma_wait3A_35 : memref<128x128xf32, #tpu.memory_space<vmem_shared>>)
    %dma_wait3A_36 = arith.constant 0 : i32
    %dma_wait3A_37 = tpu.memref_slice %arg11[%add3A_12, %dma_wait3A_36] : memref<10240x128xf32, #tpu.memory_space<vmem_shared>> -> memref<128x128xf32, #tpu.memory_space<vmem_shared>>
    %dma_wait3A_38 = arith.constant 0 : i32
    %dma_wait3A_39 = tpu.memref_slice %arg11[%add3A_12, %dma_wait3A_38] : memref<10240x128xf32, #tpu.memory_space<vmem_shared>> -> memref<128x128xf32, #tpu.memory_space<vmem_shared>>
    tpu.wait_dma2 semaphore(%arg13 : memref<!tpu.dma_semaphore, #tpu.memory_space<semaphore_mem>>) src(%arg7 : memref<128x128xf32, #tpu.memory_space<vmem>>) dst(%dma_wait3A_39 : memref<128x128xf32, #tpu.memory_space<vmem_shared>>)
    %dma_wait3A_40 = arith.constant 0 : i32
    %dma_wait3A_41 = tpu.memref_slice %arg11[%add3A_18, %dma_wait3A_40] : memref<10240x128xf32, #tpu.memory_space<vmem_shared>> -> memref<128x128xf32, #tpu.memory_space<vmem_shared>>
    %dma_wait3A_42 = arith.constant 0 : i32
    %dma_wait3A_43 = tpu.memref_slice %arg11[%add3A_18, %dma_wait3A_42] : memref<10240x128xf32, #tpu.memory_space<vmem_shared>> -> memref<128x128xf32, #tpu.memory_space<vmem_shared>>
    tpu.wait_dma2 semaphore(%arg13 : memref<!tpu.dma_semaphore, #tpu.memory_space<semaphore_mem>>) src(%arg7 : memref<128x128xf32, #tpu.memory_space<vmem>>) dst(%dma_wait3A_43 : memref<128x128xf32, #tpu.memory_space<vmem_shared>>)
    %dma_wait3A_44 = arith.constant 0 : i32
    %dma_wait3A_45 = tpu.memref_slice %arg11[%add3A_24, %dma_wait3A_44] : memref<10240x128xf32, #tpu.memory_space<vmem_shared>> -> memref<128x128xf32, #tpu.memory_space<vmem_shared>>
    %dma_wait3A_46 = arith.constant 0 : i32
    %dma_wait3A_47 = tpu.memref_slice %arg11[%add3A_24, %dma_wait3A_46] : memref<10240x128xf32, #tpu.memory_space<vmem_shared>> -> memref<128x128xf32, #tpu.memory_space<vmem_shared>>
    tpu.wait_dma2 semaphore(%arg13 : memref<!tpu.dma_semaphore, #tpu.memory_space<semaphore_mem>>) src(%arg7 : memref<128x128xf32, #tpu.memory_space<vmem>>) dst(%dma_wait3A_47 : memref<128x128xf32, #tpu.memory_space<vmem_shared>>)
    %barrier3A = arith.constant 0 : index
    tpu.barrier barrier_id(%barrier3A)
    %eq3A = arith.constant 0 : i32
    %eq3A_48 = arith.cmpi eq, %arg0, %eq3A : i32
    %mul3A_49 = arith.constant 144 : i32
    %mul3A_50 = arith.muli %arg1, %mul3A_49 : i32
    %mul3A_51 = arith.constant 16 : i32
    %mul3A_52 = arith.muli %arg1, %mul3A_51 : i32
    %add3A_53 = arith.constant 2304 : i32
    %add3A_54 = arith.addi %add3A_53, %mul3A_52 : i32
    %select_n3A = arith.select %eq3A_48, %mul3A_50, %add3A_54 : i32
    %eq3A_55 = arith.constant 0 : i32
    %eq3A_56 = arith.cmpi eq, %arg0, %eq3A_55 : i32
    %jit3A = arith.constant 9 : i32
    %jit3A_57 = arith.constant 1 : i32
    %select_n3A_58 = arith.select %eq3A_56, %jit3A, %jit3A_57 : i32
    %while3A = arith.constant 0 : i32
    %while3A_59 = arith.constant 0 : i32
    %while3A_60 = arith.subi %select_n3A_58, %while3A_59 : i32
    %while3A_61 = arith.addi %while3A_59, %while3A_60 : i32
    %while3A_62 = arith.constant 1 : i32
    %while3A_63 = arith.divsi %while3A_60, %while3A_62 : i32
    %while3A_64 = arith.muli %while3A_63, %while3A_62 : i32
    %while3A_65 = arith.addi %while3A_59, %while3A_64 : i32
    %while3A_66 = arith.constant 1 : i32
    scf.for %while3A_170 = %while3A_59 to %while3A_65 step %while3A_66  : i32 {
      %mul3A_171 = arith.constant 16 : i32
      %mul3A_172 = arith.muli %while3A_170, %mul3A_171 : i32
      %add3A_173 = arith.addi %select_n3A, %mul3A_172 : i32
      "tpu.region"() ({
        %run_scoped3A = tpu.sem_alloc : memref<!tpu.dma_semaphore, #tpu.memory_space<semaphore_mem>>
        %dma_start3A_193 = arith.constant 0 : i32
        %dma_start3A_194 = tpu.memref_slice %arg3[%add3A_173, %dma_start3A_193] : memref<2560x128xi32, #tpu.memory_space<hbm>> -> memref<16x128xi32, #tpu.memory_space<hbm>>
        %dma_start3A_195 = arith.constant 0 : i32
        %dma_start3A_196 = tpu.memref_slice %arg3[%add3A_173, %dma_start3A_195] : memref<2560x128xi32, #tpu.memory_space<hbm>> -> memref<16x128xi32, #tpu.memory_space<hbm>>
        tpu.enqueue_dma source(%dma_start3A_196 : memref<16x128xi32, #tpu.memory_space<hbm>>) target(%arg9 : memref<16x128xi32, #tpu.memory_space<vmem>>) target_semaphore(%run_scoped3A : memref<!tpu.dma_semaphore, #tpu.memory_space<semaphore_mem>>)
        %dma_wait3A_197 = arith.constant 0 : i32
        %dma_wait3A_198 = tpu.memref_slice %arg3[%add3A_173, %dma_wait3A_197] : memref<2560x128xi32, #tpu.memory_space<hbm>> -> memref<16x128xi32, #tpu.memory_space<hbm>>
        %dma_wait3A_199 = arith.constant 0 : i32
        %dma_wait3A_200 = tpu.memref_slice %arg3[%add3A_173, %dma_wait3A_199] : memref<2560x128xi32, #tpu.memory_space<hbm>> -> memref<16x128xi32, #tpu.memory_space<hbm>>
        tpu.wait_dma2 semaphore(%run_scoped3A : memref<!tpu.dma_semaphore, #tpu.memory_space<semaphore_mem>>) src(%dma_wait3A_200 : memref<16x128xi32, #tpu.memory_space<hbm>>) dst(%arg9 : memref<16x128xi32, #tpu.memory_space<vmem>>)
        tpu.yield
      }) : () -> ()
      "tpu.region"() ({
        %run_scoped3A = tpu.sem_alloc : memref<!tpu.dma_semaphore, #tpu.memory_space<semaphore_mem>>
        %dma_start3A_193 = arith.constant 0 : i32
        %dma_start3A_194 = tpu.memref_slice %arg4[%add3A_173, %dma_start3A_193] : memref<2560x128xi32, #tpu.memory_space<hbm>> -> memref<16x128xi32, #tpu.memory_space<hbm>>
        %dma_start3A_195 = arith.constant 0 : i32
        %dma_start3A_196 = tpu.memref_slice %arg4[%add3A_173, %dma_start3A_195] : memref<2560x128xi32, #tpu.memory_space<hbm>> -> memref<16x128xi32, #tpu.memory_space<hbm>>
        tpu.enqueue_dma source(%dma_start3A_196 : memref<16x128xi32, #tpu.memory_space<hbm>>) target(%arg10 : memref<16x128xi32, #tpu.memory_space<vmem>>) target_semaphore(%run_scoped3A : memref<!tpu.dma_semaphore, #tpu.memory_space<semaphore_mem>>)
        %dma_wait3A_197 = arith.constant 0 : i32
        %dma_wait3A_198 = tpu.memref_slice %arg4[%add3A_173, %dma_wait3A_197] : memref<2560x128xi32, #tpu.memory_space<hbm>> -> memref<16x128xi32, #tpu.memory_space<hbm>>
        %dma_wait3A_199 = arith.constant 0 : i32
        %dma_wait3A_200 = tpu.memref_slice %arg4[%add3A_173, %dma_wait3A_199] : memref<2560x128xi32, #tpu.memory_space<hbm>> -> memref<16x128xi32, #tpu.memory_space<hbm>>
        tpu.wait_dma2 semaphore(%run_scoped3A : memref<!tpu.dma_semaphore, #tpu.memory_space<semaphore_mem>>) src(%dma_wait3A_200 : memref<16x128xi32, #tpu.memory_space<hbm>>) dst(%arg10 : memref<16x128xi32, #tpu.memory_space<vmem>>)
        tpu.yield
      }) : () -> ()
      %dma_start3A_174 = arith.constant 0 : i32
      %dma_start3A_175 = arith.constant 0 : i32
      %dma_start3A_176 = tpu.memref_slice %arg9[%dma_start3A_174, %dma_start3A_175] : memref<16x128xi32, #tpu.memory_space<vmem>> -> memref<1x128xi32, #tpu.memory_space<vmem>>
      %dma_start3A_177 = tpu.memref_squeeze %dma_start3A_176 : memref<1x128xi32, #tpu.memory_space<vmem>> -> memref<128xi32, #tpu.memory_space<vmem>>
      %dma_start3A_178 = arith.constant 0 : i32
      %dma_start3A_179 = arith.constant 0 : i32
      %dma_start3A_180 = tpu.memref_slice %arg2[%dma_start3A_178, %dma_start3A_179] : memref<10000x128xf32, #tpu.memory_space<hbm>> -> memref<10000x128xf32, #tpu.memory_space<hbm>>
      tpu.enqueue_indirect_dma source(%dma_start3A_180 : memref<10000x128xf32, #tpu.memory_space<hbm>>) target(%arg7 : memref<128x128xf32, #tpu.memory_space<vmem>>) offsets(%dma_start3A_177 : memref<128xi32, #tpu.memory_space<vmem>>) semaphore(%arg12 : memref<!tpu.dma_semaphore, #tpu.memory_space<semaphore_mem>>)
      %scan3A = arith.constant 0 : i32
      %scan3A_181 = arith.constant 0 : i32
      %scan3A_182 = arith.constant 8 : i32
      %scan3A_183 = arith.addi %scan3A_181, %scan3A_182 : i32
      %scan3A_184 = arith.constant 1 : i32
      scf.for %scan3A_193 = %scan3A_181 to %scan3A_183 step %scan3A_184  : i32 {
        %mul3A_194 = arith.constant 2 : i32
        %mul3A_195 = arith.muli %mul3A_194, %scan3A_193 : i32
        %add3A_196 = arith.constant 0 : i32
        %add3A_197 = arith.addi %mul3A_195, %add3A_196 : i32
        %dma_wait3A_198 = arith.constant 0 : i32
        %dma_wait3A_199 = tpu.memref_slice %arg9[%add3A_197, %dma_wait3A_198] : memref<16x128xi32, #tpu.memory_space<vmem>> -> memref<1x128xi32, #tpu.memory_space<vmem>>
        %dma_wait3A_200 = tpu.memref_squeeze %dma_wait3A_199 : memref<1x128xi32, #tpu.memory_space<vmem>> -> memref<128xi32, #tpu.memory_space<vmem>>
        %dma_wait3A_201 = arith.constant 0 : i32
        %dma_wait3A_202 = arith.constant 0 : i32
        %dma_wait3A_203 = tpu.memref_slice %arg2[%dma_wait3A_201, %dma_wait3A_202] : memref<10000x128xf32, #tpu.memory_space<hbm>> -> memref<10000x128xf32, #tpu.memory_space<hbm>>
        tpu.wait_indirect_dma semaphore(%arg12 : memref<!tpu.dma_semaphore, #tpu.memory_space<semaphore_mem>>) src(%dma_wait3A_203 : memref<10000x128xf32, #tpu.memory_space<hbm>>) dst(%arg7 : memref<128x128xf32, #tpu.memory_space<vmem>>)
        %gt3A = arith.constant 0 : i32
        %gt3A_204 = arith.cmpi sgt, %scan3A_193, %gt3A : i32
        %convert_element_type3A = arith.extui %gt3A_204 : i1 to i32
        %cond3A = arith.constant 0 : i32
        %cond3A_205 = arith.cmpi ne, %convert_element_type3A, %cond3A : i32
        scf.if %cond3A_205 {
          %sub3A_247 = arith.constant 1 : i32
          %sub3A_248 = arith.subi %add3A_197, %sub3A_247 : i32
          %dma_wait3A_249 = arith.constant 0 : i32
          %dma_wait3A_250 = tpu.memref_slice %arg10[%sub3A_248, %dma_wait3A_249] : memref<16x128xi32, #tpu.memory_space<vmem>> -> memref<1x128xi32, #tpu.memory_space<vmem>>
          %dma_wait3A_251 = tpu.memref_squeeze %dma_wait3A_250 : memref<1x128xi32, #tpu.memory_space<vmem>> -> memref<128xi32, #tpu.memory_space<vmem>>
          %dma_wait3A_252 = arith.constant 0 : i32
          %dma_wait3A_253 = arith.constant 0 : i32
          %dma_wait3A_254 = tpu.memref_slice %arg11[%dma_wait3A_252, %dma_wait3A_253] : memref<10240x128xf32, #tpu.memory_space<vmem_shared>> -> memref<10240x128xf32, #tpu.memory_space<vmem_shared>>
          tpu.wait_indirect_dma semaphore(%arg13 : memref<!tpu.dma_semaphore, #tpu.memory_space<semaphore_mem>>) src(%arg8 : memref<128x128xf32, #tpu.memory_space<vmem>>) dst(%dma_wait3A_254 : memref<10240x128xf32, #tpu.memory_space<vmem_shared>>)
        } else {
        }
        %add3A_206 = arith.constant 1 : i32
        %add3A_207 = arith.addi %add3A_197, %add3A_206 : i32
        %dma_start3A_208 = arith.constant 0 : i32
        %dma_start3A_209 = tpu.memref_slice %arg9[%add3A_207, %dma_start3A_208] : memref<16x128xi32, #tpu.memory_space<vmem>> -> memref<1x128xi32, #tpu.memory_space<vmem>>
        %dma_start3A_210 = tpu.memref_squeeze %dma_start3A_209 : memref<1x128xi32, #tpu.memory_space<vmem>> -> memref<128xi32, #tpu.memory_space<vmem>>
        %dma_start3A_211 = arith.constant 0 : i32
        %dma_start3A_212 = arith.constant 0 : i32
        %dma_start3A_213 = tpu.memref_slice %arg2[%dma_start3A_211, %dma_start3A_212] : memref<10000x128xf32, #tpu.memory_space<hbm>> -> memref<10000x128xf32, #tpu.memory_space<hbm>>
        tpu.enqueue_indirect_dma source(%dma_start3A_213 : memref<10000x128xf32, #tpu.memory_space<hbm>>) target(%arg8 : memref<128x128xf32, #tpu.memory_space<vmem>>) offsets(%dma_start3A_210 : memref<128xi32, #tpu.memory_space<vmem>>) semaphore(%arg12 : memref<!tpu.dma_semaphore, #tpu.memory_space<semaphore_mem>>)
        %dma_start3A_214 = arith.constant 0 : i32
        %dma_start3A_215 = tpu.memref_slice %arg10[%add3A_197, %dma_start3A_214] : memref<16x128xi32, #tpu.memory_space<vmem>> -> memref<1x128xi32, #tpu.memory_space<vmem>>
        %dma_start3A_216 = tpu.memref_squeeze %dma_start3A_215 : memref<1x128xi32, #tpu.memory_space<vmem>> -> memref<128xi32, #tpu.memory_space<vmem>>
        %dma_start3A_217 = arith.constant 0 : i32
        %dma_start3A_218 = arith.constant 0 : i32
        %dma_start3A_219 = tpu.memref_slice %arg11[%dma_start3A_217, %dma_start3A_218] : memref<10240x128xf32, #tpu.memory_space<vmem_shared>> -> memref<10240x128xf32, #tpu.memory_space<vmem_shared>>
        tpu.enqueue_indirect_dma source(%arg7 : memref<128x128xf32, #tpu.memory_space<vmem>>) target(%dma_start3A_219 : memref<10240x128xf32, #tpu.memory_space<vmem_shared>>) offsets(%dma_start3A_216 : memref<128xi32, #tpu.memory_space<vmem>>) semaphore(%arg13 : memref<!tpu.dma_semaphore, #tpu.memory_space<semaphore_mem>>) {add = true}
        %mul3A_220 = arith.constant 2 : i32
        %mul3A_221 = arith.muli %mul3A_220, %scan3A_193 : i32
        %add3A_222 = arith.constant 1 : i32
        %add3A_223 = arith.addi %mul3A_221, %add3A_222 : i32
        %dma_wait3A_224 = arith.constant 0 : i32
        %dma_wait3A_225 = tpu.memref_slice %arg9[%add3A_223, %dma_wait3A_224] : memref<16x128xi32, #tpu.memory_space<vmem>> -> memref<1x128xi32, #tpu.memory_space<vmem>>
        %dma_wait3A_226 = tpu.memref_squeeze %dma_wait3A_225 : memref<1x128xi32, #tpu.memory_space<vmem>> -> memref<128xi32, #tpu.memory_space<vmem>>
        %dma_wait3A_227 = arith.constant 0 : i32
        %dma_wait3A_228 = arith.constant 0 : i32
        %dma_wait3A_229 = tpu.memref_slice %arg2[%dma_wait3A_227, %dma_wait3A_228] : memref<10000x128xf32, #tpu.memory_space<hbm>> -> memref<10000x128xf32, #tpu.memory_space<hbm>>
        tpu.wait_indirect_dma semaphore(%arg12 : memref<!tpu.dma_semaphore, #tpu.memory_space<semaphore_mem>>) src(%dma_wait3A_229 : memref<10000x128xf32, #tpu.memory_space<hbm>>) dst(%arg8 : memref<128x128xf32, #tpu.memory_space<vmem>>)
        %sub3A = arith.constant 1 : i32
        %sub3A_230 = arith.subi %add3A_223, %sub3A : i32
        %dma_wait3A_231 = arith.constant 0 : i32
        %dma_wait3A_232 = tpu.memref_slice %arg10[%sub3A_230, %dma_wait3A_231] : memref<16x128xi32, #tpu.memory_space<vmem>> -> memref<1x128xi32, #tpu.memory_space<vmem>>
        %dma_wait3A_233 = tpu.memref_squeeze %dma_wait3A_232 : memref<1x128xi32, #tpu.memory_space<vmem>> -> memref<128xi32, #tpu.memory_space<vmem>>
        %dma_wait3A_234 = arith.constant 0 : i32
        %dma_wait3A_235 = arith.constant 0 : i32
        %dma_wait3A_236 = tpu.memref_slice %arg11[%dma_wait3A_234, %dma_wait3A_235] : memref<10240x128xf32, #tpu.memory_space<vmem_shared>> -> memref<10240x128xf32, #tpu.memory_space<vmem_shared>>
        tpu.wait_indirect_dma semaphore(%arg13 : memref<!tpu.dma_semaphore, #tpu.memory_space<semaphore_mem>>) src(%arg7 : memref<128x128xf32, #tpu.memory_space<vmem>>) dst(%dma_wait3A_236 : memref<10240x128xf32, #tpu.memory_space<vmem_shared>>)
        %lt3A = arith.constant 7 : i32
        %lt3A_237 = arith.cmpi slt, %scan3A_193, %lt3A : i32
        %convert_element_type3A_238 = arith.extui %lt3A_237 : i1 to i32
        %cond3A_239 = arith.constant 0 : i32
        %cond3A_240 = arith.cmpi ne, %convert_element_type3A_238, %cond3A_239 : i32
        scf.if %cond3A_240 {
          %add3A_247 = arith.constant 1 : i32
          %add3A_248 = arith.addi %add3A_223, %add3A_247 : i32
          %dma_start3A_249 = arith.constant 0 : i32
          %dma_start3A_250 = tpu.memref_slice %arg9[%add3A_248, %dma_start3A_249] : memref<16x128xi32, #tpu.memory_space<vmem>> -> memref<1x128xi32, #tpu.memory_space<vmem>>
          %dma_start3A_251 = tpu.memref_squeeze %dma_start3A_250 : memref<1x128xi32, #tpu.memory_space<vmem>> -> memref<128xi32, #tpu.memory_space<vmem>>
          %dma_start3A_252 = arith.constant 0 : i32
          %dma_start3A_253 = arith.constant 0 : i32
          %dma_start3A_254 = tpu.memref_slice %arg2[%dma_start3A_252, %dma_start3A_253] : memref<10000x128xf32, #tpu.memory_space<hbm>> -> memref<10000x128xf32, #tpu.memory_space<hbm>>
          tpu.enqueue_indirect_dma source(%dma_start3A_254 : memref<10000x128xf32, #tpu.memory_space<hbm>>) target(%arg7 : memref<128x128xf32, #tpu.memory_space<vmem>>) offsets(%dma_start3A_251 : memref<128xi32, #tpu.memory_space<vmem>>) semaphore(%arg12 : memref<!tpu.dma_semaphore, #tpu.memory_space<semaphore_mem>>)
        } else {
        }
        %dma_start3A_241 = arith.constant 0 : i32
        %dma_start3A_242 = tpu.memref_slice %arg10[%add3A_223, %dma_start3A_241] : memref<16x128xi32, #tpu.memory_space<vmem>> -> memref<1x128xi32, #tpu.memory_space<vmem>>
        %dma_start3A_243 = tpu.memref_squeeze %dma_start3A_242 : memref<1x128xi32, #tpu.memory_space<vmem>> -> memref<128xi32, #tpu.memory_space<vmem>>
        %dma_start3A_244 = arith.constant 0 : i32
        %dma_start3A_245 = arith.constant 0 : i32
        %dma_start3A_246 = tpu.memref_slice %arg11[%dma_start3A_244, %dma_start3A_245] : memref<10240x128xf32, #tpu.memory_space<vmem_shared>> -> memref<10240x128xf32, #tpu.memory_space<vmem_shared>>
        tpu.enqueue_indirect_dma source(%arg8 : memref<128x128xf32, #tpu.memory_space<vmem>>) target(%dma_start3A_246 : memref<10240x128xf32, #tpu.memory_space<vmem_shared>>) offsets(%dma_start3A_243 : memref<128xi32, #tpu.memory_space<vmem>>) semaphore(%arg13 : memref<!tpu.dma_semaphore, #tpu.memory_space<semaphore_mem>>) {add = true}
      }
      %scan3A_185 = arith.constant 8 : i32
      %dma_wait3A_186 = arith.constant 15 : i32
      %dma_wait3A_187 = arith.constant 0 : i32
      %dma_wait3A_188 = tpu.memref_slice %arg10[%dma_wait3A_186, %dma_wait3A_187] : memref<16x128xi32, #tpu.memory_space<vmem>> -> memref<1x128xi32, #tpu.memory_space<vmem>>
      %dma_wait3A_189 = tpu.memref_squeeze %dma_wait3A_188 : memref<1x128xi32, #tpu.memory_space<vmem>> -> memref<128xi32, #tpu.memory_space<vmem>>
      %dma_wait3A_190 = arith.constant 0 : i32
      %dma_wait3A_191 = arith.constant 0 : i32
      %dma_wait3A_192 = tpu.memref_slice %arg11[%dma_wait3A_190, %dma_wait3A_191] : memref<10240x128xf32, #tpu.memory_space<vmem_shared>> -> memref<10240x128xf32, #tpu.memory_space<vmem_shared>>
      tpu.wait_indirect_dma semaphore(%arg13 : memref<!tpu.dma_semaphore, #tpu.memory_space<semaphore_mem>>) src(%arg8 : memref<128x128xf32, #tpu.memory_space<vmem>>) dst(%dma_wait3A_192 : memref<10240x128xf32, #tpu.memory_space<vmem_shared>>)
    }
    %while3A_67 = arith.constant 1 : i32
    scf.for %while3A_170 = %while3A_65 to %while3A_61 step %while3A_67  : i32 {
      %mul3A_171 = arith.constant 16 : i32
      %mul3A_172 = arith.muli %while3A_170, %mul3A_171 : i32
      %add3A_173 = arith.addi %select_n3A, %mul3A_172 : i32
      "tpu.region"() ({
        %run_scoped3A = tpu.sem_alloc : memref<!tpu.dma_semaphore, #tpu.memory_space<semaphore_mem>>
        %dma_start3A_193 = arith.constant 0 : i32
        %dma_start3A_194 = tpu.memref_slice %arg3[%add3A_173, %dma_start3A_193] : memref<2560x128xi32, #tpu.memory_space<hbm>> -> memref<16x128xi32, #tpu.memory_space<hbm>>
        %dma_start3A_195 = arith.constant 0 : i32
        %dma_start3A_196 = tpu.memref_slice %arg3[%add3A_173, %dma_start3A_195] : memref<2560x128xi32, #tpu.memory_space<hbm>> -> memref<16x128xi32, #tpu.memory_space<hbm>>
        tpu.enqueue_dma source(%dma_start3A_196 : memref<16x128xi32, #tpu.memory_space<hbm>>) target(%arg9 : memref<16x128xi32, #tpu.memory_space<vmem>>) target_semaphore(%run_scoped3A : memref<!tpu.dma_semaphore, #tpu.memory_space<semaphore_mem>>)
        %dma_wait3A_197 = arith.constant 0 : i32
        %dma_wait3A_198 = tpu.memref_slice %arg3[%add3A_173, %dma_wait3A_197] : memref<2560x128xi32, #tpu.memory_space<hbm>> -> memref<16x128xi32, #tpu.memory_space<hbm>>
        %dma_wait3A_199 = arith.constant 0 : i32
        %dma_wait3A_200 = tpu.memref_slice %arg3[%add3A_173, %dma_wait3A_199] : memref<2560x128xi32, #tpu.memory_space<hbm>> -> memref<16x128xi32, #tpu.memory_space<hbm>>
        tpu.wait_dma2 semaphore(%run_scoped3A : memref<!tpu.dma_semaphore, #tpu.memory_space<semaphore_mem>>) src(%dma_wait3A_200 : memref<16x128xi32, #tpu.memory_space<hbm>>) dst(%arg9 : memref<16x128xi32, #tpu.memory_space<vmem>>)
        tpu.yield
      }) : () -> ()
      "tpu.region"() ({
        %run_scoped3A = tpu.sem_alloc : memref<!tpu.dma_semaphore, #tpu.memory_space<semaphore_mem>>
        %dma_start3A_193 = arith.constant 0 : i32
        %dma_start3A_194 = tpu.memref_slice %arg4[%add3A_173, %dma_start3A_193] : memref<2560x128xi32, #tpu.memory_space<hbm>> -> memref<16x128xi32, #tpu.memory_space<hbm>>
        %dma_start3A_195 = arith.constant 0 : i32
        %dma_start3A_196 = tpu.memref_slice %arg4[%add3A_173, %dma_start3A_195] : memref<2560x128xi32, #tpu.memory_space<hbm>> -> memref<16x128xi32, #tpu.memory_space<hbm>>
        tpu.enqueue_dma source(%dma_start3A_196 : memref<16x128xi32, #tpu.memory_space<hbm>>) target(%arg10 : memref<16x128xi32, #tpu.memory_space<vmem>>) target_semaphore(%run_scoped3A : memref<!tpu.dma_semaphore, #tpu.memory_space<semaphore_mem>>)
        %dma_wait3A_197 = arith.constant 0 : i32
        %dma_wait3A_198 = tpu.memref_slice %arg4[%add3A_173, %dma_wait3A_197] : memref<2560x128xi32, #tpu.memory_space<hbm>> -> memref<16x128xi32, #tpu.memory_space<hbm>>
        %dma_wait3A_199 = arith.constant 0 : i32
        %dma_wait3A_200 = tpu.memref_slice %arg4[%add3A_173, %dma_wait3A_199] : memref<2560x128xi32, #tpu.memory_space<hbm>> -> memref<16x128xi32, #tpu.memory_space<hbm>>
        tpu.wait_dma2 semaphore(%run_scoped3A : memref<!tpu.dma_semaphore, #tpu.memory_space<semaphore_mem>>) src(%dma_wait3A_200 : memref<16x128xi32, #tpu.memory_space<hbm>>) dst(%arg10 : memref<16x128xi32, #tpu.memory_space<vmem>>)
        tpu.yield
      }) : () -> ()
      %dma_start3A_174 = arith.constant 0 : i32
      %dma_start3A_175 = arith.constant 0 : i32
      %dma_start3A_176 = tpu.memref_slice %arg9[%dma_start3A_174, %dma_start3A_175] : memref<16x128xi32, #tpu.memory_space<vmem>> -> memref<1x128xi32, #tpu.memory_space<vmem>>
      %dma_start3A_177 = tpu.memref_squeeze %dma_start3A_176 : memref<1x128xi32, #tpu.memory_space<vmem>> -> memref<128xi32, #tpu.memory_space<vmem>>
      %dma_start3A_178 = arith.constant 0 : i32
      %dma_start3A_179 = arith.constant 0 : i32
      %dma_start3A_180 = tpu.memref_slice %arg2[%dma_start3A_178, %dma_start3A_179] : memref<10000x128xf32, #tpu.memory_space<hbm>> -> memref<10000x128xf32, #tpu.memory_space<hbm>>
      tpu.enqueue_indirect_dma source(%dma_start3A_180 : memref<10000x128xf32, #tpu.memory_space<hbm>>) target(%arg7 : memref<128x128xf32, #tpu.memory_space<vmem>>) offsets(%dma_start3A_177 : memref<128xi32, #tpu.memory_space<vmem>>) semaphore(%arg12 : memref<!tpu.dma_semaphore, #tpu.memory_space<semaphore_mem>>)
      %scan3A = arith.constant 0 : i32
      %scan3A_181 = arith.constant 0 : i32
      %scan3A_182 = arith.constant 8 : i32
      %scan3A_183 = arith.addi %scan3A_181, %scan3A_182 : i32
      %scan3A_184 = arith.constant 1 : i32
      scf.for %scan3A_193 = %scan3A_181 to %scan3A_183 step %scan3A_184  : i32 {
        %mul3A_194 = arith.constant 2 : i32
        %mul3A_195 = arith.muli %mul3A_194, %scan3A_193 : i32
        %add3A_196 = arith.constant 0 : i32
        %add3A_197 = arith.addi %mul3A_195, %add3A_196 : i32
        %dma_wait3A_198 = arith.constant 0 : i32
        %dma_wait3A_199 = tpu.memref_slice %arg9[%add3A_197, %dma_wait3A_198] : memref<16x128xi32, #tpu.memory_space<vmem>> -> memref<1x128xi32, #tpu.memory_space<vmem>>
        %dma_wait3A_200 = tpu.memref_squeeze %dma_wait3A_199 : memref<1x128xi32, #tpu.memory_space<vmem>> -> memref<128xi32, #tpu.memory_space<vmem>>
        %dma_wait3A_201 = arith.constant 0 : i32
        %dma_wait3A_202 = arith.constant 0 : i32
        %dma_wait3A_203 = tpu.memref_slice %arg2[%dma_wait3A_201, %dma_wait3A_202] : memref<10000x128xf32, #tpu.memory_space<hbm>> -> memref<10000x128xf32, #tpu.memory_space<hbm>>
        tpu.wait_indirect_dma semaphore(%arg12 : memref<!tpu.dma_semaphore, #tpu.memory_space<semaphore_mem>>) src(%dma_wait3A_203 : memref<10000x128xf32, #tpu.memory_space<hbm>>) dst(%arg7 : memref<128x128xf32, #tpu.memory_space<vmem>>)
        %gt3A = arith.constant 0 : i32
        %gt3A_204 = arith.cmpi sgt, %scan3A_193, %gt3A : i32
        %convert_element_type3A = arith.extui %gt3A_204 : i1 to i32
        %cond3A = arith.constant 0 : i32
        %cond3A_205 = arith.cmpi ne, %convert_element_type3A, %cond3A : i32
        scf.if %cond3A_205 {
          %sub3A_247 = arith.constant 1 : i32
          %sub3A_248 = arith.subi %add3A_197, %sub3A_247 : i32
          %dma_wait3A_249 = arith.constant 0 : i32
          %dma_wait3A_250 = tpu.memref_slice %arg10[%sub3A_248, %dma_wait3A_249] : memref<16x128xi32, #tpu.memory_space<vmem>> -> memref<1x128xi32, #tpu.memory_space<vmem>>
          %dma_wait3A_251 = tpu.memref_squeeze %dma_wait3A_250 : memref<1x128xi32, #tpu.memory_space<vmem>> -> memref<128xi32, #tpu.memory_space<vmem>>
          %dma_wait3A_252 = arith.constant 0 : i32
          %dma_wait3A_253 = arith.constant 0 : i32
          %dma_wait3A_254 = tpu.memref_slice %arg11[%dma_wait3A_252, %dma_wait3A_253] : memref<10240x128xf32, #tpu.memory_space<vmem_shared>> -> memref<10240x128xf32, #tpu.memory_space<vmem_shared>>
          tpu.wait_indirect_dma semaphore(%arg13 : memref<!tpu.dma_semaphore, #tpu.memory_space<semaphore_mem>>) src(%arg8 : memref<128x128xf32, #tpu.memory_space<vmem>>) dst(%dma_wait3A_254 : memref<10240x128xf32, #tpu.memory_space<vmem_shared>>)
        } else {
        }
        %add3A_206 = arith.constant 1 : i32
        %add3A_207 = arith.addi %add3A_197, %add3A_206 : i32
        %dma_start3A_208 = arith.constant 0 : i32
        %dma_start3A_209 = tpu.memref_slice %arg9[%add3A_207, %dma_start3A_208] : memref<16x128xi32, #tpu.memory_space<vmem>> -> memref<1x128xi32, #tpu.memory_space<vmem>>
        %dma_start3A_210 = tpu.memref_squeeze %dma_start3A_209 : memref<1x128xi32, #tpu.memory_space<vmem>> -> memref<128xi32, #tpu.memory_space<vmem>>
        %dma_start3A_211 = arith.constant 0 : i32
        %dma_start3A_212 = arith.constant 0 : i32
        %dma_start3A_213 = tpu.memref_slice %arg2[%dma_start3A_211, %dma_start3A_212] : memref<10000x128xf32, #tpu.memory_space<hbm>> -> memref<10000x128xf32, #tpu.memory_space<hbm>>
        tpu.enqueue_indirect_dma source(%dma_start3A_213 : memref<10000x128xf32, #tpu.memory_space<hbm>>) target(%arg8 : memref<128x128xf32, #tpu.memory_space<vmem>>) offsets(%dma_start3A_210 : memref<128xi32, #tpu.memory_space<vmem>>) semaphore(%arg12 : memref<!tpu.dma_semaphore, #tpu.memory_space<semaphore_mem>>)
        %dma_start3A_214 = arith.constant 0 : i32
        %dma_start3A_215 = tpu.memref_slice %arg10[%add3A_197, %dma_start3A_214] : memref<16x128xi32, #tpu.memory_space<vmem>> -> memref<1x128xi32, #tpu.memory_space<vmem>>
        %dma_start3A_216 = tpu.memref_squeeze %dma_start3A_215 : memref<1x128xi32, #tpu.memory_space<vmem>> -> memref<128xi32, #tpu.memory_space<vmem>>
        %dma_start3A_217 = arith.constant 0 : i32
        %dma_start3A_218 = arith.constant 0 : i32
        %dma_start3A_219 = tpu.memref_slice %arg11[%dma_start3A_217, %dma_start3A_218] : memref<10240x128xf32, #tpu.memory_space<vmem_shared>> -> memref<10240x128xf32, #tpu.memory_space<vmem_shared>>
        tpu.enqueue_indirect_dma source(%arg7 : memref<128x128xf32, #tpu.memory_space<vmem>>) target(%dma_start3A_219 : memref<10240x128xf32, #tpu.memory_space<vmem_shared>>) offsets(%dma_start3A_216 : memref<128xi32, #tpu.memory_space<vmem>>) semaphore(%arg13 : memref<!tpu.dma_semaphore, #tpu.memory_space<semaphore_mem>>) {add = true}
        %mul3A_220 = arith.constant 2 : i32
        %mul3A_221 = arith.muli %mul3A_220, %scan3A_193 : i32
        %add3A_222 = arith.constant 1 : i32
        %add3A_223 = arith.addi %mul3A_221, %add3A_222 : i32
        %dma_wait3A_224 = arith.constant 0 : i32
        %dma_wait3A_225 = tpu.memref_slice %arg9[%add3A_223, %dma_wait3A_224] : memref<16x128xi32, #tpu.memory_space<vmem>> -> memref<1x128xi32, #tpu.memory_space<vmem>>
        %dma_wait3A_226 = tpu.memref_squeeze %dma_wait3A_225 : memref<1x128xi32, #tpu.memory_space<vmem>> -> memref<128xi32, #tpu.memory_space<vmem>>
        %dma_wait3A_227 = arith.constant 0 : i32
        %dma_wait3A_228 = arith.constant 0 : i32
        %dma_wait3A_229 = tpu.memref_slice %arg2[%dma_wait3A_227, %dma_wait3A_228] : memref<10000x128xf32, #tpu.memory_space<hbm>> -> memref<10000x128xf32, #tpu.memory_space<hbm>>
        tpu.wait_indirect_dma semaphore(%arg12 : memref<!tpu.dma_semaphore, #tpu.memory_space<semaphore_mem>>) src(%dma_wait3A_229 : memref<10000x128xf32, #tpu.memory_space<hbm>>) dst(%arg8 : memref<128x128xf32, #tpu.memory_space<vmem>>)
        %sub3A = arith.constant 1 : i32
        %sub3A_230 = arith.subi %add3A_223, %sub3A : i32
        %dma_wait3A_231 = arith.constant 0 : i32
        %dma_wait3A_232 = tpu.memref_slice %arg10[%sub3A_230, %dma_wait3A_231] : memref<16x128xi32, #tpu.memory_space<vmem>> -> memref<1x128xi32, #tpu.memory_space<vmem>>
        %dma_wait3A_233 = tpu.memref_squeeze %dma_wait3A_232 : memref<1x128xi32, #tpu.memory_space<vmem>> -> memref<128xi32, #tpu.memory_space<vmem>>
        %dma_wait3A_234 = arith.constant 0 : i32
        %dma_wait3A_235 = arith.constant 0 : i32
        %dma_wait3A_236 = tpu.memref_slice %arg11[%dma_wait3A_234, %dma_wait3A_235] : memref<10240x128xf32, #tpu.memory_space<vmem_shared>> -> memref<10240x128xf32, #tpu.memory_space<vmem_shared>>
        tpu.wait_indirect_dma semaphore(%arg13 : memref<!tpu.dma_semaphore, #tpu.memory_space<semaphore_mem>>) src(%arg7 : memref<128x128xf32, #tpu.memory_space<vmem>>) dst(%dma_wait3A_236 : memref<10240x128xf32, #tpu.memory_space<vmem_shared>>)
        %lt3A = arith.constant 7 : i32
        %lt3A_237 = arith.cmpi slt, %scan3A_193, %lt3A : i32
        %convert_element_type3A_238 = arith.extui %lt3A_237 : i1 to i32
        %cond3A_239 = arith.constant 0 : i32
        %cond3A_240 = arith.cmpi ne, %convert_element_type3A_238, %cond3A_239 : i32
        scf.if %cond3A_240 {
          %add3A_247 = arith.constant 1 : i32
          %add3A_248 = arith.addi %add3A_223, %add3A_247 : i32
          %dma_start3A_249 = arith.constant 0 : i32
          %dma_start3A_250 = tpu.memref_slice %arg9[%add3A_248, %dma_start3A_249] : memref<16x128xi32, #tpu.memory_space<vmem>> -> memref<1x128xi32, #tpu.memory_space<vmem>>
          %dma_start3A_251 = tpu.memref_squeeze %dma_start3A_250 : memref<1x128xi32, #tpu.memory_space<vmem>> -> memref<128xi32, #tpu.memory_space<vmem>>
          %dma_start3A_252 = arith.constant 0 : i32
          %dma_start3A_253 = arith.constant 0 : i32
          %dma_start3A_254 = tpu.memref_slice %arg2[%dma_start3A_252, %dma_start3A_253] : memref<10000x128xf32, #tpu.memory_space<hbm>> -> memref<10000x128xf32, #tpu.memory_space<hbm>>
          tpu.enqueue_indirect_dma source(%dma_start3A_254 : memref<10000x128xf32, #tpu.memory_space<hbm>>) target(%arg7 : memref<128x128xf32, #tpu.memory_space<vmem>>) offsets(%dma_start3A_251 : memref<128xi32, #tpu.memory_space<vmem>>) semaphore(%arg12 : memref<!tpu.dma_semaphore, #tpu.memory_space<semaphore_mem>>)
        } else {
        }
        %dma_start3A_241 = arith.constant 0 : i32
        %dma_start3A_242 = tpu.memref_slice %arg10[%add3A_223, %dma_start3A_241] : memref<16x128xi32, #tpu.memory_space<vmem>> -> memref<1x128xi32, #tpu.memory_space<vmem>>
        %dma_start3A_243 = tpu.memref_squeeze %dma_start3A_242 : memref<1x128xi32, #tpu.memory_space<vmem>> -> memref<128xi32, #tpu.memory_space<vmem>>
        %dma_start3A_244 = arith.constant 0 : i32
        %dma_start3A_245 = arith.constant 0 : i32
        %dma_start3A_246 = tpu.memref_slice %arg11[%dma_start3A_244, %dma_start3A_245] : memref<10240x128xf32, #tpu.memory_space<vmem_shared>> -> memref<10240x128xf32, #tpu.memory_space<vmem_shared>>
        tpu.enqueue_indirect_dma source(%arg8 : memref<128x128xf32, #tpu.memory_space<vmem>>) target(%dma_start3A_246 : memref<10240x128xf32, #tpu.memory_space<vmem_shared>>) offsets(%dma_start3A_243 : memref<128xi32, #tpu.memory_space<vmem>>) semaphore(%arg13 : memref<!tpu.dma_semaphore, #tpu.memory_space<semaphore_mem>>) {add = true}
      }
      %scan3A_185 = arith.constant 8 : i32
      %dma_wait3A_186 = arith.constant 15 : i32
      %dma_wait3A_187 = arith.constant 0 : i32
      %dma_wait3A_188 = tpu.memref_slice %arg10[%dma_wait3A_186, %dma_wait3A_187] : memref<16x128xi32, #tpu.memory_space<vmem>> -> memref<1x128xi32, #tpu.memory_space<vmem>>
      %dma_wait3A_189 = tpu.memref_squeeze %dma_wait3A_188 : memref<1x128xi32, #tpu.memory_space<vmem>> -> memref<128xi32, #tpu.memory_space<vmem>>
      %dma_wait3A_190 = arith.constant 0 : i32
      %dma_wait3A_191 = arith.constant 0 : i32
      %dma_wait3A_192 = tpu.memref_slice %arg11[%dma_wait3A_190, %dma_wait3A_191] : memref<10240x128xf32, #tpu.memory_space<vmem_shared>> -> memref<10240x128xf32, #tpu.memory_space<vmem_shared>>
      tpu.wait_indirect_dma semaphore(%arg13 : memref<!tpu.dma_semaphore, #tpu.memory_space<semaphore_mem>>) src(%arg8 : memref<128x128xf32, #tpu.memory_space<vmem>>) dst(%dma_wait3A_192 : memref<10240x128xf32, #tpu.memory_space<vmem_shared>>)
    }
    %barrier3A_68 = arith.constant 0 : index
    tpu.barrier barrier_id(%barrier3A_68)
    %mul3A_69 = arith.constant 10240 : i32
    %mul3A_70 = arith.muli %arg0, %mul3A_69 : i32
    %add3A_71 = arith.addi %mul3A_70, %mul3A_0 : i32
    %dma_start3A_72 = arith.constant 0 : i32
    %dma_start3A_73 = tpu.memref_slice %arg11[%mul3A_0, %dma_start3A_72] : memref<10240x128xf32, #tpu.memory_space<vmem_shared>> -> memref<128x128xf32, #tpu.memory_space<vmem_shared>>
    %dma_start3A_74 = arith.constant 0 : i32
    %dma_start3A_75 = tpu.memref_slice %arg11[%mul3A_0, %dma_start3A_74] : memref<10240x128xf32, #tpu.memory_space<vmem_shared>> -> memref<128x128xf32, #tpu.memory_space<vmem_shared>>
    tpu.enqueue_dma source(%dma_start3A_75 : memref<128x128xf32, #tpu.memory_space<vmem_shared>>) target(%arg7 : memref<128x128xf32, #tpu.memory_space<vmem>>) target_semaphore(%arg12 : memref<!tpu.dma_semaphore, #tpu.memory_space<semaphore_mem>>)
    %dma_wait3A_76 = arith.constant 0 : i32
    %dma_wait3A_77 = tpu.memref_slice %arg11[%mul3A_0, %dma_wait3A_76] : memref<10240x128xf32, #tpu.memory_space<vmem_shared>> -> memref<128x128xf32, #tpu.memory_space<vmem_shared>>
    %dma_wait3A_78 = arith.constant 0 : i32
    %dma_wait3A_79 = tpu.memref_slice %arg11[%mul3A_0, %dma_wait3A_78] : memref<10240x128xf32, #tpu.memory_space<vmem_shared>> -> memref<128x128xf32, #tpu.memory_space<vmem_shared>>
    tpu.wait_dma2 semaphore(%arg12 : memref<!tpu.dma_semaphore, #tpu.memory_space<semaphore_mem>>) src(%dma_wait3A_79 : memref<128x128xf32, #tpu.memory_space<vmem_shared>>) dst(%arg7 : memref<128x128xf32, #tpu.memory_space<vmem>>)
    %add3A_80 = arith.constant 128 : i32
    %add3A_81 = arith.addi %mul3A_0, %add3A_80 : i32
    %dma_start3A_82 = arith.constant 0 : i32
    %dma_start3A_83 = tpu.memref_slice %arg11[%add3A_81, %dma_start3A_82] : memref<10240x128xf32, #tpu.memory_space<vmem_shared>> -> memref<128x128xf32, #tpu.memory_space<vmem_shared>>
    %dma_start3A_84 = arith.constant 0 : i32
    %dma_start3A_85 = tpu.memref_slice %arg11[%add3A_81, %dma_start3A_84] : memref<10240x128xf32, #tpu.memory_space<vmem_shared>> -> memref<128x128xf32, #tpu.memory_space<vmem_shared>>
    tpu.enqueue_dma source(%dma_start3A_85 : memref<128x128xf32, #tpu.memory_space<vmem_shared>>) target(%arg8 : memref<128x128xf32, #tpu.memory_space<vmem>>) target_semaphore(%arg12 : memref<!tpu.dma_semaphore, #tpu.memory_space<semaphore_mem>>)
    %add3A_86 = arith.constant 0 : i32
    %add3A_87 = arith.addi %add3A_71, %add3A_86 : i32
    %dma_start3A_88 = arith.constant 0 : i32
    %dma_start3A_89 = tpu.memref_slice %arg6[%add3A_87, %dma_start3A_88] : memref<20480x128xf32, #tpu.memory_space<hbm>> -> memref<128x128xf32, #tpu.memory_space<hbm>>
    %dma_start3A_90 = arith.constant 0 : i32
    %dma_start3A_91 = tpu.memref_slice %arg6[%add3A_87, %dma_start3A_90] : memref<20480x128xf32, #tpu.memory_space<hbm>> -> memref<128x128xf32, #tpu.memory_space<hbm>>
    tpu.enqueue_dma source(%arg7 : memref<128x128xf32, #tpu.memory_space<vmem>>) target(%dma_start3A_91 : memref<128x128xf32, #tpu.memory_space<hbm>>) target_semaphore(%arg13 : memref<!tpu.dma_semaphore, #tpu.memory_space<semaphore_mem>>)
    %dma_wait3A_92 = arith.constant 0 : i32
    %dma_wait3A_93 = tpu.memref_slice %arg11[%add3A_81, %dma_wait3A_92] : memref<10240x128xf32, #tpu.memory_space<vmem_shared>> -> memref<128x128xf32, #tpu.memory_space<vmem_shared>>
    %dma_wait3A_94 = arith.constant 0 : i32
    %dma_wait3A_95 = tpu.memref_slice %arg11[%add3A_81, %dma_wait3A_94] : memref<10240x128xf32, #tpu.memory_space<vmem_shared>> -> memref<128x128xf32, #tpu.memory_space<vmem_shared>>
    tpu.wait_dma2 semaphore(%arg12 : memref<!tpu.dma_semaphore, #tpu.memory_space<semaphore_mem>>) src(%dma_wait3A_95 : memref<128x128xf32, #tpu.memory_space<vmem_shared>>) dst(%arg8 : memref<128x128xf32, #tpu.memory_space<vmem>>)
    %dma_wait3A_96 = arith.constant 0 : i32
    %dma_wait3A_97 = tpu.memref_slice %arg6[%add3A_87, %dma_wait3A_96] : memref<20480x128xf32, #tpu.memory_space<hbm>> -> memref<128x128xf32, #tpu.memory_space<hbm>>
    %dma_wait3A_98 = arith.constant 0 : i32
    %dma_wait3A_99 = tpu.memref_slice %arg6[%add3A_87, %dma_wait3A_98] : memref<20480x128xf32, #tpu.memory_space<hbm>> -> memref<128x128xf32, #tpu.memory_space<hbm>>
    tpu.wait_dma2 semaphore(%arg13 : memref<!tpu.dma_semaphore, #tpu.memory_space<semaphore_mem>>) src(%arg7 : memref<128x128xf32, #tpu.memory_space<vmem>>) dst(%dma_wait3A_99 : memref<128x128xf32, #tpu.memory_space<hbm>>)
    %add3A_100 = arith.constant 256 : i32
    %add3A_101 = arith.addi %mul3A_0, %add3A_100 : i32
    %dma_start3A_102 = arith.constant 0 : i32
    %dma_start3A_103 = tpu.memref_slice %arg11[%add3A_101, %dma_start3A_102] : memref<10240x128xf32, #tpu.memory_space<vmem_shared>> -> memref<128x128xf32, #tpu.memory_space<vmem_shared>>
    %dma_start3A_104 = arith.constant 0 : i32
    %dma_start3A_105 = tpu.memref_slice %arg11[%add3A_101, %dma_start3A_104] : memref<10240x128xf32, #tpu.memory_space<vmem_shared>> -> memref<128x128xf32, #tpu.memory_space<vmem_shared>>
    tpu.enqueue_dma source(%dma_start3A_105 : memref<128x128xf32, #tpu.memory_space<vmem_shared>>) target(%arg7 : memref<128x128xf32, #tpu.memory_space<vmem>>) target_semaphore(%arg12 : memref<!tpu.dma_semaphore, #tpu.memory_space<semaphore_mem>>)
    %add3A_106 = arith.constant 128 : i32
    %add3A_107 = arith.addi %add3A_71, %add3A_106 : i32
    %dma_start3A_108 = arith.constant 0 : i32
    %dma_start3A_109 = tpu.memref_slice %arg6[%add3A_107, %dma_start3A_108] : memref<20480x128xf32, #tpu.memory_space<hbm>> -> memref<128x128xf32, #tpu.memory_space<hbm>>
    %dma_start3A_110 = arith.constant 0 : i32
    %dma_start3A_111 = tpu.memref_slice %arg6[%add3A_107, %dma_start3A_110] : memref<20480x128xf32, #tpu.memory_space<hbm>> -> memref<128x128xf32, #tpu.memory_space<hbm>>
    tpu.enqueue_dma source(%arg8 : memref<128x128xf32, #tpu.memory_space<vmem>>) target(%dma_start3A_111 : memref<128x128xf32, #tpu.memory_space<hbm>>) target_semaphore(%arg13 : memref<!tpu.dma_semaphore, #tpu.memory_space<semaphore_mem>>)
    %dma_wait3A_112 = arith.constant 0 : i32
    %dma_wait3A_113 = tpu.memref_slice %arg11[%add3A_101, %dma_wait3A_112] : memref<10240x128xf32, #tpu.memory_space<vmem_shared>> -> memref<128x128xf32, #tpu.memory_space<vmem_shared>>
    %dma_wait3A_114 = arith.constant 0 : i32
    %dma_wait3A_115 = tpu.memref_slice %arg11[%add3A_101, %dma_wait3A_114] : memref<10240x128xf32, #tpu.memory_space<vmem_shared>> -> memref<128x128xf32, #tpu.memory_space<vmem_shared>>
    tpu.wait_dma2 semaphore(%arg12 : memref<!tpu.dma_semaphore, #tpu.memory_space<semaphore_mem>>) src(%dma_wait3A_115 : memref<128x128xf32, #tpu.memory_space<vmem_shared>>) dst(%arg7 : memref<128x128xf32, #tpu.memory_space<vmem>>)
    %dma_wait3A_116 = arith.constant 0 : i32
    %dma_wait3A_117 = tpu.memref_slice %arg6[%add3A_107, %dma_wait3A_116] : memref<20480x128xf32, #tpu.memory_space<hbm>> -> memref<128x128xf32, #tpu.memory_space<hbm>>
    %dma_wait3A_118 = arith.constant 0 : i32
    %dma_wait3A_119 = tpu.memref_slice %arg6[%add3A_107, %dma_wait3A_118] : memref<20480x128xf32, #tpu.memory_space<hbm>> -> memref<128x128xf32, #tpu.memory_space<hbm>>
    tpu.wait_dma2 semaphore(%arg13 : memref<!tpu.dma_semaphore, #tpu.memory_space<semaphore_mem>>) src(%arg8 : memref<128x128xf32, #tpu.memory_space<vmem>>) dst(%dma_wait3A_119 : memref<128x128xf32, #tpu.memory_space<hbm>>)
    %add3A_120 = arith.constant 384 : i32
    %add3A_121 = arith.addi %mul3A_0, %add3A_120 : i32
    %dma_start3A_122 = arith.constant 0 : i32
    %dma_start3A_123 = tpu.memref_slice %arg11[%add3A_121, %dma_start3A_122] : memref<10240x128xf32, #tpu.memory_space<vmem_shared>> -> memref<128x128xf32, #tpu.memory_space<vmem_shared>>
    %dma_start3A_124 = arith.constant 0 : i32
    %dma_start3A_125 = tpu.memref_slice %arg11[%add3A_121, %dma_start3A_124] : memref<10240x128xf32, #tpu.memory_space<vmem_shared>> -> memref<128x128xf32, #tpu.memory_space<vmem_shared>>
    tpu.enqueue_dma source(%dma_start3A_125 : memref<128x128xf32, #tpu.memory_space<vmem_shared>>) target(%arg8 : memref<128x128xf32, #tpu.memory_space<vmem>>) target_semaphore(%arg12 : memref<!tpu.dma_semaphore, #tpu.memory_space<semaphore_mem>>)
    %add3A_126 = arith.constant 256 : i32
    %add3A_127 = arith.addi %add3A_71, %add3A_126 : i32
    %dma_start3A_128 = arith.constant 0 : i32
    %dma_start3A_129 = tpu.memref_slice %arg6[%add3A_127, %dma_start3A_128] : memref<20480x128xf32, #tpu.memory_space<hbm>> -> memref<128x128xf32, #tpu.memory_space<hbm>>
    %dma_start3A_130 = arith.constant 0 : i32
    %dma_start3A_131 = tpu.memref_slice %arg6[%add3A_127, %dma_start3A_130] : memref<20480x128xf32, #tpu.memory_space<hbm>> -> memref<128x128xf32, #tpu.memory_space<hbm>>
    tpu.enqueue_dma source(%arg7 : memref<128x128xf32, #tpu.memory_space<vmem>>) target(%dma_start3A_131 : memref<128x128xf32, #tpu.memory_space<hbm>>) target_semaphore(%arg13 : memref<!tpu.dma_semaphore, #tpu.memory_space<semaphore_mem>>)
    %dma_wait3A_132 = arith.constant 0 : i32
    %dma_wait3A_133 = tpu.memref_slice %arg11[%add3A_121, %dma_wait3A_132] : memref<10240x128xf32, #tpu.memory_space<vmem_shared>> -> memref<128x128xf32, #tpu.memory_space<vmem_shared>>
    %dma_wait3A_134 = arith.constant 0 : i32
    %dma_wait3A_135 = tpu.memref_slice %arg11[%add3A_121, %dma_wait3A_134] : memref<10240x128xf32, #tpu.memory_space<vmem_shared>> -> memref<128x128xf32, #tpu.memory_space<vmem_shared>>
    tpu.wait_dma2 semaphore(%arg12 : memref<!tpu.dma_semaphore, #tpu.memory_space<semaphore_mem>>) src(%dma_wait3A_135 : memref<128x128xf32, #tpu.memory_space<vmem_shared>>) dst(%arg8 : memref<128x128xf32, #tpu.memory_space<vmem>>)
    %dma_wait3A_136 = arith.constant 0 : i32
    %dma_wait3A_137 = tpu.memref_slice %arg6[%add3A_127, %dma_wait3A_136] : memref<20480x128xf32, #tpu.memory_space<hbm>> -> memref<128x128xf32, #tpu.memory_space<hbm>>
    %dma_wait3A_138 = arith.constant 0 : i32
    %dma_wait3A_139 = tpu.memref_slice %arg6[%add3A_127, %dma_wait3A_138] : memref<20480x128xf32, #tpu.memory_space<hbm>> -> memref<128x128xf32, #tpu.memory_space<hbm>>
    tpu.wait_dma2 semaphore(%arg13 : memref<!tpu.dma_semaphore, #tpu.memory_space<semaphore_mem>>) src(%arg7 : memref<128x128xf32, #tpu.memory_space<vmem>>) dst(%dma_wait3A_139 : memref<128x128xf32, #tpu.memory_space<hbm>>)
    %add3A_140 = arith.constant 512 : i32
    %add3A_141 = arith.addi %mul3A_0, %add3A_140 : i32
    %dma_start3A_142 = arith.constant 0 : i32
    %dma_start3A_143 = tpu.memref_slice %arg11[%add3A_141, %dma_start3A_142] : memref<10240x128xf32, #tpu.memory_space<vmem_shared>> -> memref<128x128xf32, #tpu.memory_space<vmem_shared>>
    %dma_start3A_144 = arith.constant 0 : i32
    %dma_start3A_145 = tpu.memref_slice %arg11[%add3A_141, %dma_start3A_144] : memref<10240x128xf32, #tpu.memory_space<vmem_shared>> -> memref<128x128xf32, #tpu.memory_space<vmem_shared>>
    tpu.enqueue_dma source(%dma_start3A_145 : memref<128x128xf32, #tpu.memory_space<vmem_shared>>) target(%arg7 : memref<128x128xf32, #tpu.memory_space<vmem>>) target_semaphore(%arg12 : memref<!tpu.dma_semaphore, #tpu.memory_space<semaphore_mem>>)
    %add3A_146 = arith.constant 384 : i32
    %add3A_147 = arith.addi %add3A_71, %add3A_146 : i32
    %dma_start3A_148 = arith.constant 0 : i32
    %dma_start3A_149 = tpu.memref_slice %arg6[%add3A_147, %dma_start3A_148] : memref<20480x128xf32, #tpu.memory_space<hbm>> -> memref<128x128xf32, #tpu.memory_space<hbm>>
    %dma_start3A_150 = arith.constant 0 : i32
    %dma_start3A_151 = tpu.memref_slice %arg6[%add3A_147, %dma_start3A_150] : memref<20480x128xf32, #tpu.memory_space<hbm>> -> memref<128x128xf32, #tpu.memory_space<hbm>>
    tpu.enqueue_dma source(%arg8 : memref<128x128xf32, #tpu.memory_space<vmem>>) target(%dma_start3A_151 : memref<128x128xf32, #tpu.memory_space<hbm>>) target_semaphore(%arg13 : memref<!tpu.dma_semaphore, #tpu.memory_space<semaphore_mem>>)
    %dma_wait3A_152 = arith.constant 0 : i32
    %dma_wait3A_153 = tpu.memref_slice %arg11[%add3A_141, %dma_wait3A_152] : memref<10240x128xf32, #tpu.memory_space<vmem_shared>> -> memref<128x128xf32, #tpu.memory_space<vmem_shared>>
    %dma_wait3A_154 = arith.constant 0 : i32
    %dma_wait3A_155 = tpu.memref_slice %arg11[%add3A_141, %dma_wait3A_154] : memref<10240x128xf32, #tpu.memory_space<vmem_shared>> -> memref<128x128xf32, #tpu.memory_space<vmem_shared>>
    tpu.wait_dma2 semaphore(%arg12 : memref<!tpu.dma_semaphore, #tpu.memory_space<semaphore_mem>>) src(%dma_wait3A_155 : memref<128x128xf32, #tpu.memory_space<vmem_shared>>) dst(%arg7 : memref<128x128xf32, #tpu.memory_space<vmem>>)
    %add3A_156 = arith.constant 512 : i32
    %add3A_157 = arith.addi %add3A_71, %add3A_156 : i32
    %dma_start3A_158 = arith.constant 0 : i32
    %dma_start3A_159 = tpu.memref_slice %arg6[%add3A_157, %dma_start3A_158] : memref<20480x128xf32, #tpu.memory_space<hbm>> -> memref<128x128xf32, #tpu.memory_space<hbm>>
    %dma_start3A_160 = arith.constant 0 : i32
    %dma_start3A_161 = tpu.memref_slice %arg6[%add3A_157, %dma_start3A_160] : memref<20480x128xf32, #tpu.memory_space<hbm>> -> memref<128x128xf32, #tpu.memory_space<hbm>>
    tpu.enqueue_dma source(%arg7 : memref<128x128xf32, #tpu.memory_space<vmem>>) target(%dma_start3A_161 : memref<128x128xf32, #tpu.memory_space<hbm>>) target_semaphore(%arg13 : memref<!tpu.dma_semaphore, #tpu.memory_space<semaphore_mem>>)
    %dma_wait3A_162 = arith.constant 0 : i32
    %dma_wait3A_163 = tpu.memref_slice %arg6[%add3A_147, %dma_wait3A_162] : memref<20480x128xf32, #tpu.memory_space<hbm>> -> memref<128x128xf32, #tpu.memory_space<hbm>>
    %dma_wait3A_164 = arith.constant 0 : i32
    %dma_wait3A_165 = tpu.memref_slice %arg6[%add3A_147, %dma_wait3A_164] : memref<20480x128xf32, #tpu.memory_space<hbm>> -> memref<128x128xf32, #tpu.memory_space<hbm>>
    tpu.wait_dma2 semaphore(%arg13 : memref<!tpu.dma_semaphore, #tpu.memory_space<semaphore_mem>>) src(%arg8 : memref<128x128xf32, #tpu.memory_space<vmem>>) dst(%dma_wait3A_165 : memref<128x128xf32, #tpu.memory_space<hbm>>)
    %dma_wait3A_166 = arith.constant 0 : i32
    %dma_wait3A_167 = tpu.memref_slice %arg6[%add3A_157, %dma_wait3A_166] : memref<20480x128xf32, #tpu.memory_space<hbm>> -> memref<128x128xf32, #tpu.memory_space<hbm>>
    %dma_wait3A_168 = arith.constant 0 : i32
    %dma_wait3A_169 = tpu.memref_slice %arg6[%add3A_157, %dma_wait3A_168] : memref<20480x128xf32, #tpu.memory_space<hbm>> -> memref<128x128xf32, #tpu.memory_space<hbm>>
    tpu.wait_dma2 semaphore(%arg13 : memref<!tpu.dma_semaphore, #tpu.memory_space<semaphore_mem>>) src(%arg7 : memref<128x128xf32, #tpu.memory_space<vmem>>) dst(%dma_wait3A_169 : memref<128x128xf32, #tpu.memory_space<hbm>>)
    return
  }
}

module attributes {stable_mosaic.version = 14 : i64} {
  func.func @_stage_a_body(%arg0: i32, %arg1: memref<1x1xf32, #tpu.memory_space<smem>>, %arg2: memref<400x128xf32, #tpu.memory_space<vmem>>, %arg3: memref<2x400x128xf32, #tpu.memory_space<vmem>>, %arg4: memref<128x128xf32, #tpu.memory_space<vmem>>, %arg5: memref<1x128xf32, #tpu.memory_space<vmem>>, %arg6: memref<400x128xf32, #tpu.memory_space<vmem>>, %arg7: memref<8x128xf32, #tpu.memory_space<vmem>>) attributes {dimension_semantics = [#tpu.dimension_semantics<arbitrary>], iteration_bounds = array<i64: 25>, scalar_prefetch = 0 : i64, scratch_operands = 0 : i64, tpu.core_type = #tpu.core_type<tc>, window_params = [{transform_indices = @transform_0, window_bounds = array<i64: 1, 1>}, {transform_indices = @transform_1, window_bounds = array<i64: 400, 128>}, {transform_indices = @transform_2, window_bounds = array<i64: 2, 400, 128>}, {pipeline_mode = #tpu.pipeline_mode<synchronous>, transform_indices = @transform_3, window_bounds = array<i64: 128, 128>}, {pipeline_mode = #tpu.pipeline_mode<synchronous>, transform_indices = @transform_4, window_bounds = array<i64: 1, 128>}, {transform_indices = @transform_5, window_bounds = array<i64: 400, 128>}, {pipeline_mode = #tpu.pipeline_mode<synchronous>, transform_indices = @transform_6, window_bounds = array<i64: 8, 128>}]} {
    %get3A = arith.constant 0 : index
    %get3A_0 = arith.constant 0 : index
    %get3A_1 = memref.load %arg1[%get3A, %get3A_0] : memref<1x1xf32, #tpu.memory_space<smem>>
    %add3A = arith.constant 1.000000e+00 : f32
    %add3A_2 = arith.addf %add3A, %get3A_1 : f32
    %get3A_3 = arith.constant 0 : index
    %get3A_4 = arith.constant 0 : index
    %get3A_5 = vector.load %arg2[%get3A_3, %get3A_4] : memref<400x128xf32, #tpu.memory_space<vmem>>, vector<400x128xf32>
    %mul3A = vector.broadcast %add3A_2 : f32 to vector<400x128xf32>
    %mul3A_6 = arith.mulf %mul3A, %get3A_5 : vector<400x128xf32>
    %get3A_7 = arith.constant 0 : index
    %get3A_8 = arith.constant 0 : index
    %get3A_9 = arith.constant 0 : index
    %get3A_10 = vector.load %arg3[%get3A_7, %get3A_8, %get3A_9] : memref<2x400x128xf32, #tpu.memory_space<vmem>>, vector<1x400x128xf32>
    %get3A_11 = vector.shape_cast %get3A_10 : vector<1x400x128xf32> to vector<400x128xf32>
    %add3A_12 = arith.addf %mul3A_6, %get3A_11 : vector<400x128xf32>
    %get3A_13 = arith.constant 1 : index
    %get3A_14 = arith.constant 0 : index
    %get3A_15 = arith.constant 0 : index
    %get3A_16 = vector.load %arg3[%get3A_13, %get3A_14, %get3A_15] : memref<2x400x128xf32, #tpu.memory_space<vmem>>, vector<1x400x128xf32>
    %get3A_17 = vector.shape_cast %get3A_16 : vector<1x400x128xf32> to vector<400x128xf32>
    %add3A_18 = arith.addf %add3A_12, %get3A_17 : vector<400x128xf32>
    %get3A_19 = arith.constant 0 : index
    %get3A_20 = arith.constant 0 : index
    %get3A_21 = vector.load %arg4[%get3A_19, %get3A_20] : memref<128x128xf32, #tpu.memory_space<vmem>>, vector<128x128xf32>
    %dot_general3A = arith.constant dense<0.000000e+00> : vector<400x128xf32>
    %dot_general3A_22 = tpu.matmul %add3A_18, %get3A_21, %dot_general3A {dimension_numbers = #tpu.dot_dimension_numbers<[1], [0], [0], [1], [0, 0, 1, 1], [], []>, transpose_lhs_hint = false} : vector<400x128xf32>, vector<128x128xf32>, vector<400x128xf32> -> vector<400x128xf32>
    %get3A_23 = arith.constant 0 : index
    %get3A_24 = arith.constant 0 : index
    %get3A_25 = vector.load %arg5[%get3A_23, %get3A_24] : memref<1x128xf32, #tpu.memory_space<vmem>>, vector<1x128xf32>
    %add3A_26 = vector.broadcast %get3A_25 : vector<1x128xf32> to vector<400x128xf32>
    %add3A_27 = arith.addf %dot_general3A_22, %add3A_26 : vector<400x128xf32>
    %swap3A = arith.constant 0 : index
    %swap3A_28 = arith.constant 0 : index
    %swap3A_29 = vector.load %arg6[%swap3A, %swap3A_28] : memref<400x128xf32, #tpu.memory_space<vmem>>, vector<400x128xf32>
    tpu.vector_store %arg6[%swap3A, %swap3A_28], %add3A_27 {strides = array<i32>} : memref<400x128xf32, #tpu.memory_space<vmem>>, vector<400x128xf32>,
    %eq3A = arith.constant 0 : i32
    %eq3A_30 = arith.cmpi eq, %arg0, %eq3A : i32
    %convert_element_type3A = arith.extui %eq3A_30 : i1 to i32
    %cond3A = arith.constant 0 : i32
    %cond3A_31 = arith.cmpi ne, %convert_element_type3A, %cond3A : i32
    scf.if %cond3A_31 {
      %broadcast_in_dim3A_46 = arith.constant 0.000000e+00 : f32
      %broadcast_in_dim3A_47 = vector.broadcast %broadcast_in_dim3A_46 : f32 to vector<8x128xf32>
      %swap3A_48 = arith.constant 0 : index
      %swap3A_49 = arith.constant 0 : index
      %swap3A_50 = vector.load %arg7[%swap3A_48, %swap3A_49] : memref<8x128xf32, #tpu.memory_space<vmem>>, vector<8x128xf32>
      tpu.vector_store %arg7[%swap3A_48, %swap3A_49], %broadcast_in_dim3A_47 {strides = array<i32>} : memref<8x128xf32, #tpu.memory_space<vmem>>, vector<8x128xf32>,
    } else {
    }
    %reduce_sum3A = arith.constant dense<0.000000e+00> : vector<128xf32>
    %reduce_sum3A_32 = vector.multi_reduction <add>, %add3A_27, %reduce_sum3A [0] : vector<400x128xf32> to vector<128xf32>
    %broadcast_in_dim3A = vector.shape_cast %reduce_sum3A_32 : vector<128xf32> to vector<1x128xf32>
    %mul3A_33 = arith.mulf %add3A_27, %add3A_27 : vector<400x128xf32>
    %reduce_sum3A_34 = arith.constant dense<0.000000e+00> : vector<128xf32>
    %reduce_sum3A_35 = vector.multi_reduction <add>, %mul3A_33, %reduce_sum3A_34 [0] : vector<400x128xf32> to vector<128xf32>
    %broadcast_in_dim3A_36 = vector.shape_cast %reduce_sum3A_35 : vector<128xf32> to vector<1x128xf32>
    %broadcast_in_dim3A_37 = arith.constant 0.000000e+00 : f32
    %broadcast_in_dim3A_38 = vector.broadcast %broadcast_in_dim3A_37 : f32 to vector<6x128xf32>
    %concatenate3A = tpu.concatenate %broadcast_in_dim3A, %broadcast_in_dim3A_36, %broadcast_in_dim3A_38 in 0 : vector<1x128xf32>, vector<1x128xf32>, vector<6x128xf32> -> vector<8x128xf32>
    %get3A_39 = arith.constant 0 : index
    %get3A_40 = arith.constant 0 : index
    %get3A_41 = vector.load %arg7[%get3A_39, %get3A_40] : memref<8x128xf32, #tpu.memory_space<vmem>>, vector<8x128xf32>
    %add3A_42 = arith.addf %get3A_41, %concatenate3A : vector<8x128xf32>
    %swap3A_43 = arith.constant 0 : index
    %swap3A_44 = arith.constant 0 : index
    %swap3A_45 = vector.load %arg7[%swap3A_43, %swap3A_44] : memref<8x128xf32, #tpu.memory_space<vmem>>, vector<8x128xf32>
    tpu.vector_store %arg7[%swap3A_43, %swap3A_44], %add3A_42 {strides = array<i32>} : memref<8x128xf32, #tpu.memory_space<vmem>>, vector<8x128xf32>,
    return
  }
  func.func @transform_0(%arg0: i32) -> (i32, i32) {
    %c0_i32 = arith.constant 0 : i32
    %c0_i32_0 = arith.constant 0 : i32
    %c0_i32_1 = arith.constant 0 : i32
    return %c0_i32, %c0_i32_0 : i32, i32
  }
  func.func @transform_1(%arg0: i32) -> (i32, i32) {
    %c0_i32 = arith.constant 0 : i32
    %c0_i32_0 = arith.constant 0 : i32
    return %arg0, %c0_i32 : i32, i32
  }
  func.func @transform_2(%arg0: i32) -> (i32, i32, i32) {
    %c0_i32 = arith.constant 0 : i32
    %c0_i32_0 = arith.constant 0 : i32
    %c0_i32_1 = arith.constant 0 : i32
    return %c0_i32, %arg0, %c0_i32_0 : i32, i32, i32
  }
  func.func @transform_3(%arg0: i32) -> (i32, i32) {
    %c0_i32 = arith.constant 0 : i32
    %c0_i32_0 = arith.constant 0 : i32
    %c0_i32_1 = arith.constant 0 : i32
    return %c0_i32, %c0_i32_0 : i32, i32
  }
  func.func @transform_4(%arg0: i32) -> (i32, i32) {
    %c0_i32 = arith.constant 0 : i32
    %c0_i32_0 = arith.constant 0 : i32
    %c0_i32_1 = arith.constant 0 : i32
    return %c0_i32, %c0_i32_0 : i32, i32
  }
  func.func @transform_5(%arg0: i32) -> (i32, i32) {
    %c0_i32 = arith.constant 0 : i32
    %c0_i32_0 = arith.constant 0 : i32
    return %arg0, %c0_i32 : i32, i32
  }
  func.func @transform_6(%arg0: i32) -> (i32, i32) {
    %c0_i32 = arith.constant 0 : i32
    %c0_i32_0 = arith.constant 0 : i32
    %c0_i32_1 = arith.constant 0 : i32
    return %c0_i32, %c0_i32_0 : i32, i32
  }
}

module attributes {stable_mosaic.version = 14 : i64} {
  func.func @_stage_b_body(%arg0: i32, %arg1: memref<8x128xf32, #tpu.memory_space<vmem>>, %arg2: memref<1x128xf32, #tpu.memory_space<vmem>>, %arg3: memref<1x128xf32, #tpu.memory_space<vmem>>, %arg4: memref<400x128xf32, #tpu.memory_space<vmem>>, %arg5: memref<128x128xf32, #tpu.memory_space<vmem>>, %arg6: memref<1x128xf32, #tpu.memory_space<vmem>>, %arg7: memref<400x128xf32, #tpu.memory_space<vmem>>, %arg8: memref<8x128xf32, #tpu.memory_space<vmem>>) attributes {dimension_semantics = [#tpu.dimension_semantics<arbitrary>], iteration_bounds = array<i64: 25>, scalar_prefetch = 0 : i64, scratch_operands = 0 : i64, tpu.core_type = #tpu.core_type<tc>, window_params = [{pipeline_mode = #tpu.pipeline_mode<synchronous>, transform_indices = @transform_0, window_bounds = array<i64: 8, 128>}, {pipeline_mode = #tpu.pipeline_mode<synchronous>, transform_indices = @transform_1, window_bounds = array<i64: 1, 128>}, {pipeline_mode = #tpu.pipeline_mode<synchronous>, transform_indices = @transform_2, window_bounds = array<i64: 1, 128>}, {transform_indices = @transform_3, window_bounds = array<i64: 400, 128>}, {pipeline_mode = #tpu.pipeline_mode<synchronous>, transform_indices = @transform_4, window_bounds = array<i64: 128, 128>}, {pipeline_mode = #tpu.pipeline_mode<synchronous>, transform_indices = @transform_5, window_bounds = array<i64: 1, 128>}, {transform_indices = @transform_6, window_bounds = array<i64: 400, 128>}, {pipeline_mode = #tpu.pipeline_mode<synchronous>, transform_indices = @transform_7, window_bounds = array<i64: 8, 128>}]} {
    %get3A = arith.constant 0 : index
    %get3A_0 = arith.constant 0 : index
    %get3A_1 = vector.load %arg1[%get3A, %get3A_0] : memref<8x128xf32, #tpu.memory_space<vmem>>, vector<1x128xf32>
    %get3A_2 = vector.shape_cast %get3A_1 : vector<1x128xf32> to vector<128xf32>
    %mul3A = arith.constant 9.99999974E-5 : f32
    %mul3A_3 = vector.broadcast %mul3A : f32 to vector<128xf32>
    %mul3A_4 = arith.mulf %get3A_2, %mul3A_3 : vector<128xf32>
    %get3A_5 = arith.constant 1 : index
    %get3A_6 = arith.constant 0 : index
    %get3A_7 = vector.load %arg1[%get3A_5, %get3A_6] : memref<8x128xf32, #tpu.memory_space<vmem>>, vector<1x128xf32>
    %get3A_8 = vector.shape_cast %get3A_7 : vector<1x128xf32> to vector<128xf32>
    %mul3A_9 = arith.constant 9.99999974E-5 : f32
    %mul3A_10 = vector.broadcast %mul3A_9 : f32 to vector<128xf32>
    %mul3A_11 = arith.mulf %get3A_8, %mul3A_10 : vector<128xf32>
    %mul3A_12 = arith.mulf %mul3A_4, %mul3A_4 : vector<128xf32>
    %sub3A = arith.subf %mul3A_11, %mul3A_12 : vector<128xf32>
    %add3A = arith.constant 9.99999974E-6 : f32
    %add3A_13 = vector.broadcast %add3A : f32 to vector<128xf32>
    %add3A_14 = arith.addf %sub3A, %add3A_13 : vector<128xf32>
    %rsqrt3A = math.rsqrt %add3A_14 : vector<128xf32>
    %get3A_15 = arith.constant 0 : index
    %get3A_16 = arith.constant 0 : index
    %get3A_17 = vector.load %arg2[%get3A_15, %get3A_16] : memref<1x128xf32, #tpu.memory_space<vmem>>, vector<1x128xf32>
    %get3A_18 = vector.shape_cast %get3A_17 : vector<1x128xf32> to vector<128xf32>
    %mul3A_19 = arith.mulf %get3A_18, %rsqrt3A : vector<128xf32>
    %get3A_20 = arith.constant 0 : index
    %get3A_21 = arith.constant 0 : index
    %get3A_22 = vector.load %arg3[%get3A_20, %get3A_21] : memref<1x128xf32, #tpu.memory_space<vmem>>, vector<1x128xf32>
    %get3A_23 = vector.shape_cast %get3A_22 : vector<1x128xf32> to vector<128xf32>
    %mul3A_24 = arith.mulf %mul3A_4, %mul3A_19 : vector<128xf32>
    %sub3A_25 = arith.subf %get3A_23, %mul3A_24 : vector<128xf32>
    %get3A_26 = arith.constant 0 : index
    %get3A_27 = arith.constant 0 : index
    %get3A_28 = vector.load %arg4[%get3A_26, %get3A_27] : memref<400x128xf32, #tpu.memory_space<vmem>>, vector<400x128xf32>
    %broadcast_in_dim3A = vector.shape_cast %mul3A_19 : vector<128xf32> to vector<1x128xf32>
    %mul3A_29 = vector.broadcast %broadcast_in_dim3A : vector<1x128xf32> to vector<400x128xf32>
    %mul3A_30 = arith.mulf %get3A_28, %mul3A_29 : vector<400x128xf32>
    %broadcast_in_dim3A_31 = vector.shape_cast %sub3A_25 : vector<128xf32> to vector<1x128xf32>
    %add3A_32 = vector.broadcast %broadcast_in_dim3A_31 : vector<1x128xf32> to vector<400x128xf32>
    %add3A_33 = arith.addf %mul3A_30, %add3A_32 : vector<400x128xf32>
    %max3A = arith.constant 0.000000e+00 : f32
    %max3A_34 = vector.broadcast %max3A : f32 to vector<400x128xf32>
    %max3A_35 = arith.maximumf %add3A_33, %max3A_34 : vector<400x128xf32>
    %get3A_36 = arith.constant 0 : index
    %get3A_37 = arith.constant 0 : index
    %get3A_38 = vector.load %arg5[%get3A_36, %get3A_37] : memref<128x128xf32, #tpu.memory_space<vmem>>, vector<128x128xf32>
    %dot_general3A = arith.constant dense<0.000000e+00> : vector<400x128xf32>
    %dot_general3A_39 = tpu.matmul %max3A_35, %get3A_38, %dot_general3A {dimension_numbers = #tpu.dot_dimension_numbers<[1], [0], [0], [1], [0, 0, 1, 1], [], []>, transpose_lhs_hint = false} : vector<400x128xf32>, vector<128x128xf32>, vector<400x128xf32> -> vector<400x128xf32>
    %get3A_40 = arith.constant 0 : index
    %get3A_41 = arith.constant 0 : index
    %get3A_42 = vector.load %arg6[%get3A_40, %get3A_41] : memref<1x128xf32, #tpu.memory_space<vmem>>, vector<1x128xf32>
    %add3A_43 = vector.broadcast %get3A_42 : vector<1x128xf32> to vector<400x128xf32>
    %add3A_44 = arith.addf %dot_general3A_39, %add3A_43 : vector<400x128xf32>
    %swap3A = arith.constant 0 : index
    %swap3A_45 = arith.constant 0 : index
    %swap3A_46 = vector.load %arg7[%swap3A, %swap3A_45] : memref<400x128xf32, #tpu.memory_space<vmem>>, vector<400x128xf32>
    tpu.vector_store %arg7[%swap3A, %swap3A_45], %add3A_44 {strides = array<i32>} : memref<400x128xf32, #tpu.memory_space<vmem>>, vector<400x128xf32>,
    %eq3A = arith.constant 0 : i32
    %eq3A_47 = arith.cmpi eq, %arg0, %eq3A : i32
    %convert_element_type3A = arith.extui %eq3A_47 : i1 to i32
    %cond3A = arith.constant 0 : i32
    %cond3A_48 = arith.cmpi ne, %convert_element_type3A, %cond3A : i32
    scf.if %cond3A_48 {
      %broadcast_in_dim3A_64 = arith.constant 0.000000e+00 : f32
      %broadcast_in_dim3A_65 = vector.broadcast %broadcast_in_dim3A_64 : f32 to vector<8x128xf32>
      %swap3A_66 = arith.constant 0 : index
      %swap3A_67 = arith.constant 0 : index
      %swap3A_68 = vector.load %arg8[%swap3A_66, %swap3A_67] : memref<8x128xf32, #tpu.memory_space<vmem>>, vector<8x128xf32>
      tpu.vector_store %arg8[%swap3A_66, %swap3A_67], %broadcast_in_dim3A_65 {strides = array<i32>} : memref<8x128xf32, #tpu.memory_space<vmem>>, vector<8x128xf32>,
    } else {
    }
    %reduce_sum3A = arith.constant dense<0.000000e+00> : vector<128xf32>
    %reduce_sum3A_49 = vector.multi_reduction <add>, %add3A_44, %reduce_sum3A [0] : vector<400x128xf32> to vector<128xf32>
    %broadcast_in_dim3A_50 = vector.shape_cast %reduce_sum3A_49 : vector<128xf32> to vector<1x128xf32>
    %mul3A_51 = arith.mulf %add3A_44, %add3A_44 : vector<400x128xf32>
    %reduce_sum3A_52 = arith.constant dense<0.000000e+00> : vector<128xf32>
    %reduce_sum3A_53 = vector.multi_reduction <add>, %mul3A_51, %reduce_sum3A_52 [0] : vector<400x128xf32> to vector<128xf32>
    %broadcast_in_dim3A_54 = vector.shape_cast %reduce_sum3A_53 : vector<128xf32> to vector<1x128xf32>
    %broadcast_in_dim3A_55 = arith.constant 0.000000e+00 : f32
    %broadcast_in_dim3A_56 = vector.broadcast %broadcast_in_dim3A_55 : f32 to vector<6x128xf32>
    %concatenate3A = tpu.concatenate %broadcast_in_dim3A_50, %broadcast_in_dim3A_54, %broadcast_in_dim3A_56 in 0 : vector<1x128xf32>, vector<1x128xf32>, vector<6x128xf32> -> vector<8x128xf32>
    %get3A_57 = arith.constant 0 : index
    %get3A_58 = arith.constant 0 : index
    %get3A_59 = vector.load %arg8[%get3A_57, %get3A_58] : memref<8x128xf32, #tpu.memory_space<vmem>>, vector<8x128xf32>
    %add3A_60 = arith.addf %get3A_59, %concatenate3A : vector<8x128xf32>
    %swap3A_61 = arith.constant 0 : index
    %swap3A_62 = arith.constant 0 : index
    %swap3A_63 = vector.load %arg8[%swap3A_61, %swap3A_62] : memref<8x128xf32, #tpu.memory_space<vmem>>, vector<8x128xf32>
    tpu.vector_store %arg8[%swap3A_61, %swap3A_62], %add3A_60 {strides = array<i32>} : memref<8x128xf32, #tpu.memory_space<vmem>>, vector<8x128xf32>,
    return
  }
  func.func @transform_0(%arg0: i32) -> (i32, i32) {
    %c0_i32 = arith.constant 0 : i32
    %c0_i32_0 = arith.constant 0 : i32
    %c0_i32_1 = arith.constant 0 : i32
    return %c0_i32, %c0_i32_0 : i32, i32
  }
  func.func @transform_1(%arg0: i32) -> (i32, i32) {
    %c0_i32 = arith.constant 0 : i32
    %c0_i32_0 = arith.constant 0 : i32
    %c0_i32_1 = arith.constant 0 : i32
    return %c0_i32, %c0_i32_0 : i32, i32
  }
  func.func @transform_2(%arg0: i32) -> (i32, i32) {
    %c0_i32 = arith.constant 0 : i32
    %c0_i32_0 = arith.constant 0 : i32
    %c0_i32_1 = arith.constant 0 : i32
    return %c0_i32, %c0_i32_0 : i32, i32
  }
  func.func @transform_3(%arg0: i32) -> (i32, i32) {
    %c0_i32 = arith.constant 0 : i32
    %c0_i32_0 = arith.constant 0 : i32
    return %arg0, %c0_i32 : i32, i32
  }
  func.func @transform_4(%arg0: i32) -> (i32, i32) {
    %c0_i32 = arith.constant 0 : i32
    %c0_i32_0 = arith.constant 0 : i32
    %c0_i32_1 = arith.constant 0 : i32
    return %c0_i32, %c0_i32_0 : i32, i32
  }
  func.func @transform_5(%arg0: i32) -> (i32, i32) {
    %c0_i32 = arith.constant 0 : i32
    %c0_i32_0 = arith.constant 0 : i32
    %c0_i32_1 = arith.constant 0 : i32
    return %c0_i32, %c0_i32_0 : i32, i32
  }
  func.func @transform_6(%arg0: i32) -> (i32, i32) {
    %c0_i32 = arith.constant 0 : i32
    %c0_i32_0 = arith.constant 0 : i32
    return %arg0, %c0_i32 : i32, i32
  }
  func.func @transform_7(%arg0: i32) -> (i32, i32) {
    %c0_i32 = arith.constant 0 : i32
    %c0_i32_0 = arith.constant 0 : i32
    %c0_i32_1 = arith.constant 0 : i32
    return %c0_i32, %c0_i32_0 : i32, i32
  }
}

module attributes {stable_mosaic.version = 14 : i64} {
  func.func @_stage_c_body(%arg0: i32, %arg1: memref<8x128xf32, #tpu.memory_space<vmem>>, %arg2: memref<1x128xf32, #tpu.memory_space<vmem>>, %arg3: memref<1x128xf32, #tpu.memory_space<vmem>>, %arg4: memref<400x128xf32, #tpu.memory_space<vmem>>, %arg5: memref<400x128xf32, #tpu.memory_space<vmem>>) attributes {dimension_semantics = [#tpu.dimension_semantics<arbitrary>], iteration_bounds = array<i64: 25>, scalar_prefetch = 0 : i64, scratch_operands = 0 : i64, tpu.core_type = #tpu.core_type<tc>, window_params = [{pipeline_mode = #tpu.pipeline_mode<synchronous>, transform_indices = @transform_0, window_bounds = array<i64: 8, 128>}, {pipeline_mode = #tpu.pipeline_mode<synchronous>, transform_indices = @transform_1, window_bounds = array<i64: 1, 128>}, {pipeline_mode = #tpu.pipeline_mode<synchronous>, transform_indices = @transform_2, window_bounds = array<i64: 1, 128>}, {transform_indices = @transform_3, window_bounds = array<i64: 400, 128>}, {transform_indices = @transform_4, window_bounds = array<i64: 400, 128>}]} {
    %get3A = arith.constant 0 : index
    %get3A_0 = arith.constant 0 : index
    %get3A_1 = vector.load %arg1[%get3A, %get3A_0] : memref<8x128xf32, #tpu.memory_space<vmem>>, vector<1x128xf32>
    %get3A_2 = vector.shape_cast %get3A_1 : vector<1x128xf32> to vector<128xf32>
    %mul3A = arith.constant 9.99999974E-5 : f32
    %mul3A_3 = vector.broadcast %mul3A : f32 to vector<128xf32>
    %mul3A_4 = arith.mulf %get3A_2, %mul3A_3 : vector<128xf32>
    %get3A_5 = arith.constant 1 : index
    %get3A_6 = arith.constant 0 : index
    %get3A_7 = vector.load %arg1[%get3A_5, %get3A_6] : memref<8x128xf32, #tpu.memory_space<vmem>>, vector<1x128xf32>
    %get3A_8 = vector.shape_cast %get3A_7 : vector<1x128xf32> to vector<128xf32>
    %mul3A_9 = arith.constant 9.99999974E-5 : f32
    %mul3A_10 = vector.broadcast %mul3A_9 : f32 to vector<128xf32>
    %mul3A_11 = arith.mulf %get3A_8, %mul3A_10 : vector<128xf32>
    %mul3A_12 = arith.mulf %mul3A_4, %mul3A_4 : vector<128xf32>
    %sub3A = arith.subf %mul3A_11, %mul3A_12 : vector<128xf32>
    %add3A = arith.constant 9.99999974E-6 : f32
    %add3A_13 = vector.broadcast %add3A : f32 to vector<128xf32>
    %add3A_14 = arith.addf %sub3A, %add3A_13 : vector<128xf32>
    %rsqrt3A = math.rsqrt %add3A_14 : vector<128xf32>
    %get3A_15 = arith.constant 0 : index
    %get3A_16 = arith.constant 0 : index
    %get3A_17 = vector.load %arg2[%get3A_15, %get3A_16] : memref<1x128xf32, #tpu.memory_space<vmem>>, vector<1x128xf32>
    %get3A_18 = vector.shape_cast %get3A_17 : vector<1x128xf32> to vector<128xf32>
    %mul3A_19 = arith.mulf %get3A_18, %rsqrt3A : vector<128xf32>
    %get3A_20 = arith.constant 0 : index
    %get3A_21 = arith.constant 0 : index
    %get3A_22 = vector.load %arg3[%get3A_20, %get3A_21] : memref<1x128xf32, #tpu.memory_space<vmem>>, vector<1x128xf32>
    %get3A_23 = vector.shape_cast %get3A_22 : vector<1x128xf32> to vector<128xf32>
    %mul3A_24 = arith.mulf %mul3A_4, %mul3A_19 : vector<128xf32>
    %sub3A_25 = arith.subf %get3A_23, %mul3A_24 : vector<128xf32>
    %get3A_26 = arith.constant 0 : index
    %get3A_27 = arith.constant 0 : index
    %get3A_28 = vector.load %arg4[%get3A_26, %get3A_27] : memref<400x128xf32, #tpu.memory_space<vmem>>, vector<400x128xf32>
    %broadcast_in_dim3A = vector.shape_cast %mul3A_19 : vector<128xf32> to vector<1x128xf32>
    %mul3A_29 = vector.broadcast %broadcast_in_dim3A : vector<1x128xf32> to vector<400x128xf32>
    %mul3A_30 = arith.mulf %get3A_28, %mul3A_29 : vector<400x128xf32>
    %broadcast_in_dim3A_31 = vector.shape_cast %sub3A_25 : vector<128xf32> to vector<1x128xf32>
    %add3A_32 = vector.broadcast %broadcast_in_dim3A_31 : vector<1x128xf32> to vector<400x128xf32>
    %add3A_33 = arith.addf %mul3A_30, %add3A_32 : vector<400x128xf32>
    %max3A = arith.constant 0.000000e+00 : f32
    %max3A_34 = vector.broadcast %max3A : f32 to vector<400x128xf32>
    %max3A_35 = arith.maximumf %add3A_33, %max3A_34 : vector<400x128xf32>
    %swap3A = arith.constant 0 : index
    %swap3A_36 = arith.constant 0 : index
    %swap3A_37 = vector.load %arg5[%swap3A, %swap3A_36] : memref<400x128xf32, #tpu.memory_space<vmem>>, vector<400x128xf32>
    tpu.vector_store %arg5[%swap3A, %swap3A_36], %max3A_35 {strides = array<i32>} : memref<400x128xf32, #tpu.memory_space<vmem>>, vector<400x128xf32>,
    return
  }
  func.func @transform_0(%arg0: i32) -> (i32, i32) {
    %c0_i32 = arith.constant 0 : i32
    %c0_i32_0 = arith.constant 0 : i32
    %c0_i32_1 = arith.constant 0 : i32
    return %c0_i32, %c0_i32_0 : i32, i32
  }
  func.func @transform_1(%arg0: i32) -> (i32, i32) {
    %c0_i32 = arith.constant 0 : i32
    %c0_i32_0 = arith.constant 0 : i32
    %c0_i32_1 = arith.constant 0 : i32
    return %c0_i32, %c0_i32_0 : i32, i32
  }
  func.func @transform_2(%arg0: i32) -> (i32, i32) {
    %c0_i32 = arith.constant 0 : i32
    %c0_i32_0 = arith.constant 0 : i32
    %c0_i32_1 = arith.constant 0 : i32
    return %c0_i32, %c0_i32_0 : i32, i32
  }
  func.func @transform_3(%arg0: i32) -> (i32, i32) {
    %c0_i32 = arith.constant 0 : i32
    %c0_i32_0 = arith.constant 0 : i32
    return %arg0, %c0_i32 : i32, i32
  }
  func.func @transform_4(%arg0: i32) -> (i32, i32) {
    %c0_i32 = arith.constant 0 : i32
    %c0_i32_0 = arith.constant 0 : i32
    return %arg0, %c0_i32 : i32, i32
  }
}

module attributes {stable_mosaic.version = 14 : i64} {
  func.func @_pool_body(%arg0: i32, %arg1: memref<1x1x400xi32, #tpu.memory_space<vmem>>, %arg2: memref<400x128xf32, #tpu.memory_space<vmem>>, %arg3: memref<400x128xf32, #tpu.memory_space<vmem>>, %arg4: memref<400x128xf32, #tpu.memory_space<vmem>>, %arg5: memref<400x128xf32, #tpu.memory_space<vmem>>, %arg6: memref<128x10xf32, #tpu.memory_space<vmem>>, %arg7: memref<128x10xf32, #tpu.memory_space<vmem>>, %arg8: memref<128x10xf32, #tpu.memory_space<vmem>>, %arg9: memref<128x10xf32, #tpu.memory_space<vmem>>, %arg10: memref<128x10xf32, #tpu.memory_space<vmem>>) attributes {dimension_semantics = [#tpu.dimension_semantics<arbitrary>], iteration_bounds = array<i64: 25>, scalar_prefetch = 0 : i64, scratch_operands = 0 : i64, tpu.core_type = #tpu.core_type<tc>, window_params = [{transform_indices = @transform_0, window_bounds = array<i64: 1, 1, 400>}, {transform_indices = @transform_1, window_bounds = array<i64: 400, 128>}, {transform_indices = @transform_2, window_bounds = array<i64: 400, 128>}, {transform_indices = @transform_3, window_bounds = array<i64: 400, 128>}, {transform_indices = @transform_4, window_bounds = array<i64: 400, 128>}, {pipeline_mode = #tpu.pipeline_mode<synchronous>, transform_indices = @transform_5, window_bounds = array<i64: 128, 10>}, {pipeline_mode = #tpu.pipeline_mode<synchronous>, transform_indices = @transform_6, window_bounds = array<i64: 128, 10>}, {pipeline_mode = #tpu.pipeline_mode<synchronous>, transform_indices = @transform_7, window_bounds = array<i64: 128, 10>}, {pipeline_mode = #tpu.pipeline_mode<synchronous>, transform_indices = @transform_8, window_bounds = array<i64: 128, 10>}, {pipeline_mode = #tpu.pipeline_mode<synchronous>, transform_indices = @transform_9, window_bounds = array<i64: 128, 10>}]} {
    %get3A = arith.constant 0 : index
    %get3A_0 = arith.constant 0 : index
    %get3A_1 = arith.constant 0 : index
    %get3A_2 = vector.load %arg1[%get3A, %get3A_0, %get3A_1] : memref<1x1x400xi32, #tpu.memory_space<vmem>>, vector<1x1x400xi32>
    %get3A_3 = vector.shape_cast %get3A_2 : vector<1x1x400xi32> to vector<400xi32>
    %get3A_4 = arith.constant 0 : index
    %get3A_5 = arith.constant 0 : index
    %get3A_6 = vector.load %arg2[%get3A_4, %get3A_5] : memref<400x128xf32, #tpu.memory_space<vmem>>, vector<400x128xf32>
    %get3A_7 = arith.constant 0 : index
    %get3A_8 = arith.constant 0 : index
    %get3A_9 = vector.load %arg6[%get3A_7, %get3A_8] : memref<128x10xf32, #tpu.memory_space<vmem>>, vector<128x10xf32>
    %dot_general3A = arith.constant dense<0.000000e+00> : vector<400x10xf32>
    %dot_general3A_10 = tpu.matmul %get3A_6, %get3A_9, %dot_general3A {dimension_numbers = #tpu.dot_dimension_numbers<[1], [0], [0], [1], [0, 0, 1, 1], [], []>, transpose_lhs_hint = false} : vector<400x128xf32>, vector<128x10xf32>, vector<400x10xf32> -> vector<400x10xf32>
    %get3A_11 = arith.constant 0 : index
    %get3A_12 = arith.constant 0 : index
    %get3A_13 = vector.load %arg3[%get3A_11, %get3A_12] : memref<400x128xf32, #tpu.memory_space<vmem>>, vector<400x128xf32>
    %get3A_14 = arith.constant 0 : index
    %get3A_15 = arith.constant 0 : index
    %get3A_16 = vector.load %arg7[%get3A_14, %get3A_15] : memref<128x10xf32, #tpu.memory_space<vmem>>, vector<128x10xf32>
    %dot_general3A_17 = arith.constant dense<0.000000e+00> : vector<400x10xf32>
    %dot_general3A_18 = tpu.matmul %get3A_13, %get3A_16, %dot_general3A_17 {dimension_numbers = #tpu.dot_dimension_numbers<[1], [0], [0], [1], [0, 0, 1, 1], [], []>, transpose_lhs_hint = false} : vector<400x128xf32>, vector<128x10xf32>, vector<400x10xf32> -> vector<400x10xf32>
    %add3A = arith.addf %dot_general3A_10, %dot_general3A_18 : vector<400x10xf32>
    %get3A_19 = arith.constant 0 : index
    %get3A_20 = arith.constant 0 : index
    %get3A_21 = vector.load %arg4[%get3A_19, %get3A_20] : memref<400x128xf32, #tpu.memory_space<vmem>>, vector<400x128xf32>
    %get3A_22 = arith.constant 0 : index
    %get3A_23 = arith.constant 0 : index
    %get3A_24 = vector.load %arg8[%get3A_22, %get3A_23] : memref<128x10xf32, #tpu.memory_space<vmem>>, vector<128x10xf32>
    %dot_general3A_25 = arith.constant dense<0.000000e+00> : vector<400x10xf32>
    %dot_general3A_26 = tpu.matmul %get3A_21, %get3A_24, %dot_general3A_25 {dimension_numbers = #tpu.dot_dimension_numbers<[1], [0], [0], [1], [0, 0, 1, 1], [], []>, transpose_lhs_hint = false} : vector<400x128xf32>, vector<128x10xf32>, vector<400x10xf32> -> vector<400x10xf32>
    %add3A_27 = arith.addf %add3A, %dot_general3A_26 : vector<400x10xf32>
    %get3A_28 = arith.constant 0 : index
    %get3A_29 = arith.constant 0 : index
    %get3A_30 = vector.load %arg5[%get3A_28, %get3A_29] : memref<400x128xf32, #tpu.memory_space<vmem>>, vector<400x128xf32>
    %get3A_31 = arith.constant 0 : index
    %get3A_32 = arith.constant 0 : index
    %get3A_33 = vector.load %arg9[%get3A_31, %get3A_32] : memref<128x10xf32, #tpu.memory_space<vmem>>, vector<128x10xf32>
    %dot_general3A_34 = arith.constant dense<0.000000e+00> : vector<400x10xf32>
    %dot_general3A_35 = tpu.matmul %get3A_30, %get3A_33, %dot_general3A_34 {dimension_numbers = #tpu.dot_dimension_numbers<[1], [0], [0], [1], [0, 0, 1, 1], [], []>, transpose_lhs_hint = false} : vector<400x128xf32>, vector<128x10xf32>, vector<400x10xf32> -> vector<400x10xf32>
    %add3A_36 = arith.addf %add3A_27, %dot_general3A_35 : vector<400x10xf32>
    %iota3A = tpu.iota {dimensions = array<i32: 1>} : vector<400x128xi32>
    %broadcast_in_dim3A = vector.shape_cast %get3A_3 : vector<400xi32> to vector<400x1xi32>
    %eq3A = vector.broadcast %broadcast_in_dim3A : vector<400x1xi32> to vector<400x128xi32>
    %eq3A_37 = arith.cmpi eq, %eq3A, %iota3A : vector<400x128xi32>
    %convert_element_type3A = arith.extui %eq3A_37 : vector<400x128xi1> to vector<400x128xi32>
    %convert_element_type3A_38 = arith.sitofp %convert_element_type3A : vector<400x128xi32> to vector<400x128xf32>
    %dot_general3A_39 = arith.constant dense<0.000000e+00> : vector<128x10xf32>
    %dot_general3A_40 = tpu.matmul %convert_element_type3A_38, %add3A_36, %dot_general3A_39 {dimension_numbers = #tpu.dot_dimension_numbers<[0], [0], [1], [1], [0, 1, 1, 1], [], []>, transpose_lhs_hint = false} : vector<400x128xf32>, vector<400x10xf32>, vector<128x10xf32> -> vector<128x10xf32>
    %eq3A_41 = arith.constant 0 : i32
    %eq3A_42 = arith.cmpi eq, %arg0, %eq3A_41 : i32
    %convert_element_type3A_43 = arith.extui %eq3A_42 : i1 to i32
    %cond3A = arith.constant 0 : i32
    %cond3A_44 = arith.cmpi ne, %convert_element_type3A_43, %cond3A : i32
    scf.if %cond3A_44 {
      %broadcast_in_dim3A_51 = arith.constant 0.000000e+00 : f32
      %broadcast_in_dim3A_52 = vector.broadcast %broadcast_in_dim3A_51 : f32 to vector<128x10xf32>
      %swap3A_53 = arith.constant 0 : index
      %swap3A_54 = arith.constant 0 : index
      %swap3A_55 = vector.load %arg10[%swap3A_53, %swap3A_54] : memref<128x10xf32, #tpu.memory_space<vmem>>, vector<128x10xf32>
      tpu.vector_store %arg10[%swap3A_53, %swap3A_54], %broadcast_in_dim3A_52 {strides = array<i32>} : memref<128x10xf32, #tpu.memory_space<vmem>>, vector<128x10xf32>,
    } else {
    }
    %get3A_45 = arith.constant 0 : index
    %get3A_46 = arith.constant 0 : index
    %get3A_47 = vector.load %arg10[%get3A_45, %get3A_46] : memref<128x10xf32, #tpu.memory_space<vmem>>, vector<128x10xf32>
    %add3A_48 = arith.addf %get3A_47, %dot_general3A_40 : vector<128x10xf32>
    %swap3A = arith.constant 0 : index
    %swap3A_49 = arith.constant 0 : index
    %swap3A_50 = vector.load %arg10[%swap3A, %swap3A_49] : memref<128x10xf32, #tpu.memory_space<vmem>>, vector<128x10xf32>
    tpu.vector_store %arg10[%swap3A, %swap3A_49], %add3A_48 {strides = array<i32>} : memref<128x10xf32, #tpu.memory_space<vmem>>, vector<128x10xf32>,
    return
  }
  func.func @transform_0(%arg0: i32) -> (i32, i32, i32) {
    %c0_i32 = arith.constant 0 : i32
    %c0_i32_0 = arith.constant 0 : i32
    %c0_i32_1 = arith.constant 0 : i32
    return %arg0, %c0_i32, %c0_i32_0 : i32, i32, i32
  }
  func.func @transform_1(%arg0: i32) -> (i32, i32) {
    %c0_i32 = arith.constant 0 : i32
    %c0_i32_0 = arith.constant 0 : i32
    return %arg0, %c0_i32 : i32, i32
  }
  func.func @transform_2(%arg0: i32) -> (i32, i32) {
    %c0_i32 = arith.constant 0 : i32
    %c0_i32_0 = arith.constant 0 : i32
    return %arg0, %c0_i32 : i32, i32
  }
  func.func @transform_3(%arg0: i32) -> (i32, i32) {
    %c0_i32 = arith.constant 0 : i32
    %c0_i32_0 = arith.constant 0 : i32
    return %arg0, %c0_i32 : i32, i32
  }
  func.func @transform_4(%arg0: i32) -> (i32, i32) {
    %c0_i32 = arith.constant 0 : i32
    %c0_i32_0 = arith.constant 0 : i32
    return %arg0, %c0_i32 : i32, i32
  }
  func.func @transform_5(%arg0: i32) -> (i32, i32) {
    %c0_i32 = arith.constant 0 : i32
    %c0_i32_0 = arith.constant 0 : i32
    %c0_i32_1 = arith.constant 0 : i32
    return %c0_i32, %c0_i32_0 : i32, i32
  }
  func.func @transform_6(%arg0: i32) -> (i32, i32) {
    %c0_i32 = arith.constant 0 : i32
    %c0_i32_0 = arith.constant 0 : i32
    %c0_i32_1 = arith.constant 0 : i32
    return %c0_i32, %c0_i32_0 : i32, i32
  }
  func.func @transform_7(%arg0: i32) -> (i32, i32) {
    %c0_i32 = arith.constant 0 : i32
    %c0_i32_0 = arith.constant 0 : i32
    %c0_i32_1 = arith.constant 0 : i32
    return %c0_i32, %c0_i32_0 : i32, i32
  }
  func.func @transform_8(%arg0: i32) -> (i32, i32) {
    %c0_i32 = arith.constant 0 : i32
    %c0_i32_0 = arith.constant 0 : i32
    %c0_i32_1 = arith.constant 0 : i32
    return %c0_i32, %c0_i32_0 : i32, i32
  }
  func.func @transform_9(%arg0: i32) -> (i32, i32) {
    %c0_i32 = arith.constant 0 : i32
    %c0_i32_0 = arith.constant 0 : i32
    %c0_i32_1 = arith.constant 0 : i32
    return %c0_i32, %c0_i32_0 : i32, i32
  }
}

</mosaic_0001>

<sc_bundles>
// kernel: kernel.15.cloned.1.call-start
scs
__scs_entry_jumppad:
0x0: {  	(pc) =	sbr.rel $0x88, $3  }
0x1: {  	(tag) =	ssettag $0x0;
	lr =	simm.s32 $0x1  }
0x2: {  	[smem:$0x3F7B] =	sst lr;
	_ =	strace $0xD0000000  }
0x3: {  	_ = 	snop  }
0x4: {  	_ = 	snop  }
0x5: {  	_ = 	snop  }
0x6: {  	_ = 	snop  }
0x7: {  	_ = 	snop  }
__scs_overlays_trampoline_lowered:
0x8: {  	[smem:$0x3F8A] =	sst s0  }
0x9: {  	[smem:$0x3F8B] =	sst s1  }
0xa: {  	[smem:$0x3F8C] =	sst s2  }
0xb: {  	[smem:$0x3F8D] =	sst s3  }
0xc: {  	[smem:$0x3F8E] =	sst s4  }
0xd: {  	[smem:$0x3F8F] =	sst s5  }
0xe: {  	[smem:$0x3F90] =	sst s6  }
0xf: {  	[smem:$0x3F91] =	sst s7  }
0x10: {  	[smem:$0x3F92] =	sst s8  }
0x11: {  	[smem:$0x3F93] =	sst s9;
	s0 =	simm.s32 @!p0 $0x0  }
0x12: {  	s1 =	sld [smem:$0x3F79];
	s0 =	simm.s32 @p0 $0x1  }
0x13: {  	[smem:$0x3F94] =	sst s0;
	s0 =	simm.s32 @!p1 $0x0  }
0x14: {  	s2 =	sld [smem:$0x3F78];
	s0 =	simm.s32 @p1 $0x1  }
0x15: {  	[smem:$0x3F95] =	sst s0;
	s0 =	simm.s32 @!p2 $0x0  }
0x16: {  	s3 =	sld [smem:$0x3FDB];
	s0 =	simm.s32 @p2 $0x1  }
0x17: {  	s4 =	simm.s32 $0x1BF5;
	[smem:$0x3F97] =	sst s0  }
0x18: {  	s0 =	sld [smem:$0x3F7A];
	_ =	swait.ge [sflag:s4], $0x0  }
0x19: {  	s7 =	sld [smem:$0x3F7B]  }
0x1a: {  	s8 =	sadd.s32 $0xFFFFE003, lr  }
0x1b: {  	s9 =	sadd.s32 $0xFFFFFEF7, lr;
	s5 =	simm.s32 $0xFFFFFFFF;
	p2 =	slt.u32 s8, $0xFFFFF086  }
0x1c: {  	p1 =	slt.u32 s9, $0xF7A;
	s5 =	simm.s32 @!p2 $0x0  }
0x1d: {  	s5 =	simm.s32 @p1 $0x1;
	p0 =	seq.s32 s7, s2  }
0x1e: {  	s7 =	smul.u32 @!p0 $0xF7A, s2;
	p2 =	seq.s32 @!p0 s5, $0x0  }
0x1f: {  	s9 =	smul.u32 $0xF7A, s1;
	s8 =	simm.s32 @!p0 $0x1BF5;
	p2 =	por !p2, p0  }
0x20: {  	[sflag:s8] =	ssyncset.s32 @!p0 $0xFFFFF086;
	s6 =	sadd.s32 @!p0 s3, s7;
	s7 =	simm.s32 @!p0 $0x108  }
0x21: {  	s3 =	sadd.s32 s3, s9;
	s6 =	sadd.s32 @!p0 $0x88, s6;
	s7 =	simm.s32 @p2 $0x1082  }
0x22: {  	[simem:s7], [sflag:s8] =	dma.local @!p0 [hbm:s6], $0xF7A  }
0x23: {  	s9 =	sor.u32 $0xD0000000, s2;
	s6 =	simm.s32 $0x108;
	_ =	swait.ge @!p0 [sflag:s8], $0x0  }
0x24: {  	s3 =	sadd.s32 $0x88, s3;
	s6 =	simm.s32 @!p1 $0x1082;
	[sflag:s4] =	ssyncset.s32 $0xFFFFF086  }
0x25: {  	[simem:s6], [sflag:s4] =	dma.local [hbm:s3], $0xF7A  }
0x26: {  	[smem:$0x3F7B] =	sst s1;
	(tag) =	ssettag s2;
	_ =	strace s9  }
0x27: {  	s1 =	sld [smem:$0x3F8B]  }
0x28: {  	s2 =	sld [smem:$0x3F8C]  }
0x29: {  	s4 =	sld [smem:$0x3F8E]  }
0x2a: {  	p0 =	seq.s32 s5, $0x0;
	s5 =	sld [smem:$0x3F8F]  }
0x2b: {  	s6 =	sld [smem:$0x3F90]  }
0x2c: {  	s7 =	sld [smem:$0x3F91]  }
0x2d: {  	s3 =	simm.s32 $0x108;
	s8 =	sld [smem:$0x3F92]  }
0x2e: {  	s3 =	simm.s32 @!p0 $0x1082;
	s9 =	sld [smem:$0x3F93]  }
0x2f: {  	lr =	sadd.s32 s0, s3;
	s0 =	sld [smem:$0x3F8A]  }
0x30: {  	s3 =	sld [smem:$0x3F8D]  }
0x31: {  	[smem:$0x3F96] =	sst s10  }
0x32: {  	s10 =	sld [smem:$0x3F94];
	_ =	sdelay $0x3  }
0x33: {  	p0 =	seq.s32 s10, $0x1;
	s10 =	sld [smem:$0x3F96];
	_ =	sdelay $0x3  }
0x34: {  	[smem:$0x3F96] =	sst s10  }
0x35: {  	s10 =	sld [smem:$0x3F95];
	_ =	sdelay $0x3  }
0x36: {  	p1 =	seq.s32 s10, $0x1;
	s10 =	sld [smem:$0x3F96];
	_ =	sdelay $0x3  }
0x37: {  	[smem:$0x3F96] =	sst s10  }
0x38: {  	s10 =	sld [smem:$0x3F97]  }
0x39: {  	_ = 	snop;
	(pc) =	sbr.ind lr, $3  }
0x3a: {  	_ = 	snop  }
0x3b: {  	_ = 	snop  }
0x3c: {  	p2 =	seq.s32 s10, $0x1;
	s10 =	sld [smem:$0x3F96]  }
0x3d: {  	_ =	shalt  }
0x3e: {  	_ =	shalt  }
0x3f: {  	_ =	shalt  }
0x40: {  	_ =	shalt  }
0x41: {  	_ =	shalt  }
0x42: {  	_ =	shalt  }
0x43: {  	_ =	shalt  }
0x44: {  	_ =	shalt  }
0x45: {  	_ =	shalt  }
0x46: {  	_ =	shalt  }
0x47: {  	_ =	shalt  }
0x48: {  	_ =	shalt  }
0x49: {  	_ =	shalt  }
0x4a: {  	_ =	shalt  }
0x4b: {  	_ =	shalt  }
0x4c: {  	_ =	shalt  }
0x4d: {  	_ =	shalt  }
0x4e: {  	_ =	shalt  }
0x4f: {  	_ =	shalt  }
0x50: {  	_ =	shalt  }
0x51: {  	_ =	shalt  }
0x52: {  	_ =	shalt  }
0x53: {  	_ =	shalt  }
0x54: {  	_ =	shalt  }
0x55: {  	_ =	shalt  }
0x56: {  	_ =	shalt  }
0x57: {  	_ =	shalt  }
0x58: {  	_ =	shalt  }
0x59: {  	_ =	shalt  }
0x5a: {  	_ =	shalt  }
0x5b: {  	_ =	shalt  }
0x5c: {  	_ =	shalt  }
0x5d: {  	_ =	shalt  }
0x5e: {  	_ =	shalt  }
0x5f: {  	_ =	shalt  }
0x60: {  	_ =	shalt  }
0x61: {  	_ =	shalt  }
0x62: {  	_ =	shalt  }
0x63: {  	_ =	shalt  }
0x64: {  	_ =	shalt  }
0x65: {  	_ =	shalt  }
0x66: {  	_ =	shalt  }
0x67: {  	_ =	shalt  }
0x68: {  	_ =	shalt  }
0x69: {  	_ =	shalt  }
0x6a: {  	_ =	shalt  }
0x6b: {  	_ =	shalt  }
0x6c: {  	_ =	shalt  }
0x6d: {  	_ =	shalt  }
0x6e: {  	_ =	shalt  }
0x6f: {  	_ =	shalt  }
0x70: {  	_ =	shalt  }
0x71: {  	_ =	shalt  }
0x72: {  	_ =	shalt  }
0x73: {  	_ =	shalt  }
0x74: {  	_ =	shalt  }
0x75: {  	_ =	shalt  }
0x76: {  	_ =	shalt  }
0x77: {  	_ =	shalt  }
0x78: {  	_ =	shalt  }
0x79: {  	_ =	shalt  }
0x7a: {  	_ =	shalt  }
0x7b: {  	_ =	shalt  }
0x7c: {  	_ =	shalt  }
0x7d: {  	_ =	shalt  }
0x7e: {  	_ =	shalt  }
0x7f: {  	_ =	shalt  }
0x80: {  	_ =	shalt  }
0x81: {  	_ =	shalt  }
0x82: {  	_ =	shalt  }
0x83: {  	_ =	shalt  }
0x84: {  	_ =	shalt  }
0x85: {  	_ =	shalt  }
0x86: {  	_ =	shalt  }
0x87: {  	_ =	shalt  }
.Lfunc_end0:
.L_simem_size_0:
called_computation_lowered:
.L_overlay_start_0:
0x88: {  	s2 =	sld [smem:$0x3FD9]  }
0x89: {  	s3 =	sld [smem:$0x3FFE];
	_ =	sdelay $0x1  }
0x8a: {  	s1 =	srdreg.scid  }
0x8b: {  	s0 =	sand.u32 $0x1, s1  }
0x8c: {  	s17 =	sshll.u32 s0, $0xA;
	s2 =	sadd.s32 s3, s2  }
0x8d: {  	s2 =	sadd.s32 s2, s17  }
0x8e: {  	[smem:$0x3FA2] =	sst s2  }
0x8f: {  	_ = 	snop  }
0x90: {  	s2 =	sld [smem:$0x3FC9];
	(tm) =	ssettm $0x1  }
0x91: {  	s18 =	sld [smem:$0x3FFB];
	_ =	sdelay $0x3  }
0x92: {  	_ =	strace s18  }
0x93: {  	s3 =	sld [smem:$0x3FFC];
	_ =	sdelay $0x3  }
0x94: {  	_ =	strace s3  }
0x95: {  	s3 =	sld [smem:$0x3FFD];
	_ =	sdelay $0x3  }
0x96: {  	_ =	strace s3  }
0x97: {  	_ =	strace $0x8FFFFFFF  }
0x98: {  	s19 =	sld [smem:$0x3FDB];
	_ =	sdelay $0x1  }
0x99: {  	s4 =	simm.s32 $_scs_section_size  }
0x9a: {  	s5 =	simm.s32 $_size__tile_overlayer_lowered;
	s6 =	simm.s32 $_tile_overlayer_lowered  }
0x9b: {  	s22 =	simm.s32 $0x1BFF;
	s21 =	sshll.u32 s6, $0x1;
	s3 =	sadd.s32 s4, s19  }
0x9c: {  	s7 =	simm.s32 $0x0;
	s20 =	sshll.u32 s5, $0x1;
	s5 =	sadd.s32 s21, s3  }
0x9d: {  	[timem:s7], [sflag:s22] =	dma.local [hbm:s5], s20  }
0x9e: {  	_ =	swait.ge [sflag:s22], s20  }
0x9f: {  	s4 =	ssub.s32 $0x0, s20;
	[sflag:s22] =	ssyncset.done $0x0  }
0xa0: {  	[sflag:s22] =	ssyncadd.s32 s4;
	_ =	sdelay $0x1  }
0xa1: {  	s23 =	simm.s32 $0x1B8B  }
0xa2: {  	_ =	swait.ge [sflag:s23], $0x1  }
0xa3: {  	[sflag:s23] =	ssyncset.done $0x0  }
0xa4: {  	s25 =	simm.s32 $0x1B8E;
	s24 =	sld [smem:$0x3FFE];
	[sflag:s23] =	ssyncadd.s32 $0xFFFFFFFF  }
0xa5: {  	s26 =	simm.s32 $execute0_lowered;
	[smem:$0x3FD2] =	sst s25  }
0xa6: {  	s5 =	sshll.u32 s26, $0x1;
	_ =	strace $0x80000046;
	[dreg:$0x1] =	wrdreg $0xFFFFFFFF  }
0xa7: {  	s28 =	simm.s32 $_size_execute0_lowered;
	s3 =	sadd.s32 s3, s5;
	[dreg:$0x0] =	wrdreg $0x0  }
0xa8: {  	s5 =	sshll.u32 s28, $0x1;
	[dreg:$0x2] =	wrdreg s3  }
0xa9: {  	[dreg:$0x3] =	wrdreg s5  }
0xaa: {  	[dreg:$0x4] =	wrdreg $0xC0  }
0xab: {  	_ =	task [dreg:s7], $0x5FFFF  }
0xac: {  	[dreg:$0x1] =	wrdreg $0xFFFFFFFF  }
0xad: {  	[dreg:$0x0] =	wrdreg $0x60  }
0xae: {  	[dreg:$0x2] =	wrdreg s2  }
0xaf: {  	[dreg:$0x3] =	wrdreg s24  }
0xb0: {  	[dreg:$0x4] =	wrdreg $0x90000  }
0xb1: {  	[dreg:$0x5] =	wrdreg $0x9  }
0xb2: {  	_ =	task.clear_ibuf [dreg:s7], $0x6FFFF;
	_ =	strace $0x90000046  }
0xb3: {  	s29 =	simm.s32 $0x9;
	_ =	strace $0x80000048  }
0xb4: {  	_ =	swait.ge [sflag:s29], $0x1  }
0xb5: {  	[sflag:s29] =	ssyncadd.s32 $0xFFFFFFFF  }
0xb6: {  	_ =	strace $0x90000048  }
0xb7: {  	_ =	sfence  }
0xb8: {  	s30 =	sld [smem:$0x0];
	_ =	sdelay $0x2  }
0xb9: {  	s31 =	sshll.u32 s1, $0xD;
	s1 =	sshrl.u32 s1, $0x2  }
0xba: {  	s3 =	sand.u32 $0x4000, s31;
	s1 =	sadd.s32 s1, s30  }
0xbb: {  	s0 =	sor.u32 s3, s0;
	s1 =	sshll.u32 s1, $0x11  }
0xbc: {  	s0 =	sor.u32 s1, s0  }
0xbd: {  	s0 =	sadd.s32 $0x8F2B, s0  }
0xbe: {  	[sflag:s0] =	ssyncadd.remote.s32 $0x1  }
0xbf: {  	_ =	sfence.sel $0xFFFF  }
0xc0: {  	[dreg:$0x0] =	wrdreg $0xFFFFFFFF;
	(pc) =	sbr.abs _section_cstart, $3  }
0xc1: {  	[dreg:$0x1] =	wrdreg $0xFFFFFFFF  }
0xc2: {  	_ =	task.clear_ibuf [dreg:s7], $0x2FFFF;
	_ =	strace $0x9FFFFFFF  }
0xc3: {  	(tm) =	ssettm $0x7FFFFFFF  }
tec
execute0_lowered:
.L_overlay_start_1:
0x0: {  	(tag) =	ssettag $0x1  }
0x1: {  	s1 =	rddreg [dreg:$0x0]  }
0x2: {  	s0 =	rddreg [dreg:$0x1]  }
0x3: {  	s3 =	rddreg [dreg:$0x2];
	s2 =	srdreg.scid  }
0x4: {  	s8 =	stileid.u32;
	s31 =	simm.s32 $0x8400;
	s11 =	simm.s32 $0x8500  }
0x5: {  	s15 =	simm.s32 $0x8C80;
	s16 =	simm.s32 $0x8580;
	s5 =	smul.u32 $0x90, s8  }
0x6: {  	s28 =	simm.s32 $0x8F00;
	s29 =	simm.s32 $0x8F80;
	s17 =	smul.u32 $0x280, s8  }
0x7: {  	s2 =	sand.u32 $0x1, s2;
	s4 =	sshll.u32 s8, $0x4;
	s8 =	smul.u32 $0x50000, s8  }
0x8: {  	s9 =	sadd.s32 $0x1AC00, s0;
	p0 =	seq.s32 s2, $0x0;
	s6 =	sor.u32 $0x900, s4  }
0x9: {  	s4 =	simm.s32 $0x0;
	s7 =	smul.u32 $0x2800, s2;
	s18 =	ssub.s32 $0x2, s2  }
0xa: {  	s6 =	smov.u32 @p0 s5;
	[smem:$0x7FF] =	sst s4;
	s19 =	sshrl.u32 s18, $0x1  }
0xb: {  	s8 =	sshrl.u32 s8, $0x2;
	p0 =	sne.s32 s2, $0x0;
	s2 =	simm.s32 $0x8B80  }
0xc: {  	s6 =	sshll.u32 s6, $0x4;
	_ =	strace $0x80000047;
	[dreg:$0x4] =	wrdreg s9  }
0xd: {  	s5 =	sadd.s32 s17, s7;
	s20 =	ssub.s32 s18, s19;
	s8 =	sadd.s32 s8, s3  }
0xe: {  	s19 =	simm.s32 $0x3;
	s25 =	smax.u32 s20, $0x1;
	[dreg:$0x5] =	wrdreg s8  }
0xf: {  	s17 =	simm.s32 $0x8D00;
	s9 =	sadd.s32 $0x4000, s8;
	[dreg:$0xf] =	wrdreg s25  }
0x10: {  	s18 =	simm.s32 $0x8600;
	s10 =	sadd.s32 $0x8000, s8;
	[dreg:$0x6] =	wrdreg s9  }
0x11: {  	s7 =	simm.s32 $0x8D80;
	s13 =	sadd.s32 $0xC000, s8;
	[dreg:$0x7] =	wrdreg s10  }
0x12: {  	s6 =	sadd.s32 s6, s0;
	s14 =	sadd.s32 $0x10000, s8;
	[dreg:$0x8] =	wrdreg s13  }
0x13: {  	s5 =	sshll.u32 s5, $0x4;
	s26 =	sadd.s32 $0x6C00, s6;
	[dreg:$0x9] =	wrdreg s14  }
0x14: {  	s0 =	sadd.s32 s5, s0;
	s30 =	sadd.s32 $0x10C00, s6;
	[dreg:$0x10] =	wrdreg s26  }
0x15: {  	s20 =	simm.s32 $0x2;
	s21 =	sadd.s32 $0x1B400, s0;
	[dreg:$0x11] =	wrdreg s30  }
0x16: {  	s5 =	simm.s32 $0x8C00;
	s22 =	sadd.s32 $0x1BC00, s0;
	[dreg:$0xa] =	wrdreg s21  }
0x17: {  	s6 =	simm.s32 $0x8E80;
	s23 =	sadd.s32 $0x1C400, s0;
	[dreg:$0xb] =	wrdreg s22  }
0x18: {  	s25 =	simm.s32 $0x8780;
	s24 =	sadd.s32 $0x1CC00, s0;
	[dreg:$0xc] =	wrdreg s23  }
0x19: {  	s0 =	sadd.s32 $0x1D400, s0;
	s26 =	simm.s32 $0x4000;
	[dreg:$0xd] =	wrdreg s24  }
0x1a: {  	[dreg:$0xe] =	wrdreg s0;
	s21 =	simm.s32 $0x8000;
	s22 =	simm.s32 $0x8800  }
0x1b: {  	s23 =	simm.s32 $0x80;
	s24 =	simm.s32 $0x1;
	s0 =	simm.s32 $0x0  }
.LBB2_1:
0x1c: {  	[dreg:$0x12] =	wrdreg s0  }
0x1d: {  	s12 =	rddreg [dreg:$0x4]  }
0x1e: {  	[tilespmem:s4], [sflag:$0x3] =	stream.linear.gather [hbm4b:s12+s4], $0x4000, $0x38;
	[tilespmem:$0x1D000] =	vst v63  }
0x1f: {  	_ =	swait.ge [sflag:s19], $0x4000  }
0x20: {  	[sflag:s19] =	ssyncset.done $0x0  }
0x21: {  	[sflag:s19] =	ssyncadd.s32 $0xFFFFC000  }
0x22: {  	[spmem:s8] =	stream.linear.scatter [tilespmem:s4], [sflag:$0x2], $0x4000, $0x38;
	[tilespmem:$0x1D000] =	vst v63  }
0x23: {  	_ = 	snop  }
0x24: {  	[spmem:s9] =	stream.linear.scatter [tilespmem:s4], [sflag:$0x2], $0x4000, $0x38;
	[tilespmem:$0x1D000] =	vst v63  }
0x25: {  	_ = 	snop  }
0x26: {  	[spmem:s10] =	stream.linear.scatter [tilespmem:s4], [sflag:$0x2], $0x4000, $0x38;
	[tilespmem:$0x1D000] =	vst v63  }
0x27: {  	_ = 	snop  }
0x28: {  	[spmem:s13] =	stream.linear.scatter [tilespmem:s4], [sflag:$0x2], $0x4000, $0x38;
	[tilespmem:$0x1D000] =	vst v63  }
0x29: {  	s30 =	smov.u32 s14  }
0x2a: {  	[spmem:s30] =	stream.linear.scatter [tilespmem:s4], [sflag:$0x2], $0x4000, $0x38;
	[tilespmem:$0x1D000] =	vst v63  }
0x2b: {  	_ =	swait.ge [sflag:s20], $0x4000  }
0x2c: {  	[sflag:s20] =	ssyncset.done $0x0  }
0x2d: {  	[sflag:s20] =	ssyncadd.s32 $0xFFFFC000  }
0x2e: {  	_ =	swait.ge [sflag:s20], $0x4000  }
0x2f: {  	[sflag:s20] =	ssyncset.done $0x0  }
0x30: {  	[sflag:s20] =	ssyncadd.s32 $0xFFFFC000  }
0x31: {  	_ =	swait.ge [sflag:s20], $0x4000  }
0x32: {  	[sflag:s20] =	ssyncset.done $0x0  }
0x33: {  	[sflag:s20] =	ssyncadd.s32 $0xFFFFC000  }
0x34: {  	_ =	swait.ge [sflag:s20], $0x4000  }
0x35: {  	[sflag:s20] =	ssyncset.done $0x0  }
0x36: {  	[sflag:s20] =	ssyncadd.s32 $0xFFFFC000  }
0x37: {  	_ =	swait.ge [sflag:s20], $0x4000  }
0x38: {  	[sflag:s20] =	ssyncset.done $0x0  }
0x39: {  	[sflag:s20] =	ssyncadd.s32 $0xFFFFC000  }
0x3a: {  	s14 =	simm.s32 $0x0;
	[bflag:$0x0] =	sbarrier.arrive $0xFFFF  }
0x3b: {  	s0 =	simm.s32 $0x8480;
	s8 =	simm.s32 $0x8680;
	s12 =	rddreg [dreg:$0x11]  }
0x3c: {  	s9 =	simm.s32 $0x8E00;
	s10 =	simm.s32 $0x8700;
	s13 =	rddreg [dreg:$0x10]  }
.LBB2_2:
0x3d: {  	[tilespmem:s21], [sflag:$0x3] =	stream.linear.gather [hbm4b:s12+s4], $0x800, $0x38;
	[tilespmem:$0x1D000] =	vst v63  }
0x3e: {  	_ =	swait.ge [sflag:s19], $0x800  }
0x3f: {  	[sflag:s19] =	ssyncset.done $0x0  }
0x40: {  	[sflag:s19] =	ssyncadd.s32 $0xFFFFF800  }
0x41: {  	[tilespmem:s22], [sflag:$0x3] =	stream.linear.gather [hbm4b:s13+s4], $0x800, $0x38;
	[tilespmem:$0x1D000] =	vst v63  }
0x42: {  	_ =	swait.ge [sflag:s19], $0x800  }
0x43: {  	[sflag:s19] =	ssyncset.done $0x0  }
0x44: {  	[sflag:s19] =	ssyncadd.s32 $0xFFFFF800  }
0x45: {  	[tilespmem:s4], [sflag:$0x1] =	stream.indirect.gather [hbm4b:s1+s23], $0x80, s21, s23, $0xb8;
	[tilespmem:$0x1D000] =	vst v63  }
0x46: {  	_ =	swait.ge [sflag:s24], $0x4000  }
0x47: {  	[sflag:s24] =	ssyncset.done $0x0  }
0x48: {  	s30 =	simm.s32 $0x8080;
	[sflag:s24] =	ssyncadd.s32 $0xFFFFC000  }
0x49: {  	[tilespmem:s26], [sflag:$0x1] =	stream.indirect.gather [hbm4b:s1+s23], $0x80, s30, s23, $0xb8;
	[tilespmem:$0x1D000] =	vst v63  }
0x4a: {  	_ = 	snop  }
0x4b: {  	[spmem:s3] =	stream.indirect.scatter.add.f32 [tilespmem:s4], [sflag:$0x2], $0x80, s22, s23, $0xb8;
	[tilespmem:$0x1D000] =	vst v63  }
0x4c: {  	_ =	swait.ge [sflag:s24], $0x4000  }
0x4d: {  	[sflag:s24] =	ssyncset.done $0x0  }
0x4e: {  	[sflag:s24] =	ssyncadd.s32 $0xFFFFC000  }
0x4f: {  	_ =	swait.ge [sflag:s20], $0x4000  }
0x50: {  	[sflag:s20] =	ssyncset.done $0x0  }
0x51: {  	s30 =	simm.s32 $0x8100;
	[sflag:s20] =	ssyncadd.s32 $0xFFFFC000  }
0x52: {  	[tilespmem:s4], [sflag:$0x1] =	stream.indirect.gather [hbm4b:s1+s23], $0x80, s30, s23, $0xb8;
	[tilespmem:$0x1D000] =	vst v63  }
0x53: {  	s30 =	simm.s32 $0x8880  }
0x54: {  	[spmem:s3] =	stream.indirect.scatter.add.f32 [tilespmem:s26], [sflag:$0x2], $0x80, s30, s23, $0xb8;
	[tilespmem:$0x1D000] =	vst v63  }
0x55: {  	_ =	swait.ge [sflag:s24], $0x4000  }
0x56: {  	[sflag:s24] =	ssyncset.done $0x0  }
0x57: {  	[sflag:s24] =	ssyncadd.s32 $0xFFFFC000  }
0x58: {  	_ =	swait.ge [sflag:s20], $0x4000  }
0x59: {  	[sflag:s20] =	ssyncset.done $0x0  }
0x5a: {  	s30 =	simm.s32 $0x8180;
	[sflag:s20] =	ssyncadd.s32 $0xFFFFC000  }
0x5b: {  	[tilespmem:s26], [sflag:$0x1] =	stream.indirect.gather [hbm4b:s1+s23], $0x80, s30, s23, $0xb8;
	[tilespmem:$0x1D000] =	vst v63  }
0x5c: {  	s30 =	simm.s32 $0x8900  }
0x5d: {  	[spmem:s3] =	stream.indirect.scatter.add.f32 [tilespmem:s4], [sflag:$0x2], $0x80, s30, s23, $0xb8;
	[tilespmem:$0x1D000] =	vst v63  }
0x5e: {  	_ =	swait.ge [sflag:s24], $0x4000  }
0x5f: {  	[sflag:s24] =	ssyncset.done $0x0  }
0x60: {  	[sflag:s24] =	ssyncadd.s32 $0xFFFFC000  }
0x61: {  	_ =	swait.ge [sflag:s20], $0x4000  }
0x62: {  	[sflag:s20] =	ssyncset.done $0x0  }
0x63: {  	s30 =	simm.s32 $0x8200;
	[sflag:s20] =	ssyncadd.s32 $0xFFFFC000  }
0x64: {  	[tilespmem:s4], [sflag:$0x1] =	stream.indirect.gather [hbm4b:s1+s23], $0x80, s30, s23, $0xb8;
	[tilespmem:$0x1D000] =	vst v63  }
0x65: {  	s30 =	simm.s32 $0x8980  }
0x66: {  	[spmem:s3] =	stream.indirect.scatter.add.f32 [tilespmem:s26], [sflag:$0x2], $0x80, s30, s23, $0xb8;
	[tilespmem:$0x1D000] =	vst v63  }
0x67: {  	_ =	swait.ge [sflag:s24], $0x4000  }
0x68: {  	[sflag:s24] =	ssyncset.done $0x0  }
0x69: {  	[sflag:s24] =	ssyncadd.s32 $0xFFFFC000  }
0x6a: {  	_ =	swait.ge [sflag:s20], $0x4000  }
0x6b: {  	[sflag:s20] =	ssyncset.done $0x0  }
0x6c: {  	s30 =	simm.s32 $0x8280;
	[sflag:s20] =	ssyncadd.s32 $0xFFFFC000  }
0x6d: {  	[tilespmem:s26], [sflag:$0x1] =	stream.indirect.gather [hbm4b:s1+s23], $0x80, s30, s23, $0xb8;
	[tilespmem:$0x1D000] =	vst v63  }
0x6e: {  	s30 =	simm.s32 $0x8A00  }
0x6f: {  	[spmem:s3] =	stream.indirect.scatter.add.f32 [tilespmem:s4], [sflag:$0x2], $0x80, s30, s23, $0xb8;
	[tilespmem:$0x1D000] =	vst v63  }
0x70: {  	_ =	swait.ge [sflag:s24], $0x4000  }
0x71: {  	[sflag:s24] =	ssyncset.done $0x0  }
0x72: {  	[sflag:s24] =	ssyncadd.s32 $0xFFFFC000  }
0x73: {  	_ =	swait.ge [sflag:s20], $0x4000  }
0x74: {  	[sflag:s20] =	ssyncset.done $0x0  }
0x75: {  	s30 =	simm.s32 $0x8300;
	[sflag:s20] =	ssyncadd.s32 $0xFFFFC000  }
0x76: {  	[tilespmem:s4], [sflag:$0x1] =	stream.indirect.gather [hbm4b:s1+s23], $0x80, s30, s23, $0xb8;
	[tilespmem:$0x1D000] =	vst v63  }
0x77: {  	s30 =	simm.s32 $0x8A80  }
0x78: {  	[spmem:s3] =	stream.indirect.scatter.add.f32 [tilespmem:s26], [sflag:$0x2], $0x80, s30, s23, $0xb8;
	[tilespmem:$0x1D000] =	vst v63  }
0x79: {  	_ =	swait.ge [sflag:s24], $0x4000  }
0x7a: {  	[sflag:s24] =	ssyncset.done $0x0  }
0x7b: {  	[sflag:s24] =	ssyncadd.s32 $0xFFFFC000  }
0x7c: {  	_ =	swait.ge [sflag:s20], $0x4000  }
0x7d: {  	[sflag:s20] =	ssyncset.done $0x0  }
0x7e: {  	s30 =	simm.s32 $0x8380;
	[sflag:s20] =	ssyncadd.s32 $0xFFFFC000  }
0x7f: {  	[tilespmem:s26], [sflag:$0x1] =	stream.indirect.gather [hbm4b:s1+s23], $0x80, s30, s23, $0xb8;
	[tilespmem:$0x1D000] =	vst v63  }
0x80: {  	s30 =	simm.s32 $0x8B00  }
0x81: {  	[spmem:s3] =	stream.indirect.scatter.add.f32 [tilespmem:s4], [sflag:$0x2], $0x80, s30, s23, $0xb8;
	[tilespmem:$0x1D000] =	vst v63  }
0x82: {  	_ =	swait.ge [sflag:s24], $0x4000  }
0x83: {  	[sflag:s24] =	ssyncset.done $0x0  }
0x84: {  	[sflag:s24] =	ssyncadd.s32 $0xFFFFC000  }
0x85: {  	_ =	swait.ge [sflag:s20], $0x4000  }
0x86: {  	[sflag:s20] =	ssyncset.done $0x0  }
0x87: {  	[sflag:s20] =	ssyncadd.s32 $0xFFFFC000  }
0x88: {  	[tilespmem:s4], [sflag:$0x1] =	stream.indirect.gather [hbm4b:s1+s23], $0x80, s31, s23, $0xb8;
	[tilespmem:$0x1D000] =	vst v63  }
0x89: {  	_ = 	snop  }
0x8a: {  	[spmem:s3] =	stream.indirect.scatter.add.f32 [tilespmem:s26], [sflag:$0x2], $0x80, s2, s23, $0xb8;
	[tilespmem:$0x1D000] =	vst v63  }
0x8b: {  	_ =	swait.ge [sflag:s24], $0x4000  }
0x8c: {  	[sflag:s24] =	ssyncset.done $0x0  }
0x8d: {  	[sflag:s24] =	ssyncadd.s32 $0xFFFFC000  }
0x8e: {  	_ =	swait.ge [sflag:s20], $0x4000  }
0x8f: {  	[sflag:s20] =	ssyncset.done $0x0  }
0x90: {  	[sflag:s20] =	ssyncadd.s32 $0xFFFFC000  }
0x91: {  	[tilespmem:s26], [sflag:$0x1] =	stream.indirect.gather [hbm4b:s1+s23], $0x80, s0, s23, $0xb8;
	[tilespmem:$0x1D000] =	vst v63  }
0x92: {  	_ = 	snop  }
0x93: {  	[spmem:s3] =	stream.indirect.scatter.add.f32 [tilespmem:s4], [sflag:$0x2], $0x80, s5, s23, $0xb8;
	[tilespmem:$0x1D000] =	vst v63  }
0x94: {  	_ =	swait.ge [sflag:s24], $0x4000  }
0x95: {  	[sflag:s24] =	ssyncset.done $0x0  }
0x96: {  	[sflag:s24] =	ssyncadd.s32 $0xFFFFC000  }
0x97: {  	_ =	swait.ge [sflag:s20], $0x4000  }
0x98: {  	[sflag:s20] =	ssyncset.done $0x0  }
0x99: {  	[sflag:s20] =	ssyncadd.s32 $0xFFFFC000  }
0x9a: {  	[tilespmem:s4], [sflag:$0x1] =	stream.indirect.gather [hbm4b:s1+s23], $0x80, s11, s23, $0xb8;
	[tilespmem:$0x1D000] =	vst v63  }
0x9b: {  	_ = 	snop  }
0x9c: {  	[spmem:s3] =	stream.indirect.scatter.add.f32 [tilespmem:s26], [sflag:$0x2], $0x80, s15, s23, $0xb8;
	[tilespmem:$0x1D000] =	vst v63  }
0x9d: {  	_ =	swait.ge [sflag:s24], $0x4000  }
0x9e: {  	[sflag:s24] =	ssyncset.done $0x0  }
0x9f: {  	[sflag:s24] =	ssyncadd.s32 $0xFFFFC000  }
0xa0: {  	_ =	swait.ge [sflag:s20], $0x4000  }
0xa1: {  	[sflag:s20] =	ssyncset.done $0x0  }
0xa2: {  	[sflag:s20] =	ssyncadd.s32 $0xFFFFC000  }
0xa3: {  	[tilespmem:s26], [sflag:$0x1] =	stream.indirect.gather [hbm4b:s1+s23], $0x80, s16, s23, $0xb8;
	[tilespmem:$0x1D000] =	vst v63  }
0xa4: {  	_ = 	snop  }
0xa5: {  	[spmem:s3] =	stream.indirect.scatter.add.f32 [tilespmem:s4], [sflag:$0x2], $0x80, s17, s23, $0xb8;
	[tilespmem:$0x1D000] =	vst v63  }
0xa6: {  	_ =	swait.ge [sflag:s24], $0x4000  }
0xa7: {  	[sflag:s24] =	ssyncset.done $0x0  }
0xa8: {  	[sflag:s24] =	ssyncadd.s32 $0xFFFFC000  }
0xa9: {  	_ =	swait.ge [sflag:s20], $0x4000  }
0xaa: {  	[sflag:s20] =	ssyncset.done $0x0  }
0xab: {  	[sflag:s20] =	ssyncadd.s32 $0xFFFFC000  }
0xac: {  	[tilespmem:s4], [sflag:$0x1] =	stream.indirect.gather [hbm4b:s1+s23], $0x80, s18, s23, $0xb8;
	[tilespmem:$0x1D000] =	vst v63  }
0xad: {  	_ = 	snop  }
0xae: {  	[spmem:s3] =	stream.indirect.scatter.add.f32 [tilespmem:s26], [sflag:$0x2], $0x80, s7, s23, $0xb8;
	[tilespmem:$0x1D000] =	vst v63  }
0xaf: {  	_ =	swait.ge [sflag:s24], $0x4000  }
0xb0: {  	[sflag:s24] =	ssyncset.done $0x0  }
0xb1: {  	[sflag:s24] =	ssyncadd.s32 $0xFFFFC000  }
0xb2: {  	_ =	swait.ge [sflag:s20], $0x4000  }
0xb3: {  	[sflag:s20] =	ssyncset.done $0x0  }
0xb4: {  	[sflag:s20] =	ssyncadd.s32 $0xFFFFC000  }
0xb5: {  	[tilespmem:s26], [sflag:$0x1] =	stream.indirect.gather [hbm4b:s1+s23], $0x80, s8, s23, $0xb8;
	[tilespmem:$0x1D000] =	vst v63  }
0xb6: {  	_ = 	snop  }
0xb7: {  	[spmem:s3] =	stream.indirect.scatter.add.f32 [tilespmem:s4], [sflag:$0x2], $0x80, s9, s23, $0xb8;
	[tilespmem:$0x1D000] =	vst v63  }
0xb8: {  	_ =	swait.ge [sflag:s24], $0x4000  }
0xb9: {  	[sflag:s24] =	ssyncset.done $0x0  }
0xba: {  	[sflag:s24] =	ssyncadd.s32 $0xFFFFC000  }
0xbb: {  	_ =	swait.ge [sflag:s20], $0x4000  }
0xbc: {  	[sflag:s20] =	ssyncset.done $0x0  }
0xbd: {  	[sflag:s20] =	ssyncadd.s32 $0xFFFFC000  }
0xbe: {  	[tilespmem:s4], [sflag:$0x1] =	stream.indirect.gather [hbm4b:s1+s23], $0x80, s10, s23, $0xb8;
	[tilespmem:$0x1D000] =	vst v63  }
0xbf: {  	_ = 	snop  }
0xc0: {  	[spmem:s3] =	stream.indirect.scatter.add.f32 [tilespmem:s26], [sflag:$0x2], $0x80, s6, s23, $0xb8;
	[tilespmem:$0x1D000] =	vst v63  }
0xc1: {  	_ =	swait.ge [sflag:s24], $0x4000  }
0xc2: {  	[sflag:s24] =	ssyncset.done $0x0  }
0xc3: {  	[sflag:s24] =	ssyncadd.s32 $0xFFFFC000  }
0xc4: {  	_ =	swait.ge [sflag:s20], $0x4000  }
0xc5: {  	[sflag:s20] =	ssyncset.done $0x0  }
0xc6: {  	[sflag:s20] =	ssyncadd.s32 $0xFFFFC000  }
0xc7: {  	[tilespmem:s26], [sflag:$0x1] =	stream.indirect.gather [hbm4b:s1+s23], $0x80, s25, s23, $0xb8;
	[tilespmem:$0x1D000] =	vst v63  }
0xc8: {  	_ = 	snop  }
0xc9: {  	[spmem:s3] =	stream.indirect.scatter.add.f32 [tilespmem:s4], [sflag:$0x2], $0x80, s28, s23, $0xb8;
	[tilespmem:$0x1D000] =	vst v63  }
0xca: {  	_ =	swait.ge [sflag:s24], $0x4000  }
0xcb: {  	[sflag:s24] =	ssyncset.done $0x0  }
0xcc: {  	[sflag:s24] =	ssyncadd.s32 $0xFFFFC000  }
0xcd: {  	p1 =	slt.u32 @!p0 s14, $0x8;
	_ =	swait.ge [sflag:s20], $0x4000  }
0xce: {  	p1 =	por p0, !p1;
	[sflag:s20] =	ssyncset.done $0x0  }
.Ltmp0:
0xcf: {  	[sflag:s20] =	ssyncadd.s32 $0xFFFFC000;
	(pc) =	sbr.rel @!p1 .LBB2_2-.Ltmp0, $4  }
0xd0: {  	[spmem:s3] =	stream.indirect.scatter.add.f32 [tilespmem:s26], [sflag:$0x2], $0x80, s29, s23, $0xb8;
	[tilespmem:$0x1D000] =	vst v63  }
0xd1: {  	_ =	swait.ge [sflag:s20], $0x4000  }
0xd2: {  	s14 =	sadd.s32 $0x1, s14;
	[sflag:s20] =	ssyncset.done $0x0  }
0xd3: {  	s12 =	sadd.s32 $0x100, s12;
	s13 =	sadd.s32 $0x100, s13;
	[sflag:s20] =	ssyncadd.s32 $0xFFFFC000  }
0xd4: {  	[bflag:$0x0] =	sbarrier.arrive $0xFFFF  }
0xd5: {  	s8 =	rddreg [dreg:$0x5]  }
0xd6: {  	[tilespmem:s4], [sflag:$0x1] =	stream.linear.gather [spmem:s8], $0x4000, $0x38;
	[tilespmem:$0x1D000] =	vst v63  }
0xd7: {  	_ =	swait.ge [sflag:s24], $0x4000  }
0xd8: {  	[sflag:s24] =	ssyncset.done $0x0  }
0xd9: {  	s9 =	rddreg [dreg:$0x6];
	[sflag:s24] =	ssyncadd.s32 $0xFFFFC000  }
0xda: {  	[tilespmem:s26], [sflag:$0x1] =	stream.linear.gather [spmem:s9], $0x4000, $0x38;
	[tilespmem:$0x1D000] =	vst v63  }
0xdb: {  	s12 =	rddreg [dreg:$0xa]  }
0xdc: {  	[hbm4b:s12+s4] =	stream.linear.scatter [tilespmem:s4], [sflag:$0x2], $0x4000, $0x38;
	[tilespmem:$0x1D000] =	vst v63  }
0xdd: {  	_ =	swait.ge [sflag:s24], $0x4000  }
0xde: {  	[sflag:s24] =	ssyncset.done $0x0  }
0xdf: {  	[sflag:s24] =	ssyncadd.s32 $0xFFFFC000  }
0xe0: {  	_ =	swait.ge [sflag:s20], $0x4000  }
0xe1: {  	[sflag:s20] =	ssyncset.done $0x0  }
0xe2: {  	s10 =	rddreg [dreg:$0x7];
	[sflag:s20] =	ssyncadd.s32 $0xFFFFC000  }
0xe3: {  	[tilespmem:s4], [sflag:$0x1] =	stream.linear.gather [spmem:s10], $0x4000, $0x38;
	[tilespmem:$0x1D000] =	vst v63  }
0xe4: {  	s13 =	rddreg [dreg:$0xb]  }
0xe5: {  	[hbm4b:s13+s4] =	stream.linear.scatter [tilespmem:s26], [sflag:$0x2], $0x4000, $0x38;
	[tilespmem:$0x1D000] =	vst v63  }
0xe6: {  	_ =	swait.ge [sflag:s24], $0x4000  }
0xe7: {  	[sflag:s24] =	ssyncset.done $0x0  }
0xe8: {  	[sflag:s24] =	ssyncadd.s32 $0xFFFFC000  }
0xe9: {  	_ =	swait.ge [sflag:s20], $0x4000  }
0xea: {  	[sflag:s20] =	ssyncset.done $0x0  }
0xeb: {  	s13 =	rddreg [dreg:$0x8];
	[sflag:s20] =	ssyncadd.s32 $0xFFFFC000  }
0xec: {  	[tilespmem:s26], [sflag:$0x1] =	stream.linear.gather [spmem:s13], $0x4000, $0x38;
	[tilespmem:$0x1D000] =	vst v63  }
0xed: {  	s14 =	rddreg [dreg:$0xc]  }
0xee: {  	[hbm4b:s14+s4] =	stream.linear.scatter [tilespmem:s4], [sflag:$0x2], $0x4000, $0x38;
	[tilespmem:$0x1D000] =	vst v63  }
0xef: {  	_ =	swait.ge [sflag:s24], $0x4000  }
0xf0: {  	[sflag:s24] =	ssyncset.done $0x0  }
0xf1: {  	[sflag:s24] =	ssyncadd.s32 $0xFFFFC000  }
0xf2: {  	_ =	swait.ge [sflag:s20], $0x4000  }
0xf3: {  	[sflag:s20] =	ssyncset.done $0x0  }
0xf4: {  	s14 =	rddreg [dreg:$0x9];
	[sflag:s20] =	ssyncadd.s32 $0xFFFFC000  }
0xf5: {  	[tilespmem:s4], [sflag:$0x1] =	stream.linear.gather [spmem:s14], $0x4000, $0x38;
	[tilespmem:$0x1D000] =	vst v63  }
0xf6: {  	s30 =	rddreg [dreg:$0xd]  }
0xf7: {  	[hbm4b:s30+s4] =	stream.linear.scatter [tilespmem:s26], [sflag:$0x2], $0x4000, $0x38;
	[tilespmem:$0x1D000] =	vst v63  }
0xf8: {  	_ =	swait.ge [sflag:s24], $0x4000  }
0xf9: {  	[sflag:s24] =	ssyncset.done $0x0  }
0xfa: {  	s0 =	rddreg [dreg:$0xe];
	[sflag:s24] =	ssyncadd.s32 $0xFFFFC000  }
0xfb: {  	[hbm4b:s0+s4] =	stream.linear.scatter [tilespmem:s4], [sflag:$0x2], $0x4000, $0x38;
	[tilespmem:$0x1D000] =	vst v63  }
0xfc: {  	_ =	swait.ge [sflag:s20], $0x4000  }
0xfd: {  	[sflag:s20] =	ssyncset.done $0x0  }
0xfe: {  	[sflag:s20] =	ssyncadd.s32 $0xFFFFC000  }
0xff: {  	_ =	swait.ge [sflag:s20], $0x4000  }
0x100: {  	s0 =	rddreg [dreg:$0x12]  }
0x101: {  	s30 =	rddreg [dreg:$0xf];
	s0 =	sadd.s32 $0x1, s0  }
0x102: {  	p1 =	sne.s32 s0, s30  }
.Ltmp1:
0x103: {  	_ = 	snop;
	(pc) =	sbr.rel @p1 .LBB2_1-.Ltmp1, $3  }
0x104: {  	_ =	sdelay $0x1  }
0x105: {  	[sflag:s20] =	ssyncset.done $0x0  }
0x106: {  	[sflag:s20] =	ssyncadd.s32 $0xFFFFC000  }
0x107: {  	_ =	sfence.sel $0x180000  }
0x108: {  	[bflag:$0x0] =	sbarrier.arrive $0xFFFF  }
0x109: {  	_ =	strace $0x90000047  }
0x10a: {  	s0 =	stileid.u32;
	[bflag:$0x2] =	sbarrier.arrive $0xFFFF  }
0x10b: {  	p0 =	sne.s32 s0, $0x0;
	s0 =	rddreg [dreg:$0x3]  }
0x10c: {  	s0 =	sadd.s32 @!p0 $0x100000, s0  }
0x10d: {  	[sflag:s0] =	ssyncadd.tile.s32 @!p0 $0x1;
	_ =	shalt  }
.Lfunc_end2:
_tile_overlayer_lowered:
.L_overlay_start_2:
0x10e: {  	(tag) =	ssettag $0x2  }
0x10f: {  	s0 =	rddreg [dreg:$0x0];
	s2 =	stileid.u32  }
0x110: {  	s1 =	rddreg [dreg:$0x1];
	p0 =	sne.s32 s2, $0x0  }
0x111: {  	s3 =	rddreg [dreg:$0x2];
	[bflag:$0x3] =	sbarrier.arrive $0xFFFF;
	s2 =	simm.s32 @!p0 $0x1C03  }
0x112: {  	[timem:s3], [sflag:s2] =	dma.local @!p0 [hbm:s0], s1  }
0x113: {  	s0 =	simm.s32 @!p0 $0x3  }
0x114: {  	_ =	swait.ge @!p0 [sflag:s0], s1  }
0x115: {  	s1 =	ssub.s32 @!p0 $0x0, s1;
	[sflag:s0] =	ssyncset.done @!p0 $0x0  }
0x116: {  	[sflag:s0] =	ssyncadd.s32 @!p0 s1  }
0x117: {  	[bflag:$0x3] =	sbarrier.arrive $0xFFFF  }
0x118: {  	_ =	shalt  }

// kernel: kernel.18.cloned.1.call-start
scs
__scs_entry_jumppad:
0x0: {  	(pc) =	sbr.rel $0x88, $3  }
0x1: {  	(tag) =	ssettag $0x0;
	lr =	simm.s32 $0x1  }
0x2: {  	[smem:$0x3F7B] =	sst lr;
	_ =	strace $0xD0000000  }
0x3: {  	_ = 	snop  }
0x4: {  	_ = 	snop  }
0x5: {  	_ = 	snop  }
0x6: {  	_ = 	snop  }
0x7: {  	_ = 	snop  }
__scs_overlays_trampoline_lowered:
0x8: {  	[smem:$0x3F8A] =	sst s0  }
0x9: {  	[smem:$0x3F8B] =	sst s1  }
0xa: {  	[smem:$0x3F8C] =	sst s2  }
0xb: {  	[smem:$0x3F8D] =	sst s3  }
0xc: {  	[smem:$0x3F8E] =	sst s4  }
0xd: {  	[smem:$0x3F8F] =	sst s5  }
0xe: {  	[smem:$0x3F90] =	sst s6  }
0xf: {  	[smem:$0x3F91] =	sst s7  }
0x10: {  	[smem:$0x3F92] =	sst s8  }
0x11: {  	[smem:$0x3F93] =	sst s9;
	s0 =	simm.s32 @!p0 $0x0  }
0x12: {  	s1 =	sld [smem:$0x3F79];
	s0 =	simm.s32 @p0 $0x1  }
0x13: {  	[smem:$0x3F94] =	sst s0;
	s0 =	simm.s32 @!p1 $0x0  }
0x14: {  	s2 =	sld [smem:$0x3F78];
	s0 =	simm.s32 @p1 $0x1  }
0x15: {  	[smem:$0x3F95] =	sst s0;
	s0 =	simm.s32 @!p2 $0x0  }
0x16: {  	s3 =	sld [smem:$0x3FDB];
	s0 =	simm.s32 @p2 $0x1  }
0x17: {  	s4 =	simm.s32 $0x1BF5;
	[smem:$0x3F97] =	sst s0  }
0x18: {  	s0 =	sld [smem:$0x3F7A];
	_ =	swait.ge [sflag:s4], $0x0  }
0x19: {  	s7 =	sld [smem:$0x3F7B]  }
0x1a: {  	s8 =	sadd.s32 $0xFFFFE003, lr  }
0x1b: {  	s9 =	sadd.s32 $0xFFFFFEF7, lr;
	s5 =	simm.s32 $0xFFFFFFFF;
	p2 =	slt.u32 s8, $0xFFFFF086  }
0x1c: {  	p1 =	slt.u32 s9, $0xF7A;
	s5 =	simm.s32 @!p2 $0x0  }
0x1d: {  	s5 =	simm.s32 @p1 $0x1;
	p0 =	seq.s32 s7, s2  }
0x1e: {  	s7 =	smul.u32 @!p0 $0xF7A, s2;
	p2 =	seq.s32 @!p0 s5, $0x0  }
0x1f: {  	s9 =	smul.u32 $0xF7A, s1;
	s8 =	simm.s32 @!p0 $0x1BF5;
	p2 =	por !p2, p0  }
0x20: {  	[sflag:s8] =	ssyncset.s32 @!p0 $0xFFFFF086;
	s6 =	sadd.s32 @!p0 s3, s7;
	s7 =	simm.s32 @!p0 $0x108  }
0x21: {  	s3 =	sadd.s32 s3, s9;
	s6 =	sadd.s32 @!p0 $0x88, s6;
	s7 =	simm.s32 @p2 $0x1082  }
0x22: {  	[simem:s7], [sflag:s8] =	dma.local @!p0 [hbm:s6], $0xF7A  }
0x23: {  	s9 =	sor.u32 $0xD0000000, s2;
	s6 =	simm.s32 $0x108;
	_ =	swait.ge @!p0 [sflag:s8], $0x0  }
0x24: {  	s3 =	sadd.s32 $0x88, s3;
	s6 =	simm.s32 @!p1 $0x1082;
	[sflag:s4] =	ssyncset.s32 $0xFFFFF086  }
0x25: {  	[simem:s6], [sflag:s4] =	dma.local [hbm:s3], $0xF7A  }
0x26: {  	[smem:$0x3F7B] =	sst s1;
	(tag) =	ssettag s2;
	_ =	strace s9  }
0x27: {  	s1 =	sld [smem:$0x3F8B]  }
0x28: {  	s2 =	sld [smem:$0x3F8C]  }
0x29: {  	s4 =	sld [smem:$0x3F8E]  }
0x2a: {  	p0 =	seq.s32 s5, $0x0;
	s5 =	sld [smem:$0x3F8F]  }
0x2b: {  	s6 =	sld [smem:$0x3F90]  }
0x2c: {  	s7 =	sld [smem:$0x3F91]  }
0x2d: {  	s3 =	simm.s32 $0x108;
	s8 =	sld [smem:$0x3F92]  }
0x2e: {  	s3 =	simm.s32 @!p0 $0x1082;
	s9 =	sld [smem:$0x3F93]  }
0x2f: {  	lr =	sadd.s32 s0, s3;
	s0 =	sld [smem:$0x3F8A]  }
0x30: {  	s3 =	sld [smem:$0x3F8D]  }
0x31: {  	[smem:$0x3F96] =	sst s10  }
0x32: {  	s10 =	sld [smem:$0x3F94];
	_ =	sdelay $0x3  }
0x33: {  	p0 =	seq.s32 s10, $0x1;
	s10 =	sld [smem:$0x3F96];
	_ =	sdelay $0x3  }
0x34: {  	[smem:$0x3F96] =	sst s10  }
0x35: {  	s10 =	sld [smem:$0x3F95];
	_ =	sdelay $0x3  }
0x36: {  	p1 =	seq.s32 s10, $0x1;
	s10 =	sld [smem:$0x3F96];
	_ =	sdelay $0x3  }
0x37: {  	[smem:$0x3F96] =	sst s10  }
0x38: {  	s10 =	sld [smem:$0x3F97]  }
0x39: {  	_ = 	snop;
	(pc) =	sbr.ind lr, $3  }
0x3a: {  	_ = 	snop  }
0x3b: {  	_ = 	snop  }
0x3c: {  	p2 =	seq.s32 s10, $0x1;
	s10 =	sld [smem:$0x3F96]  }
0x3d: {  	_ =	shalt  }
0x3e: {  	_ =	shalt  }
0x3f: {  	_ =	shalt  }
0x40: {  	_ =	shalt  }
0x41: {  	_ =	shalt  }
0x42: {  	_ =	shalt  }
0x43: {  	_ =	shalt  }
0x44: {  	_ =	shalt  }
0x45: {  	_ =	shalt  }
0x46: {  	_ =	shalt  }
0x47: {  	_ =	shalt  }
0x48: {  	_ =	shalt  }
0x49: {  	_ =	shalt  }
0x4a: {  	_ =	shalt  }
0x4b: {  	_ =	shalt  }
0x4c: {  	_ =	shalt  }
0x4d: {  	_ =	shalt  }
0x4e: {  	_ =	shalt  }
0x4f: {  	_ =	shalt  }
0x50: {  	_ =	shalt  }
0x51: {  	_ =	shalt  }
0x52: {  	_ =	shalt  }
0x53: {  	_ =	shalt  }
0x54: {  	_ =	shalt  }
0x55: {  	_ =	shalt  }
0x56: {  	_ =	shalt  }
0x57: {  	_ =	shalt  }
0x58: {  	_ =	shalt  }
0x59: {  	_ =	shalt  }
0x5a: {  	_ =	shalt  }
0x5b: {  	_ =	shalt  }
0x5c: {  	_ =	shalt  }
0x5d: {  	_ =	shalt  }
0x5e: {  	_ =	shalt  }
0x5f: {  	_ =	shalt  }
0x60: {  	_ =	shalt  }
0x61: {  	_ =	shalt  }
0x62: {  	_ =	shalt  }
0x63: {  	_ =	shalt  }
0x64: {  	_ =	shalt  }
0x65: {  	_ =	shalt  }
0x66: {  	_ =	shalt  }
0x67: {  	_ =	shalt  }
0x68: {  	_ =	shalt  }
0x69: {  	_ =	shalt  }
0x6a: {  	_ =	shalt  }
0x6b: {  	_ =	shalt  }
0x6c: {  	_ =	shalt  }
0x6d: {  	_ =	shalt  }
0x6e: {  	_ =	shalt  }
0x6f: {  	_ =	shalt  }
0x70: {  	_ =	shalt  }
0x71: {  	_ =	shalt  }
0x72: {  	_ =	shalt  }
0x73: {  	_ =	shalt  }
0x74: {  	_ =	shalt  }
0x75: {  	_ =	shalt  }
0x76: {  	_ =	shalt  }
0x77: {  	_ =	shalt  }
0x78: {  	_ =	shalt  }
0x79: {  	_ =	shalt  }
0x7a: {  	_ =	shalt  }
0x7b: {  	_ =	shalt  }
0x7c: {  	_ =	shalt  }
0x7d: {  	_ =	shalt  }
0x7e: {  	_ =	shalt  }
0x7f: {  	_ =	shalt  }
0x80: {  	_ =	shalt  }
0x81: {  	_ =	shalt  }
0x82: {  	_ =	shalt  }
0x83: {  	_ =	shalt  }
0x84: {  	_ =	shalt  }
0x85: {  	_ =	shalt  }
0x86: {  	_ =	shalt  }
0x87: {  	_ =	shalt  }
.Lfunc_end0:
.L_simem_size_0:
called_computation.1_lowered:
.L_overlay_start_0:
0x88: {  	s2 =	sld [smem:$0x3FD9]  }
0x89: {  	s3 =	sld [smem:$0x3FFE];
	_ =	sdelay $0x1  }
0x8a: {  	s1 =	srdreg.scid  }
0x8b: {  	s0 =	sand.u32 $0x1, s1  }
0x8c: {  	s16 =	sshll.u32 s0, $0xA;
	s2 =	sadd.s32 s3, s2  }
0x8d: {  	s2 =	sadd.s32 s2, s16  }
0x8e: {  	[smem:$0x3FA2] =	sst s2  }
0x8f: {  	_ = 	snop  }
0x90: {  	(tm) =	ssettm $0x1  }
0x91: {  	s17 =	sld [smem:$0x3FFB];
	_ =	sdelay $0x3  }
0x92: {  	_ =	strace s17  }
0x93: {  	s2 =	sld [smem:$0x3FFC];
	_ =	sdelay $0x3  }
0x94: {  	_ =	strace s2  }
0x95: {  	s2 =	sld [smem:$0x3FFD];
	_ =	sdelay $0x3  }
0x96: {  	_ =	strace s2  }
0x97: {  	_ =	strace $0x8FFFFFFF  }
0x98: {  	s18 =	sld [smem:$0x3FDB];
	_ =	sdelay $0x1  }
0x99: {  	s19 =	simm.s32 $_scs_section_size  }
0x9a: {  	s4 =	simm.s32 $_size__tile_overlayer_lowered;
	s5 =	simm.s32 $_tile_overlayer_lowered  }
0x9b: {  	s22 =	simm.s32 $0x1BFF;
	s21 =	sshll.u32 s5, $0x1;
	s2 =	sadd.s32 s19, s18  }
0x9c: {  	s6 =	simm.s32 $0x0;
	s20 =	sshll.u32 s4, $0x1;
	s4 =	sadd.s32 s21, s2  }
0x9d: {  	[timem:s6], [sflag:s22] =	dma.local [hbm:s4], s20  }
0x9e: {  	_ =	swait.ge [sflag:s22], s20  }
0x9f: {  	s3 =	ssub.s32 $0x0, s20;
	[sflag:s22] =	ssyncset.done $0x0  }
0xa0: {  	[sflag:s22] =	ssyncadd.s32 s3;
	_ =	sdelay $0x1  }
0xa1: {  	s23 =	simm.s32 $0x1B8B  }
0xa2: {  	_ =	swait.ge [sflag:s23], $0x1  }
0xa3: {  	[sflag:s23] =	ssyncset.done $0x0  }
0xa4: {  	s25 =	simm.s32 $0x1B8E;
	s24 =	sld [smem:$0x3FFE];
	[sflag:s23] =	ssyncadd.s32 $0xFFFFFFFF  }
0xa5: {  	s26 =	simm.s32 $execute0_lowered;
	[smem:$0x3FD2] =	sst s25  }
0xa6: {  	s4 =	sshll.u32 s26, $0x1;
	_ =	strace $0x80000049;
	[dreg:$0x1] =	wrdreg $0xFFFFFFFF  }
0xa7: {  	s28 =	simm.s32 $_size_execute0_lowered;
	s2 =	sadd.s32 s2, s4;
	[dreg:$0x0] =	wrdreg $0x0  }
0xa8: {  	s4 =	sshll.u32 s28, $0x1;
	[dreg:$0x2] =	wrdreg s2  }
0xa9: {  	[dreg:$0x3] =	wrdreg s4  }
0xaa: {  	[dreg:$0x4] =	wrdreg $0xC0  }
0xab: {  	_ =	task [dreg:s6], $0x5FFFF  }
0xac: {  	[dreg:$0x1] =	wrdreg $0xFFFFFFFF  }
0xad: {  	[dreg:$0x0] =	wrdreg $0x60  }
0xae: {  	[dreg:$0x2] =	wrdreg s24  }
0xaf: {  	[dreg:$0x3] =	wrdreg $0x90000  }
0xb0: {  	[dreg:$0x4] =	wrdreg $0x9  }
0xb1: {  	_ =	task.clear_ibuf [dreg:s6], $0x5FFFF;
	_ =	strace $0x90000049  }
0xb2: {  	s29 =	simm.s32 $0x9;
	_ =	strace $0x8000004B  }
0xb3: {  	_ =	swait.ge [sflag:s29], $0x1  }
0xb4: {  	[sflag:s29] =	ssyncadd.s32 $0xFFFFFFFF  }
0xb5: {  	_ =	strace $0x9000004B  }
0xb6: {  	_ =	sfence  }
0xb7: {  	s30 =	sld [smem:$0x0];
	_ =	sdelay $0x2  }
0xb8: {  	s31 =	sshll.u32 s1, $0xD;
	s1 =	sshrl.u32 s1, $0x2  }
0xb9: {  	s3 =	sand.u32 $0x4000, s31;
	s1 =	sadd.s32 s1, s30  }
0xba: {  	s0 =	sor.u32 s3, s0;
	s1 =	sshll.u32 s1, $0x11  }
0xbb: {  	s0 =	sor.u32 s1, s0  }
0xbc: {  	s0 =	sadd.s32 $0x8F2B, s0  }
0xbd: {  	[sflag:s0] =	ssyncadd.remote.s32 $0x1  }
0xbe: {  	_ =	sfence.sel $0xFFFF  }
0xbf: {  	[dreg:$0x0] =	wrdreg $0xFFFFFFFF;
	(pc) =	sbr.abs _section_cstart, $3  }
0xc0: {  	[dreg:$0x1] =	wrdreg $0xFFFFFFFF  }
0xc1: {  	_ =	task.clear_ibuf [dreg:s6], $0x2FFFF;
	_ =	strace $0x9FFFFFFF  }
0xc2: {  	(tm) =	ssettm $0x7FFFFFFF  }
0xc3: {  	_ =	shalt  }
tec
execute0_lowered:
.L_overlay_start_1:
0x0: {  	(tag) =	ssettag $0x1  }
0x1: {  	s0 =	rddreg [dreg:$0x0]  }
0x2: {  	s2 =	rddreg [dreg:$0x1];
	s3 =	simm.s32 $0x0;
	s1 =	srdreg.scid  }
0x3: {  	s8 =	stileid.u32;
	s31 =	simm.s32 $0x8400;
	s11 =	simm.s32 $0x8500  }
0x4: {  	s15 =	simm.s32 $0x8C80;
	s16 =	simm.s32 $0x8580;
	s17 =	simm.s32 $0x8D00  }
0x5: {  	s28 =	simm.s32 $0x8F00;
	s29 =	simm.s32 $0x8F80;
	s4 =	smul.u32 $0x90, s8  }
0x6: {  	s1 =	sand.u32 $0x1, s1;
	s5 =	sshll.u32 s8, $0x4;
	s6 =	smul.u32 $0x280, s8  }
0x7: {  	[smem:$0x7FF] =	sst s3;
	s8 =	smul.u32 $0x50000, s8;
	s9 =	sadd.s32 $0x1AC00, s0  }
0x8: {  	p0 =	seq.s32 s1, $0x0;
	s5 =	sor.u32 $0x900, s5;
	_ =	strace $0x8000004A  }
0x9: {  	s7 =	smul.u32 $0x2800, s1;
	[dreg:$0x3] =	wrdreg s9;
	s18 =	ssub.s32 $0x2, s1  }
0xa: {  	s5 =	smov.u32 @p0 s4;
	s4 =	sadd.s32 $0x1B400, s0;
	s19 =	sshrl.u32 s18, $0x1  }
0xb: {  	s8 =	sshrl.u32 s8, $0x2;
	p0 =	sne.s32 s1, $0x0;
	s1 =	simm.s32 $0x8480  }
0xc: {  	s5 =	sshll.u32 s5, $0x4;
	s20 =	ssub.s32 s18, s19;
	s8 =	sadd.s32 s8, s2  }
0xd: {  	s6 =	sadd.s32 s6, s7;
	s25 =	smax.u32 s20, $0x1;
	[dreg:$0x4] =	wrdreg s8  }
0xe: {  	s19 =	simm.s32 $0x3;
	s9 =	sadd.s32 $0x4000, s8;
	[dreg:$0xe] =	wrdreg s25  }
0xf: {  	s18 =	simm.s32 $0x8600;
	s10 =	sadd.s32 $0x8000, s8;
	[dreg:$0x5] =	wrdreg s9  }
0x10: {  	s7 =	simm.s32 $0x8D80;
	s13 =	sadd.s32 $0xC000, s8;
	[dreg:$0x6] =	wrdreg s10  }
0x11: {  	s5 =	sadd.s32 s5, s0;
	s14 =	sadd.s32 $0x10000, s8;
	[dreg:$0x7] =	wrdreg s13  }
0x12: {  	s6 =	sshll.u32 s6, $0x4;
	s26 =	sadd.s32 $0x6C00, s5;
	[dreg:$0x8] =	wrdreg s14  }
0x13: {  	s0 =	sadd.s32 s6, s0;
	s30 =	sadd.s32 $0x10C00, s5;
	[dreg:$0xf] =	wrdreg s26  }
0x14: {  	s20 =	simm.s32 $0x2;
	s21 =	sadd.s32 $0x42600, s0;
	[dreg:$0x10] =	wrdreg s30  }
0x15: {  	s5 =	simm.s32 $0x8C00;
	s22 =	sadd.s32 $0x42E00, s0;
	[dreg:$0x9] =	wrdreg s21  }
0x16: {  	s6 =	simm.s32 $0x8E80;
	s23 =	sadd.s32 $0x43600, s0;
	[dreg:$0xa] =	wrdreg s22  }
0x17: {  	s25 =	simm.s32 $0x8780;
	s24 =	sadd.s32 $0x43E00, s0;
	[dreg:$0xb] =	wrdreg s23  }
0x18: {  	s0 =	sadd.s32 $0x44600, s0;
	s26 =	simm.s32 $0x4000;
	[dreg:$0xc] =	wrdreg s24  }
0x19: {  	[dreg:$0xd] =	wrdreg s0;
	s21 =	simm.s32 $0x8000;
	s22 =	simm.s32 $0x8800  }
0x1a: {  	s23 =	simm.s32 $0x80;
	s24 =	simm.s32 $0x1;
	s0 =	simm.s32 $0x0  }
.LBB2_1:
0x1b: {  	[dreg:$0x11] =	wrdreg s0  }
0x1c: {  	s12 =	rddreg [dreg:$0x3]  }
0x1d: {  	[tilespmem:s3], [sflag:$0x3] =	stream.linear.gather [hbm4b:s12+s3], $0x4000, $0x38;
	[tilespmem:$0x1D000] =	vst v63  }
0x1e: {  	_ =	swait.ge [sflag:s19], $0x4000  }
0x1f: {  	[sflag:s19] =	ssyncset.done $0x0  }
0x20: {  	[sflag:s19] =	ssyncadd.s32 $0xFFFFC000  }
0x21: {  	[spmem:s8] =	stream.linear.scatter [tilespmem:s3], [sflag:$0x2], $0x4000, $0x38;
	[tilespmem:$0x1D000] =	vst v63  }
0x22: {  	_ = 	snop  }
0x23: {  	[spmem:s9] =	stream.linear.scatter [tilespmem:s3], [sflag:$0x2], $0x4000, $0x38;
	[tilespmem:$0x1D000] =	vst v63  }
0x24: {  	_ = 	snop  }
0x25: {  	[spmem:s10] =	stream.linear.scatter [tilespmem:s3], [sflag:$0x2], $0x4000, $0x38;
	[tilespmem:$0x1D000] =	vst v63  }
0x26: {  	_ = 	snop  }
0x27: {  	[spmem:s13] =	stream.linear.scatter [tilespmem:s3], [sflag:$0x2], $0x4000, $0x38;
	[tilespmem:$0x1D000] =	vst v63  }
0x28: {  	s30 =	smov.u32 s14  }
0x29: {  	[spmem:s30] =	stream.linear.scatter [tilespmem:s3], [sflag:$0x2], $0x4000, $0x38;
	[tilespmem:$0x1D000] =	vst v63  }
0x2a: {  	_ =	swait.ge [sflag:s20], $0x4000  }
0x2b: {  	[sflag:s20] =	ssyncset.done $0x0  }
0x2c: {  	[sflag:s20] =	ssyncadd.s32 $0xFFFFC000  }
0x2d: {  	_ =	swait.ge [sflag:s20], $0x4000  }
0x2e: {  	[sflag:s20] =	ssyncset.done $0x0  }
0x2f: {  	[sflag:s20] =	ssyncadd.s32 $0xFFFFC000  }
0x30: {  	_ =	swait.ge [sflag:s20], $0x4000  }
0x31: {  	[sflag:s20] =	ssyncset.done $0x0  }
0x32: {  	[sflag:s20] =	ssyncadd.s32 $0xFFFFC000  }
0x33: {  	_ =	swait.ge [sflag:s20], $0x4000  }
0x34: {  	[sflag:s20] =	ssyncset.done $0x0  }
0x35: {  	[sflag:s20] =	ssyncadd.s32 $0xFFFFC000  }
0x36: {  	_ =	swait.ge [sflag:s20], $0x4000  }
0x37: {  	[sflag:s20] =	ssyncset.done $0x0  }
0x38: {  	[sflag:s20] =	ssyncadd.s32 $0xFFFFC000  }
0x39: {  	s14 =	simm.s32 $0x0;
	[bflag:$0x0] =	sbarrier.arrive $0xFFFF  }
0x3a: {  	s0 =	simm.s32 $0x8B80;
	s8 =	simm.s32 $0x8680;
	s12 =	rddreg [dreg:$0x10]  }
0x3b: {  	s9 =	simm.s32 $0x8E00;
	s10 =	simm.s32 $0x8700;
	s13 =	rddreg [dreg:$0xf]  }
.LBB2_2:
0x3c: {  	[tilespmem:s21], [sflag:$0x3] =	stream.linear.gather [hbm4b:s12+s3], $0x800, $0x38;
	[tilespmem:$0x1D000] =	vst v63  }
0x3d: {  	_ =	swait.ge [sflag:s19], $0x800  }
0x3e: {  	[sflag:s19] =	ssyncset.done $0x0  }
0x3f: {  	[sflag:s19] =	ssyncadd.s32 $0xFFFFF800  }
0x40: {  	[tilespmem:s22], [sflag:$0x3] =	stream.linear.gather [hbm4b:s13+s3], $0x800, $0x38;
	[tilespmem:$0x1D000] =	vst v63  }
0x41: {  	_ =	swait.ge [sflag:s19], $0x800  }
0x42: {  	[sflag:s19] =	ssyncset.done $0x0  }
0x43: {  	[sflag:s19] =	ssyncadd.s32 $0xFFFFF800  }
0x44: {  	[tilespmem:s3], [sflag:$0x1] =	stream.indirect.gather [hbm4b:s4+s23], $0x80, s21, s23, $0xb8;
	[tilespmem:$0x1D000] =	vst v63  }
0x45: {  	_ =	swait.ge [sflag:s24], $0x4000  }
0x46: {  	[sflag:s24] =	ssyncset.done $0x0  }
0x47: {  	s30 =	simm.s32 $0x8080;
	[sflag:s24] =	ssyncadd.s32 $0xFFFFC000  }
0x48: {  	[tilespmem:s26], [sflag:$0x1] =	stream.indirect.gather [hbm4b:s4+s23], $0x80, s30, s23, $0xb8;
	[tilespmem:$0x1D000] =	vst v63  }
0x49: {  	_ = 	snop  }
0x4a: {  	[spmem:s2] =	stream.indirect.scatter.add.f32 [tilespmem:s3], [sflag:$0x2], $0x80, s22, s23, $0xb8;
	[tilespmem:$0x1D000] =	vst v63  }
0x4b: {  	_ =	swait.ge [sflag:s24], $0x4000  }
0x4c: {  	[sflag:s24] =	ssyncset.done $0x0  }
0x4d: {  	[sflag:s24] =	ssyncadd.s32 $0xFFFFC000  }
0x4e: {  	_ =	swait.ge [sflag:s20], $0x4000  }
0x4f: {  	[sflag:s20] =	ssyncset.done $0x0  }
0x50: {  	s30 =	simm.s32 $0x8100;
	[sflag:s20] =	ssyncadd.s32 $0xFFFFC000  }
0x51: {  	[tilespmem:s3], [sflag:$0x1] =	stream.indirect.gather [hbm4b:s4+s23], $0x80, s30, s23, $0xb8;
	[tilespmem:$0x1D000] =	vst v63  }
0x52: {  	s30 =	simm.s32 $0x8880  }
0x53: {  	[spmem:s2] =	stream.indirect.scatter.add.f32 [tilespmem:s26], [sflag:$0x2], $0x80, s30, s23, $0xb8;
	[tilespmem:$0x1D000] =	vst v63  }
0x54: {  	_ =	swait.ge [sflag:s24], $0x4000  }
0x55: {  	[sflag:s24] =	ssyncset.done $0x0  }
0x56: {  	[sflag:s24] =	ssyncadd.s32 $0xFFFFC000  }
0x57: {  	_ =	swait.ge [sflag:s20], $0x4000  }
0x58: {  	[sflag:s20] =	ssyncset.done $0x0  }
0x59: {  	s30 =	simm.s32 $0x8180;
	[sflag:s20] =	ssyncadd.s32 $0xFFFFC000  }
0x5a: {  	[tilespmem:s26], [sflag:$0x1] =	stream.indirect.gather [hbm4b:s4+s23], $0x80, s30, s23, $0xb8;
	[tilespmem:$0x1D000] =	vst v63  }
0x5b: {  	s30 =	simm.s32 $0x8900  }
0x5c: {  	[spmem:s2] =	stream.indirect.scatter.add.f32 [tilespmem:s3], [sflag:$0x2], $0x80, s30, s23, $0xb8;
	[tilespmem:$0x1D000] =	vst v63  }
0x5d: {  	_ =	swait.ge [sflag:s24], $0x4000  }
0x5e: {  	[sflag:s24] =	ssyncset.done $0x0  }
0x5f: {  	[sflag:s24] =	ssyncadd.s32 $0xFFFFC000  }
0x60: {  	_ =	swait.ge [sflag:s20], $0x4000  }
0x61: {  	[sflag:s20] =	ssyncset.done $0x0  }
0x62: {  	s30 =	simm.s32 $0x8200;
	[sflag:s20] =	ssyncadd.s32 $0xFFFFC000  }
0x63: {  	[tilespmem:s3], [sflag:$0x1] =	stream.indirect.gather [hbm4b:s4+s23], $0x80, s30, s23, $0xb8;
	[tilespmem:$0x1D000] =	vst v63  }
0x64: {  	s30 =	simm.s32 $0x8980  }
0x65: {  	[spmem:s2] =	stream.indirect.scatter.add.f32 [tilespmem:s26], [sflag:$0x2], $0x80, s30, s23, $0xb8;
	[tilespmem:$0x1D000] =	vst v63  }
0x66: {  	_ =	swait.ge [sflag:s24], $0x4000  }
0x67: {  	[sflag:s24] =	ssyncset.done $0x0  }
0x68: {  	[sflag:s24] =	ssyncadd.s32 $0xFFFFC000  }
0x69: {  	_ =	swait.ge [sflag:s20], $0x4000  }
0x6a: {  	[sflag:s20] =	ssyncset.done $0x0  }
0x6b: {  	s30 =	simm.s32 $0x8280;
	[sflag:s20] =	ssyncadd.s32 $0xFFFFC000  }
0x6c: {  	[tilespmem:s26], [sflag:$0x1] =	stream.indirect.gather [hbm4b:s4+s23], $0x80, s30, s23, $0xb8;
	[tilespmem:$0x1D000] =	vst v63  }
0x6d: {  	s30 =	simm.s32 $0x8A00  }
0x6e: {  	[spmem:s2] =	stream.indirect.scatter.add.f32 [tilespmem:s3], [sflag:$0x2], $0x80, s30, s23, $0xb8;
	[tilespmem:$0x1D000] =	vst v63  }
0x6f: {  	_ =	swait.ge [sflag:s24], $0x4000  }
0x70: {  	[sflag:s24] =	ssyncset.done $0x0  }
0x71: {  	[sflag:s24] =	ssyncadd.s32 $0xFFFFC000  }
0x72: {  	_ =	swait.ge [sflag:s20], $0x4000  }
0x73: {  	[sflag:s20] =	ssyncset.done $0x0  }
0x74: {  	s30 =	simm.s32 $0x8300;
	[sflag:s20] =	ssyncadd.s32 $0xFFFFC000  }
0x75: {  	[tilespmem:s3], [sflag:$0x1] =	stream.indirect.gather [hbm4b:s4+s23], $0x80, s30, s23, $0xb8;
	[tilespmem:$0x1D000] =	vst v63  }
0x76: {  	s30 =	simm.s32 $0x8A80  }
0x77: {  	[spmem:s2] =	stream.indirect.scatter.add.f32 [tilespmem:s26], [sflag:$0x2], $0x80, s30, s23, $0xb8;
	[tilespmem:$0x1D000] =	vst v63  }
0x78: {  	_ =	swait.ge [sflag:s24], $0x4000  }
0x79: {  	[sflag:s24] =	ssyncset.done $0x0  }
0x7a: {  	[sflag:s24] =	ssyncadd.s32 $0xFFFFC000  }
0x7b: {  	_ =	swait.ge [sflag:s20], $0x4000  }
0x7c: {  	[sflag:s20] =	ssyncset.done $0x0  }
0x7d: {  	s30 =	simm.s32 $0x8380;
	[sflag:s20] =	ssyncadd.s32 $0xFFFFC000  }
0x7e: {  	[tilespmem:s26], [sflag:$0x1] =	stream.indirect.gather [hbm4b:s4+s23], $0x80, s30, s23, $0xb8;
	[tilespmem:$0x1D000] =	vst v63  }
0x7f: {  	s30 =	simm.s32 $0x8B00  }
0x80: {  	[spmem:s2] =	stream.indirect.scatter.add.f32 [tilespmem:s3], [sflag:$0x2], $0x80, s30, s23, $0xb8;
	[tilespmem:$0x1D000] =	vst v63  }
0x81: {  	_ =	swait.ge [sflag:s24], $0x4000  }
0x82: {  	[sflag:s24] =	ssyncset.done $0x0  }
0x83: {  	[sflag:s24] =	ssyncadd.s32 $0xFFFFC000  }
0x84: {  	_ =	swait.ge [sflag:s20], $0x4000  }
0x85: {  	[sflag:s20] =	ssyncset.done $0x0  }
0x86: {  	[sflag:s20] =	ssyncadd.s32 $0xFFFFC000  }
0x87: {  	[tilespmem:s3], [sflag:$0x1] =	stream.indirect.gather [hbm4b:s4+s23], $0x80, s31, s23, $0xb8;
	[tilespmem:$0x1D000] =	vst v63  }
0x88: {  	_ = 	snop  }
0x89: {  	[spmem:s2] =	stream.indirect.scatter.add.f32 [tilespmem:s26], [sflag:$0x2], $0x80, s0, s23, $0xb8;
	[tilespmem:$0x1D000] =	vst v63  }
0x8a: {  	_ =	swait.ge [sflag:s24], $0x4000  }
0x8b: {  	[sflag:s24] =	ssyncset.done $0x0  }
0x8c: {  	[sflag:s24] =	ssyncadd.s32 $0xFFFFC000  }
0x8d: {  	_ =	swait.ge [sflag:s20], $0x4000  }
0x8e: {  	[sflag:s20] =	ssyncset.done $0x0  }
0x8f: {  	[sflag:s20] =	ssyncadd.s32 $0xFFFFC000  }
0x90: {  	[tilespmem:s26], [sflag:$0x1] =	stream.indirect.gather [hbm4b:s4+s23], $0x80, s1, s23, $0xb8;
	[tilespmem:$0x1D000] =	vst v63  }
0x91: {  	_ = 	snop  }
0x92: {  	[spmem:s2] =	stream.indirect.scatter.add.f32 [tilespmem:s3], [sflag:$0x2], $0x80, s5, s23, $0xb8;
	[tilespmem:$0x1D000] =	vst v63  }
0x93: {  	_ =	swait.ge [sflag:s24], $0x4000  }
0x94: {  	[sflag:s24] =	ssyncset.done $0x0  }
0x95: {  	[sflag:s24] =	ssyncadd.s32 $0xFFFFC000  }
0x96: {  	_ =	swait.ge [sflag:s20], $0x4000  }
0x97: {  	[sflag:s20] =	ssyncset.done $0x0  }
0x98: {  	[sflag:s20] =	ssyncadd.s32 $0xFFFFC000  }
0x99: {  	[tilespmem:s3], [sflag:$0x1] =	stream.indirect.gather [hbm4b:s4+s23], $0x80, s11, s23, $0xb8;
	[tilespmem:$0x1D000] =	vst v63  }
0x9a: {  	_ = 	snop  }
0x9b: {  	[spmem:s2] =	stream.indirect.scatter.add.f32 [tilespmem:s26], [sflag:$0x2], $0x80, s15, s23, $0xb8;
	[tilespmem:$0x1D000] =	vst v63  }
0x9c: {  	_ =	swait.ge [sflag:s24], $0x4000  }
0x9d: {  	[sflag:s24] =	ssyncset.done $0x0  }
0x9e: {  	[sflag:s24] =	ssyncadd.s32 $0xFFFFC000  }
0x9f: {  	_ =	swait.ge [sflag:s20], $0x4000  }
0xa0: {  	[sflag:s20] =	ssyncset.done $0x0  }
0xa1: {  	[sflag:s20] =	ssyncadd.s32 $0xFFFFC000  }
0xa2: {  	[tilespmem:s26], [sflag:$0x1] =	stream.indirect.gather [hbm4b:s4+s23], $0x80, s16, s23, $0xb8;
	[tilespmem:$0x1D000] =	vst v63  }
0xa3: {  	_ = 	snop  }
0xa4: {  	[spmem:s2] =	stream.indirect.scatter.add.f32 [tilespmem:s3], [sflag:$0x2], $0x80, s17, s23, $0xb8;
	[tilespmem:$0x1D000] =	vst v63  }
0xa5: {  	_ =	swait.ge [sflag:s24], $0x4000  }
0xa6: {  	[sflag:s24] =	ssyncset.done $0x0  }
0xa7: {  	[sflag:s24] =	ssyncadd.s32 $0xFFFFC000  }
0xa8: {  	_ =	swait.ge [sflag:s20], $0x4000  }
0xa9: {  	[sflag:s20] =	ssyncset.done $0x0  }
0xaa: {  	[sflag:s20] =	ssyncadd.s32 $0xFFFFC000  }
0xab: {  	[tilespmem:s3], [sflag:$0x1] =	stream.indirect.gather [hbm4b:s4+s23], $0x80, s18, s23, $0xb8;
	[tilespmem:$0x1D000] =	vst v63  }
0xac: {  	_ = 	snop  }
0xad: {  	[spmem:s2] =	stream.indirect.scatter.add.f32 [tilespmem:s26], [sflag:$0x2], $0x80, s7, s23, $0xb8;
	[tilespmem:$0x1D000] =	vst v63  }
0xae: {  	_ =	swait.ge [sflag:s24], $0x4000  }
0xaf: {  	[sflag:s24] =	ssyncset.done $0x0  }
0xb0: {  	[sflag:s24] =	ssyncadd.s32 $0xFFFFC000  }
0xb1: {  	_ =	swait.ge [sflag:s20], $0x4000  }
0xb2: {  	[sflag:s20] =	ssyncset.done $0x0  }
0xb3: {  	[sflag:s20] =	ssyncadd.s32 $0xFFFFC000  }
0xb4: {  	[tilespmem:s26], [sflag:$0x1] =	stream.indirect.gather [hbm4b:s4+s23], $0x80, s8, s23, $0xb8;
	[tilespmem:$0x1D000] =	vst v63  }
0xb5: {  	_ = 	snop  }
0xb6: {  	[spmem:s2] =	stream.indirect.scatter.add.f32 [tilespmem:s3], [sflag:$0x2], $0x80, s9, s23, $0xb8;
	[tilespmem:$0x1D000] =	vst v63  }
0xb7: {  	_ =	swait.ge [sflag:s24], $0x4000  }
0xb8: {  	[sflag:s24] =	ssyncset.done $0x0  }
0xb9: {  	[sflag:s24] =	ssyncadd.s32 $0xFFFFC000  }
0xba: {  	_ =	swait.ge [sflag:s20], $0x4000  }
0xbb: {  	[sflag:s20] =	ssyncset.done $0x0  }
0xbc: {  	[sflag:s20] =	ssyncadd.s32 $0xFFFFC000  }
0xbd: {  	[tilespmem:s3], [sflag:$0x1] =	stream.indirect.gather [hbm4b:s4+s23], $0x80, s10, s23, $0xb8;
	[tilespmem:$0x1D000] =	vst v63  }
0xbe: {  	_ = 	snop  }
0xbf: {  	[spmem:s2] =	stream.indirect.scatter.add.f32 [tilespmem:s26], [sflag:$0x2], $0x80, s6, s23, $0xb8;
	[tilespmem:$0x1D000] =	vst v63  }
0xc0: {  	_ =	swait.ge [sflag:s24], $0x4000  }
0xc1: {  	[sflag:s24] =	ssyncset.done $0x0  }
0xc2: {  	[sflag:s24] =	ssyncadd.s32 $0xFFFFC000  }
0xc3: {  	_ =	swait.ge [sflag:s20], $0x4000  }
0xc4: {  	[sflag:s20] =	ssyncset.done $0x0  }
0xc5: {  	[sflag:s20] =	ssyncadd.s32 $0xFFFFC000  }
0xc6: {  	[tilespmem:s26], [sflag:$0x1] =	stream.indirect.gather [hbm4b:s4+s23], $0x80, s25, s23, $0xb8;
	[tilespmem:$0x1D000] =	vst v63  }
0xc7: {  	_ = 	snop  }
0xc8: {  	[spmem:s2] =	stream.indirect.scatter.add.f32 [tilespmem:s3], [sflag:$0x2], $0x80, s28, s23, $0xb8;
	[tilespmem:$0x1D000] =	vst v63  }
0xc9: {  	_ =	swait.ge [sflag:s24], $0x4000  }
0xca: {  	[sflag:s24] =	ssyncset.done $0x0  }
0xcb: {  	[sflag:s24] =	ssyncadd.s32 $0xFFFFC000  }
0xcc: {  	p1 =	slt.u32 @!p0 s14, $0x8;
	_ =	swait.ge [sflag:s20], $0x4000  }
0xcd: {  	p1 =	por p0, !p1;
	[sflag:s20] =	ssyncset.done $0x0  }
.Ltmp0:
0xce: {  	[sflag:s20] =	ssyncadd.s32 $0xFFFFC000;
	(pc) =	sbr.rel @!p1 .LBB2_2-.Ltmp0, $4  }
0xcf: {  	[spmem:s2] =	stream.indirect.scatter.add.f32 [tilespmem:s26], [sflag:$0x2], $0x80, s29, s23, $0xb8;
	[tilespmem:$0x1D000] =	vst v63  }
0xd0: {  	_ =	swait.ge [sflag:s20], $0x4000  }
0xd1: {  	s14 =	sadd.s32 $0x1, s14;
	[sflag:s20] =	ssyncset.done $0x0  }
0xd2: {  	s12 =	sadd.s32 $0x100, s12;
	s13 =	sadd.s32 $0x100, s13;
	[sflag:s20] =	ssyncadd.s32 $0xFFFFC000  }
0xd3: {  	[bflag:$0x0] =	sbarrier.arrive $0xFFFF  }
0xd4: {  	s8 =	rddreg [dreg:$0x4]  }
0xd5: {  	[tilespmem:s3], [sflag:$0x1] =	stream.linear.gather [spmem:s8], $0x4000, $0x38;
	[tilespmem:$0x1D000] =	vst v63  }
0xd6: {  	_ =	swait.ge [sflag:s24], $0x4000  }
0xd7: {  	[sflag:s24] =	ssyncset.done $0x0  }
0xd8: {  	s9 =	rddreg [dreg:$0x5];
	[sflag:s24] =	ssyncadd.s32 $0xFFFFC000  }
0xd9: {  	[tilespmem:s26], [sflag:$0x1] =	stream.linear.gather [spmem:s9], $0x4000, $0x38;
	[tilespmem:$0x1D000] =	vst v63  }
0xda: {  	s12 =	rddreg [dreg:$0x9]  }
0xdb: {  	[hbm4b:s12+s3] =	stream.linear.scatter [tilespmem:s3], [sflag:$0x2], $0x4000, $0x38;
	[tilespmem:$0x1D000] =	vst v63  }
0xdc: {  	_ =	swait.ge [sflag:s24], $0x4000  }
0xdd: {  	[sflag:s24] =	ssyncset.done $0x0  }
0xde: {  	[sflag:s24] =	ssyncadd.s32 $0xFFFFC000  }
0xdf: {  	_ =	swait.ge [sflag:s20], $0x4000  }
0xe0: {  	[sflag:s20] =	ssyncset.done $0x0  }
0xe1: {  	s10 =	rddreg [dreg:$0x6];
	[sflag:s20] =	ssyncadd.s32 $0xFFFFC000  }
0xe2: {  	[tilespmem:s3], [sflag:$0x1] =	stream.linear.gather [spmem:s10], $0x4000, $0x38;
	[tilespmem:$0x1D000] =	vst v63  }
0xe3: {  	s13 =	rddreg [dreg:$0xa]  }
0xe4: {  	[hbm4b:s13+s3] =	stream.linear.scatter [tilespmem:s26], [sflag:$0x2], $0x4000, $0x38;
	[tilespmem:$0x1D000] =	vst v63  }
0xe5: {  	_ =	swait.ge [sflag:s24], $0x4000  }
0xe6: {  	[sflag:s24] =	ssyncset.done $0x0  }
0xe7: {  	[sflag:s24] =	ssyncadd.s32 $0xFFFFC000  }
0xe8: {  	_ =	swait.ge [sflag:s20], $0x4000  }
0xe9: {  	[sflag:s20] =	ssyncset.done $0x0  }
0xea: {  	s13 =	rddreg [dreg:$0x7];
	[sflag:s20] =	ssyncadd.s32 $0xFFFFC000  }
0xeb: {  	[tilespmem:s26], [sflag:$0x1] =	stream.linear.gather [spmem:s13], $0x4000, $0x38;
	[tilespmem:$0x1D000] =	vst v63  }
0xec: {  	s14 =	rddreg [dreg:$0xb]  }
0xed: {  	[hbm4b:s14+s3] =	stream.linear.scatter [tilespmem:s3], [sflag:$0x2], $0x4000, $0x38;
	[tilespmem:$0x1D000] =	vst v63  }
0xee: {  	_ =	swait.ge [sflag:s24], $0x4000  }
0xef: {  	[sflag:s24] =	ssyncset.done $0x0  }
0xf0: {  	[sflag:s24] =	ssyncadd.s32 $0xFFFFC000  }
0xf1: {  	_ =	swait.ge [sflag:s20], $0x4000  }
0xf2: {  	[sflag:s20] =	ssyncset.done $0x0  }
0xf3: {  	s14 =	rddreg [dreg:$0x8];
	[sflag:s20] =	ssyncadd.s32 $0xFFFFC000  }
0xf4: {  	[tilespmem:s3], [sflag:$0x1] =	stream.linear.gather [spmem:s14], $0x4000, $0x38;
	[tilespmem:$0x1D000] =	vst v63  }
0xf5: {  	s30 =	rddreg [dreg:$0xc]  }
0xf6: {  	[hbm4b:s30+s3] =	stream.linear.scatter [tilespmem:s26], [sflag:$0x2], $0x4000, $0x38;
	[tilespmem:$0x1D000] =	vst v63  }
0xf7: {  	_ =	swait.ge [sflag:s24], $0x4000  }
0xf8: {  	[sflag:s24] =	ssyncset.done $0x0  }
0xf9: {  	s0 =	rddreg [dreg:$0xd];
	[sflag:s24] =	ssyncadd.s32 $0xFFFFC000  }
0xfa: {  	[hbm4b:s0+s3] =	stream.linear.scatter [tilespmem:s3], [sflag:$0x2], $0x4000, $0x38;
	[tilespmem:$0x1D000] =	vst v63  }
0xfb: {  	_ =	swait.ge [sflag:s20], $0x4000  }
0xfc: {  	[sflag:s20] =	ssyncset.done $0x0  }
0xfd: {  	[sflag:s20] =	ssyncadd.s32 $0xFFFFC000  }
0xfe: {  	_ =	swait.ge [sflag:s20], $0x4000  }
0xff: {  	s0 =	rddreg [dreg:$0x11]  }
0x100: {  	s30 =	rddreg [dreg:$0xe];
	s0 =	sadd.s32 $0x1, s0  }
0x101: {  	p1 =	sne.s32 s0, s30  }
.Ltmp1:
0x102: {  	_ = 	snop;
	(pc) =	sbr.rel @p1 .LBB2_1-.Ltmp1, $3  }
0x103: {  	_ =	sdelay $0x1  }
0x104: {  	[sflag:s20] =	ssyncset.done $0x0  }
0x105: {  	[sflag:s20] =	ssyncadd.s32 $0xFFFFC000  }
0x106: {  	_ =	sfence.sel $0x180000  }
0x107: {  	[bflag:$0x0] =	sbarrier.arrive $0xFFFF  }
0x108: {  	_ =	strace $0x9000004A  }
0x109: {  	s0 =	stileid.u32;
	[bflag:$0x2] =	sbarrier.arrive $0xFFFF  }
0x10a: {  	p0 =	sne.s32 s0, $0x0;
	s0 =	rddreg [dreg:$0x2]  }
0x10b: {  	s0 =	sadd.s32 @!p0 $0x100000, s0  }
0x10c: {  	[sflag:s0] =	ssyncadd.tile.s32 @!p0 $0x1;
	_ =	shalt  }
.Lfunc_end2:
_tile_overlayer_lowered:
.L_overlay_start_2:
0x10d: {  	(tag) =	ssettag $0x2  }
0x10e: {  	s0 =	rddreg [dreg:$0x0];
	s2 =	stileid.u32  }
0x10f: {  	s1 =	rddreg [dreg:$0x1];
	p0 =	sne.s32 s2, $0x0  }
0x110: {  	s3 =	rddreg [dreg:$0x2];
	[bflag:$0x3] =	sbarrier.arrive $0xFFFF;
	s2 =	simm.s32 @!p0 $0x1C03  }
0x111: {  	[timem:s3], [sflag:s2] =	dma.local @!p0 [hbm:s0], s1  }
0x112: {  	s0 =	simm.s32 @!p0 $0x3  }
0x113: {  	_ =	swait.ge @!p0 [sflag:s0], s1  }
0x114: {  	s1 =	ssub.s32 @!p0 $0x0, s1;
	[sflag:s0] =	ssyncset.done @!p0 $0x0  }
0x115: {  	[sflag:s0] =	ssyncadd.s32 @!p0 s1  }
0x116: {  	[bflag:$0x3] =	sbarrier.arrive $0xFFFF  }
0x117: {  	_ =	shalt  }

// kernel: kernel.21.cloned.1.call-start
scs
__scs_entry_jumppad:
0x0: {  	(pc) =	sbr.rel $0x88, $3  }
0x1: {  	(tag) =	ssettag $0x0;
	lr =	simm.s32 $0x1  }
0x2: {  	[smem:$0x3F7B] =	sst lr;
	_ =	strace $0xD0000000  }
0x3: {  	_ = 	snop  }
0x4: {  	_ = 	snop  }
0x5: {  	_ = 	snop  }
0x6: {  	_ = 	snop  }
0x7: {  	_ = 	snop  }
__scs_overlays_trampoline_lowered:
0x8: {  	[smem:$0x3F8A] =	sst s0  }
0x9: {  	[smem:$0x3F8B] =	sst s1  }
0xa: {  	[smem:$0x3F8C] =	sst s2  }
0xb: {  	[smem:$0x3F8D] =	sst s3  }
0xc: {  	[smem:$0x3F8E] =	sst s4  }
0xd: {  	[smem:$0x3F8F] =	sst s5  }
0xe: {  	[smem:$0x3F90] =	sst s6  }
0xf: {  	[smem:$0x3F91] =	sst s7  }
0x10: {  	[smem:$0x3F92] =	sst s8  }
0x11: {  	[smem:$0x3F93] =	sst s9;
	s0 =	simm.s32 @!p0 $0x0  }
0x12: {  	s1 =	sld [smem:$0x3F79];
	s0 =	simm.s32 @p0 $0x1  }
0x13: {  	[smem:$0x3F94] =	sst s0;
	s0 =	simm.s32 @!p1 $0x0  }
0x14: {  	s2 =	sld [smem:$0x3F78];
	s0 =	simm.s32 @p1 $0x1  }
0x15: {  	[smem:$0x3F95] =	sst s0;
	s0 =	simm.s32 @!p2 $0x0  }
0x16: {  	s3 =	sld [smem:$0x3FDB];
	s0 =	simm.s32 @p2 $0x1  }
0x17: {  	s4 =	simm.s32 $0x1BF5;
	[smem:$0x3F97] =	sst s0  }
0x18: {  	s0 =	sld [smem:$0x3F7A];
	_ =	swait.ge [sflag:s4], $0x0  }
0x19: {  	s7 =	sld [smem:$0x3F7B]  }
0x1a: {  	s8 =	sadd.s32 $0xFFFFE003, lr  }
0x1b: {  	s9 =	sadd.s32 $0xFFFFFEF7, lr;
	s5 =	simm.s32 $0xFFFFFFFF;
	p2 =	slt.u32 s8, $0xFFFFF086  }
0x1c: {  	p1 =	slt.u32 s9, $0xF7A;
	s5 =	simm.s32 @!p2 $0x0  }
0x1d: {  	s5 =	simm.s32 @p1 $0x1;
	p0 =	seq.s32 s7, s2  }
0x1e: {  	s7 =	smul.u32 @!p0 $0xF7A, s2;
	p2 =	seq.s32 @!p0 s5, $0x0  }
0x1f: {  	s9 =	smul.u32 $0xF7A, s1;
	s8 =	simm.s32 @!p0 $0x1BF5;
	p2 =	por !p2, p0  }
0x20: {  	[sflag:s8] =	ssyncset.s32 @!p0 $0xFFFFF086;
	s6 =	sadd.s32 @!p0 s3, s7;
	s7 =	simm.s32 @!p0 $0x108  }
0x21: {  	s3 =	sadd.s32 s3, s9;
	s6 =	sadd.s32 @!p0 $0x88, s6;
	s7 =	simm.s32 @p2 $0x1082  }
0x22: {  	[simem:s7], [sflag:s8] =	dma.local @!p0 [hbm:s6], $0xF7A  }
0x23: {  	s9 =	sor.u32 $0xD0000000, s2;
	s6 =	simm.s32 $0x108;
	_ =	swait.ge @!p0 [sflag:s8], $0x0  }
0x24: {  	s3 =	sadd.s32 $0x88, s3;
	s6 =	simm.s32 @!p1 $0x1082;
	[sflag:s4] =	ssyncset.s32 $0xFFFFF086  }
0x25: {  	[simem:s6], [sflag:s4] =	dma.local [hbm:s3], $0xF7A  }
0x26: {  	[smem:$0x3F7B] =	sst s1;
	(tag) =	ssettag s2;
	_ =	strace s9  }
0x27: {  	s1 =	sld [smem:$0x3F8B]  }
0x28: {  	s2 =	sld [smem:$0x3F8C]  }
0x29: {  	s4 =	sld [smem:$0x3F8E]  }
0x2a: {  	p0 =	seq.s32 s5, $0x0;
	s5 =	sld [smem:$0x3F8F]  }
0x2b: {  	s6 =	sld [smem:$0x3F90]  }
0x2c: {  	s7 =	sld [smem:$0x3F91]  }
0x2d: {  	s3 =	simm.s32 $0x108;
	s8 =	sld [smem:$0x3F92]  }
0x2e: {  	s3 =	simm.s32 @!p0 $0x1082;
	s9 =	sld [smem:$0x3F93]  }
0x2f: {  	lr =	sadd.s32 s0, s3;
	s0 =	sld [smem:$0x3F8A]  }
0x30: {  	s3 =	sld [smem:$0x3F8D]  }
0x31: {  	[smem:$0x3F96] =	sst s10  }
0x32: {  	s10 =	sld [smem:$0x3F94];
	_ =	sdelay $0x3  }
0x33: {  	p0 =	seq.s32 s10, $0x1;
	s10 =	sld [smem:$0x3F96];
	_ =	sdelay $0x3  }
0x34: {  	[smem:$0x3F96] =	sst s10  }
0x35: {  	s10 =	sld [smem:$0x3F95];
	_ =	sdelay $0x3  }
0x36: {  	p1 =	seq.s32 s10, $0x1;
	s10 =	sld [smem:$0x3F96];
	_ =	sdelay $0x3  }
0x37: {  	[smem:$0x3F96] =	sst s10  }
0x38: {  	s10 =	sld [smem:$0x3F97]  }
0x39: {  	_ = 	snop;
	(pc) =	sbr.ind lr, $3  }
0x3a: {  	_ = 	snop  }
0x3b: {  	_ = 	snop  }
0x3c: {  	p2 =	seq.s32 s10, $0x1;
	s10 =	sld [smem:$0x3F96]  }
0x3d: {  	_ =	shalt  }
0x3e: {  	_ =	shalt  }
0x3f: {  	_ =	shalt  }
0x40: {  	_ =	shalt  }
0x41: {  	_ =	shalt  }
0x42: {  	_ =	shalt  }
0x43: {  	_ =	shalt  }
0x44: {  	_ =	shalt  }
0x45: {  	_ =	shalt  }
0x46: {  	_ =	shalt  }
0x47: {  	_ =	shalt  }
0x48: {  	_ =	shalt  }
0x49: {  	_ =	shalt  }
0x4a: {  	_ =	shalt  }
0x4b: {  	_ =	shalt  }
0x4c: {  	_ =	shalt  }
0x4d: {  	_ =	shalt  }
0x4e: {  	_ =	shalt  }
0x4f: {  	_ =	shalt  }
0x50: {  	_ =	shalt  }
0x51: {  	_ =	shalt  }
0x52: {  	_ =	shalt  }
0x53: {  	_ =	shalt  }
0x54: {  	_ =	shalt  }
0x55: {  	_ =	shalt  }
0x56: {  	_ =	shalt  }
0x57: {  	_ =	shalt  }
0x58: {  	_ =	shalt  }
0x59: {  	_ =	shalt  }
0x5a: {  	_ =	shalt  }
0x5b: {  	_ =	shalt  }
0x5c: {  	_ =	shalt  }
0x5d: {  	_ =	shalt  }
0x5e: {  	_ =	shalt  }
0x5f: {  	_ =	shalt  }
0x60: {  	_ =	shalt  }
0x61: {  	_ =	shalt  }
0x62: {  	_ =	shalt  }
0x63: {  	_ =	shalt  }
0x64: {  	_ =	shalt  }
0x65: {  	_ =	shalt  }
0x66: {  	_ =	shalt  }
0x67: {  	_ =	shalt  }
0x68: {  	_ =	shalt  }
0x69: {  	_ =	shalt  }
0x6a: {  	_ =	shalt  }
0x6b: {  	_ =	shalt  }
0x6c: {  	_ =	shalt  }
0x6d: {  	_ =	shalt  }
0x6e: {  	_ =	shalt  }
0x6f: {  	_ =	shalt  }
0x70: {  	_ =	shalt  }
0x71: {  	_ =	shalt  }
0x72: {  	_ =	shalt  }
0x73: {  	_ =	shalt  }
0x74: {  	_ =	shalt  }
0x75: {  	_ =	shalt  }
0x76: {  	_ =	shalt  }
0x77: {  	_ =	shalt  }
0x78: {  	_ =	shalt  }
0x79: {  	_ =	shalt  }
0x7a: {  	_ =	shalt  }
0x7b: {  	_ =	shalt  }
0x7c: {  	_ =	shalt  }
0x7d: {  	_ =	shalt  }
0x7e: {  	_ =	shalt  }
0x7f: {  	_ =	shalt  }
0x80: {  	_ =	shalt  }
0x81: {  	_ =	shalt  }
0x82: {  	_ =	shalt  }
0x83: {  	_ =	shalt  }
0x84: {  	_ =	shalt  }
0x85: {  	_ =	shalt  }
0x86: {  	_ =	shalt  }
0x87: {  	_ =	shalt  }
.Lfunc_end0:
.L_simem_size_0:
called_computation.2_lowered:
.L_overlay_start_0:
0x88: {  	s2 =	sld [smem:$0x3FD9]  }
0x89: {  	s3 =	sld [smem:$0x3FFE];
	_ =	sdelay $0x1  }
0x8a: {  	s1 =	srdreg.scid  }
0x8b: {  	s0 =	sand.u32 $0x1, s1  }
0x8c: {  	s16 =	sshll.u32 s0, $0xA;
	s2 =	sadd.s32 s3, s2  }
0x8d: {  	s2 =	sadd.s32 s2, s16  }
0x8e: {  	[smem:$0x3FA2] =	sst s2  }
0x8f: {  	_ = 	snop  }
0x90: {  	(tm) =	ssettm $0x1  }
0x91: {  	s17 =	sld [smem:$0x3FFB];
	_ =	sdelay $0x3  }
0x92: {  	_ =	strace s17  }
0x93: {  	s2 =	sld [smem:$0x3FFC];
	_ =	sdelay $0x3  }
0x94: {  	_ =	strace s2  }
0x95: {  	s2 =	sld [smem:$0x3FFD];
	_ =	sdelay $0x3  }
0x96: {  	_ =	strace s2  }
0x97: {  	_ =	strace $0x8FFFFFFF  }
0x98: {  	s18 =	sld [smem:$0x3FDB];
	_ =	sdelay $0x1  }
0x99: {  	s19 =	simm.s32 $_scs_section_size  }
0x9a: {  	s4 =	simm.s32 $_size__tile_overlayer_lowered;
	s5 =	simm.s32 $_tile_overlayer_lowered  }
0x9b: {  	s22 =	simm.s32 $0x1BFF;
	s21 =	sshll.u32 s5, $0x1;
	s2 =	sadd.s32 s19, s18  }
0x9c: {  	s6 =	simm.s32 $0x0;
	s20 =	sshll.u32 s4, $0x1;
	s4 =	sadd.s32 s21, s2  }
0x9d: {  	[timem:s6], [sflag:s22] =	dma.local [hbm:s4], s20  }
0x9e: {  	_ =	swait.ge [sflag:s22], s20  }
0x9f: {  	s3 =	ssub.s32 $0x0, s20;
	[sflag:s22] =	ssyncset.done $0x0  }
0xa0: {  	[sflag:s22] =	ssyncadd.s32 s3;
	_ =	sdelay $0x1  }
0xa1: {  	s23 =	simm.s32 $0x1B8B  }
0xa2: {  	_ =	swait.ge [sflag:s23], $0x1  }
0xa3: {  	[sflag:s23] =	ssyncset.done $0x0  }
0xa4: {  	s25 =	simm.s32 $0x1B8E;
	s24 =	sld [smem:$0x3FFE];
	[sflag:s23] =	ssyncadd.s32 $0xFFFFFFFF  }
0xa5: {  	s26 =	simm.s32 $execute0_lowered;
	[smem:$0x3FD2] =	sst s25  }
0xa6: {  	s4 =	sshll.u32 s26, $0x1;
	_ =	strace $0x8000004C;
	[dreg:$0x1] =	wrdreg $0xFFFFFFFF  }
0xa7: {  	s28 =	simm.s32 $_size_execute0_lowered;
	s2 =	sadd.s32 s2, s4;
	[dreg:$0x0] =	wrdreg $0x0  }
0xa8: {  	s4 =	sshll.u32 s28, $0x1;
	[dreg:$0x2] =	wrdreg s2  }
0xa9: {  	[dreg:$0x3] =	wrdreg s4  }
0xaa: {  	[dreg:$0x4] =	wrdreg $0xC0  }
0xab: {  	_ =	task [dreg:s6], $0x5FFFF  }
0xac: {  	[dreg:$0x1] =	wrdreg $0xFFFFFFFF  }
0xad: {  	[dreg:$0x0] =	wrdreg $0x60  }
0xae: {  	[dreg:$0x2] =	wrdreg s24  }
0xaf: {  	[dreg:$0x3] =	wrdreg $0x90000  }
0xb0: {  	[dreg:$0x4] =	wrdreg $0x9  }
0xb1: {  	_ =	task.clear_ibuf [dreg:s6], $0x5FFFF;
	_ =	strace $0x9000004C  }
0xb2: {  	s29 =	simm.s32 $0x9;
	_ =	strace $0x8000004E  }
0xb3: {  	_ =	swait.ge [sflag:s29], $0x1  }
0xb4: {  	[sflag:s29] =	ssyncadd.s32 $0xFFFFFFFF  }
0xb5: {  	_ =	strace $0x9000004E  }
0xb6: {  	_ =	sfence  }
0xb7: {  	s30 =	sld [smem:$0x0];
	_ =	sdelay $0x2  }
0xb8: {  	s31 =	sshll.u32 s1, $0xD;
	s1 =	sshrl.u32 s1, $0x2  }
0xb9: {  	s3 =	sand.u32 $0x4000, s31;
	s1 =	sadd.s32 s1, s30  }
0xba: {  	s0 =	sor.u32 s3, s0;
	s1 =	sshll.u32 s1, $0x11  }
0xbb: {  	s0 =	sor.u32 s1, s0  }
0xbc: {  	s0 =	sadd.s32 $0x8F2B, s0  }
0xbd: {  	[sflag:s0] =	ssyncadd.remote.s32 $0x1  }
0xbe: {  	_ =	sfence.sel $0xFFFF  }
0xbf: {  	[dreg:$0x0] =	wrdreg $0xFFFFFFFF;
	(pc) =	sbr.abs _section_cstart, $3  }
0xc0: {  	[dreg:$0x1] =	wrdreg $0xFFFFFFFF  }
0xc1: {  	_ =	task.clear_ibuf [dreg:s6], $0x2FFFF;
	_ =	strace $0x9FFFFFFF  }
0xc2: {  	(tm) =	ssettm $0x7FFFFFFF  }
0xc3: {  	_ =	shalt  }
tec
execute0_lowered:
.L_overlay_start_1:
0x0: {  	(tag) =	ssettag $0x1  }
0x1: {  	s0 =	rddreg [dreg:$0x0]  }
0x2: {  	s2 =	rddreg [dreg:$0x1];
	s3 =	simm.s32 $0x0;
	s1 =	srdreg.scid  }
0x3: {  	s8 =	stileid.u32;
	s31 =	simm.s32 $0x8400;
	s11 =	simm.s32 $0x8500  }
0x4: {  	s15 =	simm.s32 $0x8C80;
	s16 =	simm.s32 $0x8580;
	s17 =	simm.s32 $0x8D00  }
0x5: {  	s28 =	simm.s32 $0x8F00;
	s29 =	simm.s32 $0x8F80;
	s4 =	smul.u32 $0x90, s8  }
0x6: {  	s1 =	sand.u32 $0x1, s1;
	s5 =	sshll.u32 s8, $0x4;
	s6 =	smul.u32 $0x280, s8  }
0x7: {  	[smem:$0x7FF] =	sst s3;
	s8 =	smul.u32 $0x50000, s8;
	s9 =	sadd.s32 $0x1AC00, s0  }
0x8: {  	p0 =	seq.s32 s1, $0x0;
	s5 =	sor.u32 $0x900, s5;
	_ =	strace $0x8000004D  }
0x9: {  	s7 =	smul.u32 $0x2800, s1;
	[dreg:$0x3] =	wrdreg s9;
	s18 =	ssub.s32 $0x2, s1  }
0xa: {  	s5 =	smov.u32 @p0 s4;
	s4 =	sadd.s32 $0x1B400, s0;
	s19 =	sshrl.u32 s18, $0x1  }
0xb: {  	s8 =	sshrl.u32 s8, $0x2;
	p0 =	sne.s32 s1, $0x0;
	s1 =	simm.s32 $0x8480  }
0xc: {  	s5 =	sshll.u32 s5, $0x4;
	s20 =	ssub.s32 s18, s19;
	s8 =	sadd.s32 s8, s2  }
0xd: {  	s6 =	sadd.s32 s6, s7;
	s25 =	smax.u32 s20, $0x1;
	[dreg:$0x4] =	wrdreg s8  }
0xe: {  	s19 =	simm.s32 $0x3;
	s9 =	sadd.s32 $0x4000, s8;
	[dreg:$0xe] =	wrdreg s25  }
0xf: {  	s18 =	simm.s32 $0x8600;
	s10 =	sadd.s32 $0x8000, s8;
	[dreg:$0x5] =	wrdreg s9  }
0x10: {  	s7 =	simm.s32 $0x8D80;
	s13 =	sadd.s32 $0xC000, s8;
	[dreg:$0x6] =	wrdreg s10  }
0x11: {  	s5 =	sadd.s32 s5, s0;
	s14 =	sadd.s32 $0x10000, s8;
	[dreg:$0x7] =	wrdreg s13  }
0x12: {  	s6 =	sshll.u32 s6, $0x4;
	s26 =	sadd.s32 $0x6C00, s5;
	[dreg:$0x8] =	wrdreg s14  }
0x13: {  	s0 =	sadd.s32 s6, s0;
	s30 =	sadd.s32 $0x10C00, s5;
	[dreg:$0xf] =	wrdreg s26  }
0x14: {  	s20 =	simm.s32 $0x2;
	s21 =	sadd.s32 $0x42600, s0;
	[dreg:$0x10] =	wrdreg s30  }
0x15: {  	s5 =	simm.s32 $0x8C00;
	s22 =	sadd.s32 $0x42E00, s0;
	[dreg:$0x9] =	wrdreg s21  }
0x16: {  	s6 =	simm.s32 $0x8E80;
	s23 =	sadd.s32 $0x43600, s0;
	[dreg:$0xa] =	wrdreg s22  }
0x17: {  	s25 =	simm.s32 $0x8780;
	s24 =	sadd.s32 $0x43E00, s0;
	[dreg:$0xb] =	wrdreg s23  }
0x18: {  	s0 =	sadd.s32 $0x44600, s0;
	s26 =	simm.s32 $0x4000;
	[dreg:$0xc] =	wrdreg s24  }
0x19: {  	[dreg:$0xd] =	wrdreg s0;
	s21 =	simm.s32 $0x8000;
	s22 =	simm.s32 $0x8800  }
0x1a: {  	s23 =	simm.s32 $0x80;
	s24 =	simm.s32 $0x1;
	s0 =	simm.s32 $0x0  }
.LBB2_1:
0x1b: {  	[dreg:$0x11] =	wrdreg s0  }
0x1c: {  	s12 =	rddreg [dreg:$0x3]  }
0x1d: {  	[tilespmem:s3], [sflag:$0x3] =	stream.linear.gather [hbm4b:s12+s3], $0x4000, $0x38;
	[tilespmem:$0x1D000] =	vst v63  }
0x1e: {  	_ =	swait.ge [sflag:s19], $0x4000  }
0x1f: {  	[sflag:s19] =	ssyncset.done $0x0  }
0x20: {  	[sflag:s19] =	ssyncadd.s32 $0xFFFFC000  }
0x21: {  	[spmem:s8] =	stream.linear.scatter [tilespmem:s3], [sflag:$0x2], $0x4000, $0x38;
	[tilespmem:$0x1D000] =	vst v63  }
0x22: {  	_ = 	snop  }
0x23: {  	[spmem:s9] =	stream.linear.scatter [tilespmem:s3], [sflag:$0x2], $0x4000, $0x38;
	[tilespmem:$0x1D000] =	vst v63  }
0x24: {  	_ = 	snop  }
0x25: {  	[spmem:s10] =	stream.linear.scatter [tilespmem:s3], [sflag:$0x2], $0x4000, $0x38;
	[tilespmem:$0x1D000] =	vst v63  }
0x26: {  	_ = 	snop  }
0x27: {  	[spmem:s13] =	stream.linear.scatter [tilespmem:s3], [sflag:$0x2], $0x4000, $0x38;
	[tilespmem:$0x1D000] =	vst v63  }
0x28: {  	s30 =	smov.u32 s14  }
0x29: {  	[spmem:s30] =	stream.linear.scatter [tilespmem:s3], [sflag:$0x2], $0x4000, $0x38;
	[tilespmem:$0x1D000] =	vst v63  }
0x2a: {  	_ =	swait.ge [sflag:s20], $0x4000  }
0x2b: {  	[sflag:s20] =	ssyncset.done $0x0  }
0x2c: {  	[sflag:s20] =	ssyncadd.s32 $0xFFFFC000  }
0x2d: {  	_ =	swait.ge [sflag:s20], $0x4000  }
0x2e: {  	[sflag:s20] =	ssyncset.done $0x0  }
0x2f: {  	[sflag:s20] =	ssyncadd.s32 $0xFFFFC000  }
0x30: {  	_ =	swait.ge [sflag:s20], $0x4000  }
0x31: {  	[sflag:s20] =	ssyncset.done $0x0  }
0x32: {  	[sflag:s20] =	ssyncadd.s32 $0xFFFFC000  }
0x33: {  	_ =	swait.ge [sflag:s20], $0x4000  }
0x34: {  	[sflag:s20] =	ssyncset.done $0x0  }
0x35: {  	[sflag:s20] =	ssyncadd.s32 $0xFFFFC000  }
0x36: {  	_ =	swait.ge [sflag:s20], $0x4000  }
0x37: {  	[sflag:s20] =	ssyncset.done $0x0  }
0x38: {  	[sflag:s20] =	ssyncadd.s32 $0xFFFFC000  }
0x39: {  	s14 =	simm.s32 $0x0;
	[bflag:$0x0] =	sbarrier.arrive $0xFFFF  }
0x3a: {  	s0 =	simm.s32 $0x8B80;
	s8 =	simm.s32 $0x8680;
	s12 =	rddreg [dreg:$0x10]  }
0x3b: {  	s9 =	simm.s32 $0x8E00;
	s10 =	simm.s32 $0x8700;
	s13 =	rddreg [dreg:$0xf]  }
.LBB2_2:
0x3c: {  	[tilespmem:s21], [sflag:$0x3] =	stream.linear.gather [hbm4b:s12+s3], $0x800, $0x38;
	[tilespmem:$0x1D000] =	vst v63  }
0x3d: {  	_ =	swait.ge [sflag:s19], $0x800  }
0x3e: {  	[sflag:s19] =	ssyncset.done $0x0  }
0x3f: {  	[sflag:s19] =	ssyncadd.s32 $0xFFFFF800  }
0x40: {  	[tilespmem:s22], [sflag:$0x3] =	stream.linear.gather [hbm4b:s13+s3], $0x800, $0x38;
	[tilespmem:$0x1D000] =	vst v63  }
0x41: {  	_ =	swait.ge [sflag:s19], $0x800  }
0x42: {  	[sflag:s19] =	ssyncset.done $0x0  }
0x43: {  	[sflag:s19] =	ssyncadd.s32 $0xFFFFF800  }
0x44: {  	[tilespmem:s3], [sflag:$0x1] =	stream.indirect.gather [hbm4b:s4+s23], $0x80, s21, s23, $0xb8;
	[tilespmem:$0x1D000] =	vst v63  }
0x45: {  	_ =	swait.ge [sflag:s24], $0x4000  }
0x46: {  	[sflag:s24] =	ssyncset.done $0x0  }
0x47: {  	s30 =	simm.s32 $0x8080;
	[sflag:s24] =	ssyncadd.s32 $0xFFFFC000  }
0x48: {  	[tilespmem:s26], [sflag:$0x1] =	stream.indirect.gather [hbm4b:s4+s23], $0x80, s30, s23, $0xb8;
	[tilespmem:$0x1D000] =	vst v63  }
0x49: {  	_ = 	snop  }
0x4a: {  	[spmem:s2] =	stream.indirect.scatter.add.f32 [tilespmem:s3], [sflag:$0x2], $0x80, s22, s23, $0xb8;
	[tilespmem:$0x1D000] =	vst v63  }
0x4b: {  	_ =	swait.ge [sflag:s24], $0x4000  }
0x4c: {  	[sflag:s24] =	ssyncset.done $0x0  }
0x4d: {  	[sflag:s24] =	ssyncadd.s32 $0xFFFFC000  }
0x4e: {  	_ =	swait.ge [sflag:s20], $0x4000  }
0x4f: {  	[sflag:s20] =	ssyncset.done $0x0  }
0x50: {  	s30 =	simm.s32 $0x8100;
	[sflag:s20] =	ssyncadd.s32 $0xFFFFC000  }
0x51: {  	[tilespmem:s3], [sflag:$0x1] =	stream.indirect.gather [hbm4b:s4+s23], $0x80, s30, s23, $0xb8;
	[tilespmem:$0x1D000] =	vst v63  }
0x52: {  	s30 =	simm.s32 $0x8880  }
0x53: {  	[spmem:s2] =	stream.indirect.scatter.add.f32 [tilespmem:s26], [sflag:$0x2], $0x80, s30, s23, $0xb8;
	[tilespmem:$0x1D000] =	vst v63  }
0x54: {  	_ =	swait.ge [sflag:s24], $0x4000  }
0x55: {  	[sflag:s24] =	ssyncset.done $0x0  }
0x56: {  	[sflag:s24] =	ssyncadd.s32 $0xFFFFC000  }
0x57: {  	_ =	swait.ge [sflag:s20], $0x4000  }
0x58: {  	[sflag:s20] =	ssyncset.done $0x0  }
0x59: {  	s30 =	simm.s32 $0x8180;
	[sflag:s20] =	ssyncadd.s32 $0xFFFFC000  }
0x5a: {  	[tilespmem:s26], [sflag:$0x1] =	stream.indirect.gather [hbm4b:s4+s23], $0x80, s30, s23, $0xb8;
	[tilespmem:$0x1D000] =	vst v63  }
0x5b: {  	s30 =	simm.s32 $0x8900  }
0x5c: {  	[spmem:s2] =	stream.indirect.scatter.add.f32 [tilespmem:s3], [sflag:$0x2], $0x80, s30, s23, $0xb8;
	[tilespmem:$0x1D000] =	vst v63  }
0x5d: {  	_ =	swait.ge [sflag:s24], $0x4000  }
0x5e: {  	[sflag:s24] =	ssyncset.done $0x0  }
0x5f: {  	[sflag:s24] =	ssyncadd.s32 $0xFFFFC000  }
0x60: {  	_ =	swait.ge [sflag:s20], $0x4000  }
0x61: {  	[sflag:s20] =	ssyncset.done $0x0  }
0x62: {  	s30 =	simm.s32 $0x8200;
	[sflag:s20] =	ssyncadd.s32 $0xFFFFC000  }
0x63: {  	[tilespmem:s3], [sflag:$0x1] =	stream.indirect.gather [hbm4b:s4+s23], $0x80, s30, s23, $0xb8;
	[tilespmem:$0x1D000] =	vst v63  }
0x64: {  	s30 =	simm.s32 $0x8980  }
0x65: {  	[spmem:s2] =	stream.indirect.scatter.add.f32 [tilespmem:s26], [sflag:$0x2], $0x80, s30, s23, $0xb8;
	[tilespmem:$0x1D000] =	vst v63  }
0x66: {  	_ =	swait.ge [sflag:s24], $0x4000  }
0x67: {  	[sflag:s24] =	ssyncset.done $0x0  }
0x68: {  	[sflag:s24] =	ssyncadd.s32 $0xFFFFC000  }
0x69: {  	_ =	swait.ge [sflag:s20], $0x4000  }
0x6a: {  	[sflag:s20] =	ssyncset.done $0x0  }
0x6b: {  	s30 =	simm.s32 $0x8280;
	[sflag:s20] =	ssyncadd.s32 $0xFFFFC000  }
0x6c: {  	[tilespmem:s26], [sflag:$0x1] =	stream.indirect.gather [hbm4b:s4+s23], $0x80, s30, s23, $0xb8;
	[tilespmem:$0x1D000] =	vst v63  }
0x6d: {  	s30 =	simm.s32 $0x8A00  }
0x6e: {  	[spmem:s2] =	stream.indirect.scatter.add.f32 [tilespmem:s3], [sflag:$0x2], $0x80, s30, s23, $0xb8;
	[tilespmem:$0x1D000] =	vst v63  }
0x6f: {  	_ =	swait.ge [sflag:s24], $0x4000  }
0x70: {  	[sflag:s24] =	ssyncset.done $0x0  }
0x71: {  	[sflag:s24] =	ssyncadd.s32 $0xFFFFC000  }
0x72: {  	_ =	swait.ge [sflag:s20], $0x4000  }
0x73: {  	[sflag:s20] =	ssyncset.done $0x0  }
0x74: {  	s30 =	simm.s32 $0x8300;
	[sflag:s20] =	ssyncadd.s32 $0xFFFFC000  }
0x75: {  	[tilespmem:s3], [sflag:$0x1] =	stream.indirect.gather [hbm4b:s4+s23], $0x80, s30, s23, $0xb8;
	[tilespmem:$0x1D000] =	vst v63  }
0x76: {  	s30 =	simm.s32 $0x8A80  }
0x77: {  	[spmem:s2] =	stream.indirect.scatter.add.f32 [tilespmem:s26], [sflag:$0x2], $0x80, s30, s23, $0xb8;
	[tilespmem:$0x1D000] =	vst v63  }
0x78: {  	_ =	swait.ge [sflag:s24], $0x4000  }
0x79: {  	[sflag:s24] =	ssyncset.done $0x0  }
0x7a: {  	[sflag:s24] =	ssyncadd.s32 $0xFFFFC000  }
0x7b: {  	_ =	swait.ge [sflag:s20], $0x4000  }
0x7c: {  	[sflag:s20] =	ssyncset.done $0x0  }
0x7d: {  	s30 =	simm.s32 $0x8380;
	[sflag:s20] =	ssyncadd.s32 $0xFFFFC000  }
0x7e: {  	[tilespmem:s26], [sflag:$0x1] =	stream.indirect.gather [hbm4b:s4+s23], $0x80, s30, s23, $0xb8;
	[tilespmem:$0x1D000] =	vst v63  }
0x7f: {  	s30 =	simm.s32 $0x8B00  }
0x80: {  	[spmem:s2] =	stream.indirect.scatter.add.f32 [tilespmem:s3], [sflag:$0x2], $0x80, s30, s23, $0xb8;
	[tilespmem:$0x1D000] =	vst v63  }
0x81: {  	_ =	swait.ge [sflag:s24], $0x4000  }
0x82: {  	[sflag:s24] =	ssyncset.done $0x0  }
0x83: {  	[sflag:s24] =	ssyncadd.s32 $0xFFFFC000  }
0x84: {  	_ =	swait.ge [sflag:s20], $0x4000  }
0x85: {  	[sflag:s20] =	ssyncset.done $0x0  }
0x86: {  	[sflag:s20] =	ssyncadd.s32 $0xFFFFC000  }
0x87: {  	[tilespmem:s3], [sflag:$0x1] =	stream.indirect.gather [hbm4b:s4+s23], $0x80, s31, s23, $0xb8;
	[tilespmem:$0x1D000] =	vst v63  }
0x88: {  	_ = 	snop  }
0x89: {  	[spmem:s2] =	stream.indirect.scatter.add.f32 [tilespmem:s26], [sflag:$0x2], $0x80, s0, s23, $0xb8;
	[tilespmem:$0x1D000] =	vst v63  }
0x8a: {  	_ =	swait.ge [sflag:s24], $0x4000  }
0x8b: {  	[sflag:s24] =	ssyncset.done $0x0  }
0x8c: {  	[sflag:s24] =	ssyncadd.s32 $0xFFFFC000  }
0x8d: {  	_ =	swait.ge [sflag:s20], $0x4000  }
0x8e: {  	[sflag:s20] =	ssyncset.done $0x0  }
0x8f: {  	[sflag:s20] =	ssyncadd.s32 $0xFFFFC000  }
0x90: {  	[tilespmem:s26], [sflag:$0x1] =	stream.indirect.gather [hbm4b:s4+s23], $0x80, s1, s23, $0xb8;
	[tilespmem:$0x1D000] =	vst v63  }
0x91: {  	_ = 	snop  }
0x92: {  	[spmem:s2] =	stream.indirect.scatter.add.f32 [tilespmem:s3], [sflag:$0x2], $0x80, s5, s23, $0xb8;
	[tilespmem:$0x1D000] =	vst v63  }
0x93: {  	_ =	swait.ge [sflag:s24], $0x4000  }
0x94: {  	[sflag:s24] =	ssyncset.done $0x0  }
0x95: {  	[sflag:s24] =	ssyncadd.s32 $0xFFFFC000  }
0x96: {  	_ =	swait.ge [sflag:s20], $0x4000  }
0x97: {  	[sflag:s20] =	ssyncset.done $0x0  }
0x98: {  	[sflag:s20] =	ssyncadd.s32 $0xFFFFC000  }
0x99: {  	[tilespmem:s3], [sflag:$0x1] =	stream.indirect.gather [hbm4b:s4+s23], $0x80, s11, s23, $0xb8;
	[tilespmem:$0x1D000] =	vst v63  }
0x9a: {  	_ = 	snop  }
0x9b: {  	[spmem:s2] =	stream.indirect.scatter.add.f32 [tilespmem:s26], [sflag:$0x2], $0x80, s15, s23, $0xb8;
	[tilespmem:$0x1D000] =	vst v63  }
0x9c: {  	_ =	swait.ge [sflag:s24], $0x4000  }
0x9d: {  	[sflag:s24] =	ssyncset.done $0x0  }
0x9e: {  	[sflag:s24] =	ssyncadd.s32 $0xFFFFC000  }
0x9f: {  	_ =	swait.ge [sflag:s20], $0x4000  }
0xa0: {  	[sflag:s20] =	ssyncset.done $0x0  }
0xa1: {  	[sflag:s20] =	ssyncadd.s32 $0xFFFFC000  }
0xa2: {  	[tilespmem:s26], [sflag:$0x1] =	stream.indirect.gather [hbm4b:s4+s23], $0x80, s16, s23, $0xb8;
	[tilespmem:$0x1D000] =	vst v63  }
0xa3: {  	_ = 	snop  }
0xa4: {  	[spmem:s2] =	stream.indirect.scatter.add.f32 [tilespmem:s3], [sflag:$0x2], $0x80, s17, s23, $0xb8;
	[tilespmem:$0x1D000] =	vst v63  }
0xa5: {  	_ =	swait.ge [sflag:s24], $0x4000  }
0xa6: {  	[sflag:s24] =	ssyncset.done $0x0  }
0xa7: {  	[sflag:s24] =	ssyncadd.s32 $0xFFFFC000  }
0xa8: {  	_ =	swait.ge [sflag:s20], $0x4000  }
0xa9: {  	[sflag:s20] =	ssyncset.done $0x0  }
0xaa: {  	[sflag:s20] =	ssyncadd.s32 $0xFFFFC000  }
0xab: {  	[tilespmem:s3], [sflag:$0x1] =	stream.indirect.gather [hbm4b:s4+s23], $0x80, s18, s23, $0xb8;
	[tilespmem:$0x1D000] =	vst v63  }
0xac: {  	_ = 	snop  }
0xad: {  	[spmem:s2] =	stream.indirect.scatter.add.f32 [tilespmem:s26], [sflag:$0x2], $0x80, s7, s23, $0xb8;
	[tilespmem:$0x1D000] =	vst v63  }
0xae: {  	_ =	swait.ge [sflag:s24], $0x4000  }
0xaf: {  	[sflag:s24] =	ssyncset.done $0x0  }
0xb0: {  	[sflag:s24] =	ssyncadd.s32 $0xFFFFC000  }
0xb1: {  	_ =	swait.ge [sflag:s20], $0x4000  }
0xb2: {  	[sflag:s20] =	ssyncset.done $0x0  }
0xb3: {  	[sflag:s20] =	ssyncadd.s32 $0xFFFFC000  }
0xb4: {  	[tilespmem:s26], [sflag:$0x1] =	stream.indirect.gather [hbm4b:s4+s23], $0x80, s8, s23, $0xb8;
	[tilespmem:$0x1D000] =	vst v63  }
0xb5: {  	_ = 	snop  }
0xb6: {  	[spmem:s2] =	stream.indirect.scatter.add.f32 [tilespmem:s3], [sflag:$0x2], $0x80, s9, s23, $0xb8;
	[tilespmem:$0x1D000] =	vst v63  }
0xb7: {  	_ =	swait.ge [sflag:s24], $0x4000  }
0xb8: {  	[sflag:s24] =	ssyncset.done $0x0  }
0xb9: {  	[sflag:s24] =	ssyncadd.s32 $0xFFFFC000  }
0xba: {  	_ =	swait.ge [sflag:s20], $0x4000  }
0xbb: {  	[sflag:s20] =	ssyncset.done $0x0  }
0xbc: {  	[sflag:s20] =	ssyncadd.s32 $0xFFFFC000  }
0xbd: {  	[tilespmem:s3], [sflag:$0x1] =	stream.indirect.gather [hbm4b:s4+s23], $0x80, s10, s23, $0xb8;
	[tilespmem:$0x1D000] =	vst v63  }
0xbe: {  	_ = 	snop  }
0xbf: {  	[spmem:s2] =	stream.indirect.scatter.add.f32 [tilespmem:s26], [sflag:$0x2], $0x80, s6, s23, $0xb8;
	[tilespmem:$0x1D000] =	vst v63  }
0xc0: {  	_ =	swait.ge [sflag:s24], $0x4000  }
0xc1: {  	[sflag:s24] =	ssyncset.done $0x0  }
0xc2: {  	[sflag:s24] =	ssyncadd.s32 $0xFFFFC000  }
0xc3: {  	_ =	swait.ge [sflag:s20], $0x4000  }
0xc4: {  	[sflag:s20] =	ssyncset.done $0x0  }
0xc5: {  	[sflag:s20] =	ssyncadd.s32 $0xFFFFC000  }
0xc6: {  	[tilespmem:s26], [sflag:$0x1] =	stream.indirect.gather [hbm4b:s4+s23], $0x80, s25, s23, $0xb8;
	[tilespmem:$0x1D000] =	vst v63  }
0xc7: {  	_ = 	snop  }
0xc8: {  	[spmem:s2] =	stream.indirect.scatter.add.f32 [tilespmem:s3], [sflag:$0x2], $0x80, s28, s23, $0xb8;
	[tilespmem:$0x1D000] =	vst v63  }
0xc9: {  	_ =	swait.ge [sflag:s24], $0x4000  }
0xca: {  	[sflag:s24] =	ssyncset.done $0x0  }
0xcb: {  	[sflag:s24] =	ssyncadd.s32 $0xFFFFC000  }
0xcc: {  	p1 =	slt.u32 @!p0 s14, $0x8;
	_ =	swait.ge [sflag:s20], $0x4000  }
0xcd: {  	p1 =	por p0, !p1;
	[sflag:s20] =	ssyncset.done $0x0  }
.Ltmp0:
0xce: {  	[sflag:s20] =	ssyncadd.s32 $0xFFFFC000;
	(pc) =	sbr.rel @!p1 .LBB2_2-.Ltmp0, $4  }
0xcf: {  	[spmem:s2] =	stream.indirect.scatter.add.f32 [tilespmem:s26], [sflag:$0x2], $0x80, s29, s23, $0xb8;
	[tilespmem:$0x1D000] =	vst v63  }
0xd0: {  	_ =	swait.ge [sflag:s20], $0x4000  }
0xd1: {  	s14 =	sadd.s32 $0x1, s14;
	[sflag:s20] =	ssyncset.done $0x0  }
0xd2: {  	s12 =	sadd.s32 $0x100, s12;
	s13 =	sadd.s32 $0x100, s13;
	[sflag:s20] =	ssyncadd.s32 $0xFFFFC000  }
0xd3: {  	[bflag:$0x0] =	sbarrier.arrive $0xFFFF  }
0xd4: {  	s8 =	rddreg [dreg:$0x4]  }
0xd5: {  	[tilespmem:s3], [sflag:$0x1] =	stream.linear.gather [spmem:s8], $0x4000, $0x38;
	[tilespmem:$0x1D000] =	vst v63  }
0xd6: {  	_ =	swait.ge [sflag:s24], $0x4000  }
0xd7: {  	[sflag:s24] =	ssyncset.done $0x0  }
0xd8: {  	s9 =	rddreg [dreg:$0x5];
	[sflag:s24] =	ssyncadd.s32 $0xFFFFC000  }
0xd9: {  	[tilespmem:s26], [sflag:$0x1] =	stream.linear.gather [spmem:s9], $0x4000, $0x38;
	[tilespmem:$0x1D000] =	vst v63  }
0xda: {  	s12 =	rddreg [dreg:$0x9]  }
0xdb: {  	[hbm4b:s12+s3] =	stream.linear.scatter [tilespmem:s3], [sflag:$0x2], $0x4000, $0x38;
	[tilespmem:$0x1D000] =	vst v63  }
0xdc: {  	_ =	swait.ge [sflag:s24], $0x4000  }
0xdd: {  	[sflag:s24] =	ssyncset.done $0x0  }
0xde: {  	[sflag:s24] =	ssyncadd.s32 $0xFFFFC000  }
0xdf: {  	_ =	swait.ge [sflag:s20], $0x4000  }
0xe0: {  	[sflag:s20] =	ssyncset.done $0x0  }
0xe1: {  	s10 =	rddreg [dreg:$0x6];
	[sflag:s20] =	ssyncadd.s32 $0xFFFFC000  }
0xe2: {  	[tilespmem:s3], [sflag:$0x1] =	stream.linear.gather [spmem:s10], $0x4000, $0x38;
	[tilespmem:$0x1D000] =	vst v63  }
0xe3: {  	s13 =	rddreg [dreg:$0xa]  }
0xe4: {  	[hbm4b:s13+s3] =	stream.linear.scatter [tilespmem:s26], [sflag:$0x2], $0x4000, $0x38;
	[tilespmem:$0x1D000] =	vst v63  }
0xe5: {  	_ =	swait.ge [sflag:s24], $0x4000  }
0xe6: {  	[sflag:s24] =	ssyncset.done $0x0  }
0xe7: {  	[sflag:s24] =	ssyncadd.s32 $0xFFFFC000  }
0xe8: {  	_ =	swait.ge [sflag:s20], $0x4000  }
0xe9: {  	[sflag:s20] =	ssyncset.done $0x0  }
0xea: {  	s13 =	rddreg [dreg:$0x7];
	[sflag:s20] =	ssyncadd.s32 $0xFFFFC000  }
0xeb: {  	[tilespmem:s26], [sflag:$0x1] =	stream.linear.gather [spmem:s13], $0x4000, $0x38;
	[tilespmem:$0x1D000] =	vst v63  }
0xec: {  	s14 =	rddreg [dreg:$0xb]  }
0xed: {  	[hbm4b:s14+s3] =	stream.linear.scatter [tilespmem:s3], [sflag:$0x2], $0x4000, $0x38;
	[tilespmem:$0x1D000] =	vst v63  }
0xee: {  	_ =	swait.ge [sflag:s24], $0x4000  }
0xef: {  	[sflag:s24] =	ssyncset.done $0x0  }
0xf0: {  	[sflag:s24] =	ssyncadd.s32 $0xFFFFC000  }
0xf1: {  	_ =	swait.ge [sflag:s20], $0x4000  }
0xf2: {  	[sflag:s20] =	ssyncset.done $0x0  }
0xf3: {  	s14 =	rddreg [dreg:$0x8];
	[sflag:s20] =	ssyncadd.s32 $0xFFFFC000  }
0xf4: {  	[tilespmem:s3], [sflag:$0x1] =	stream.linear.gather [spmem:s14], $0x4000, $0x38;
	[tilespmem:$0x1D000] =	vst v63  }
0xf5: {  	s30 =	rddreg [dreg:$0xc]  }
0xf6: {  	[hbm4b:s30+s3] =	stream.linear.scatter [tilespmem:s26], [sflag:$0x2], $0x4000, $0x38;
	[tilespmem:$0x1D000] =	vst v63  }
0xf7: {  	_ =	swait.ge [sflag:s24], $0x4000  }
0xf8: {  	[sflag:s24] =	ssyncset.done $0x0  }
0xf9: {  	s0 =	rddreg [dreg:$0xd];
	[sflag:s24] =	ssyncadd.s32 $0xFFFFC000  }
0xfa: {  	[hbm4b:s0+s3] =	stream.linear.scatter [tilespmem:s3], [sflag:$0x2], $0x4000, $0x38;
	[tilespmem:$0x1D000] =	vst v63  }
0xfb: {  	_ =	swait.ge [sflag:s20], $0x4000  }
0xfc: {  	[sflag:s20] =	ssyncset.done $0x0  }
0xfd: {  	[sflag:s20] =	ssyncadd.s32 $0xFFFFC000  }
0xfe: {  	_ =	swait.ge [sflag:s20], $0x4000  }
0xff: {  	s0 =	rddreg [dreg:$0x11]  }
0x100: {  	s30 =	rddreg [dreg:$0xe];
	s0 =	sadd.s32 $0x1, s0  }
0x101: {  	p1 =	sne.s32 s0, s30  }
.Ltmp1:
0x102: {  	_ = 	snop;
	(pc) =	sbr.rel @p1 .LBB2_1-.Ltmp1, $3  }
0x103: {  	_ =	sdelay $0x1  }
0x104: {  	[sflag:s20] =	ssyncset.done $0x0  }
0x105: {  	[sflag:s20] =	ssyncadd.s32 $0xFFFFC000  }
0x106: {  	_ =	sfence.sel $0x180000  }
0x107: {  	[bflag:$0x0] =	sbarrier.arrive $0xFFFF  }
0x108: {  	_ =	strace $0x9000004D  }
0x109: {  	s0 =	stileid.u32;
	[bflag:$0x2] =	sbarrier.arrive $0xFFFF  }
0x10a: {  	p0 =	sne.s32 s0, $0x0;
	s0 =	rddreg [dreg:$0x2]  }
0x10b: {  	s0 =	sadd.s32 @!p0 $0x100000, s0  }
0x10c: {  	[sflag:s0] =	ssyncadd.tile.s32 @!p0 $0x1;
	_ =	shalt  }
.Lfunc_end2:
_tile_overlayer_lowered:
.L_overlay_start_2:
0x10d: {  	(tag) =	ssettag $0x2  }
0x10e: {  	s0 =	rddreg [dreg:$0x0];
	s2 =	stileid.u32  }
0x10f: {  	s1 =	rddreg [dreg:$0x1];
	p0 =	sne.s32 s2, $0x0  }
0x110: {  	s3 =	rddreg [dreg:$0x2];
	[bflag:$0x3] =	sbarrier.arrive $0xFFFF;
	s2 =	simm.s32 @!p0 $0x1C03  }
0x111: {  	[timem:s3], [sflag:s2] =	dma.local @!p0 [hbm:s0], s1  }
0x112: {  	s0 =	simm.s32 @!p0 $0x3  }
0x113: {  	_ =	swait.ge @!p0 [sflag:s0], s1  }
0x114: {  	s1 =	ssub.s32 @!p0 $0x0, s1;
	[sflag:s0] =	ssyncset.done @!p0 $0x0  }
0x115: {  	[sflag:s0] =	ssyncadd.s32 @!p0 s1  }
0x116: {  	[bflag:$0x3] =	sbarrier.arrive $0xFFFF  }
0x117: {  	_ =	shalt  }

</sc_bundles>
